<compile_context>
chip_gen: v7x
topology: tpu7x:2x2x1
jax: 0.10.2.dev20260603
libtpu: 0.0.44.dev20260713+nightly
codegen_flags: <defaults>
</compile_context>

<pallas_src>
import functools

import jax
import jax.numpy as jnp
from jax import lax
from jax.experimental import pallas as pl
from jax.experimental.pallas import tpu as pltpu
from jax.experimental.pallas import tpu_sc as plsc

_N = 100000
_B = 1024
_D = 64
_BN = 2048
_NPAD = (-_N) % _BN
_T = 1.0


def _fused_body(x_ref, v_ref, out_ref, lz_ref, m_ref, s_ref):
    j = pl.program_id(0)
    nj = pl.num_programs(0)

    x = x_ref[...]
    v = v_ref[...]

    @pl.when(j == 0)
    def _init():
        xf = x.astype(jnp.float32)
        m_ref[...] = jnp.sqrt(jnp.sum(xf * xf, axis=1, keepdims=True))
        s_ref[...] = jnp.zeros_like(s_ref)

    block = jax.lax.dot_general(
        x, v, (((1,), (1,)), ((), ())),
        preferred_element_type=jnp.float32)
    if _T != 1.0:
        block = block * _T
    out_ref[...] = block.astype(jnp.bfloat16)

    m = m_ref[...]
    e = jnp.exp(block - m)
    s_ref[...] = s_ref[...] + jnp.sum(e, axis=1, keepdims=True)

    @pl.when(j == nj - 1)
    def _fin():
        s = s_ref[...] - _NPAD * jnp.exp(-m)
        logz = m + jnp.log(s)
        lz_ref[0, 0] = jnp.sum(logz)


def _fused_call(inputs_bf, v_bf_padded, interpret=False):
    grid = ((_N + _NPAD) // _BN,)
    return pl.pallas_call(
        _fused_body,
        grid=grid,
        in_specs=[
            pl.BlockSpec((_B, _D), lambda j: (0, 0)),
            pl.BlockSpec((_BN, _D), lambda j: (j, 0)),
        ],
        out_specs=[
            pl.BlockSpec((_B, _BN), lambda j: (0, j)),
            pl.BlockSpec(memory_space=pltpu.SMEM),
        ],
        out_shape=[
            jax.ShapeDtypeStruct((_B, _N), jnp.bfloat16),
            jax.ShapeDtypeStruct((1, 1), jnp.float32),
        ],
        scratch_shapes=[
            pltpu.VMEM((_B, 1), jnp.float32),
            pltpu.VMEM((_B, 1), jnp.float32),
        ],
        compiler_params=pltpu.CompilerParams(
            dimension_semantics=("arbitrary",)),
        interpret=interpret,
    )(inputs_bf, v_bf_padded)


def _make_ll_kernel():
    info = plsc.get_sparse_core_info()
    nc, ns, lanes = info.num_cores, info.num_subcores, info.num_lanes
    nw = nc * ns
    bpw = _B // nw
    nch = _D // lanes
    mesh = plsc.VectorSubcoreMesh(core_axis_name="c", subcore_axis_name="s")

    @functools.partial(
        pl.kernel, mesh=mesh,
        out_type=jax.ShapeDtypeStruct((nw, lanes), jnp.float32),
        scratch_types=[
            pltpu.VMEM((bpw,), jnp.int32),
            pltpu.VMEM((bpw,), jnp.int32),
            pltpu.VMEM((bpw, _D), jnp.float32),
            pltpu.VMEM((bpw, 2 * _D), jnp.float32),
            pltpu.VMEM((lanes,), jnp.float32),
            pltpu.SemaphoreType.DMA,
        ],
    )
    def _ll_kernel(x_hbm, t_hbm, v2_hbm, out_hbm,
                   t_v, idx_v, xrows_v, vrows_v, acc_v, sem):
        wid = lax.axis_index("s") * nc + lax.axis_index("c")
        base = wid * bpw
        pltpu.sync_copy(t_hbm.at[pl.ds(base, bpw)], t_v)
        pltpu.sync_copy(x_hbm.at[pl.ds(base, bpw)], xrows_v)
        for g in range(bpw // lanes):
            tg = t_v[pl.ds(g * lanes, lanes)]
            idx_v[pl.ds(g * lanes, lanes)] = lax.shift_right_logical(tg, 1)
        pltpu.async_copy(v2_hbm.at[idx_v], vrows_v, sem).wait()
        acc = jnp.zeros((lanes,), jnp.float32)
        for g in range(bpw // lanes):
            hg = (t_v[pl.ds(g * lanes, lanes)] & 1).astype(jnp.float32)
            for rl in range(lanes):
                r = g * lanes + rl
                hr = lax.squeeze(lax.slice(hg, (rl,), (rl + 1,)), (0,))
                for c in range(nch):
                    xc = xrows_v[r, pl.ds(c * lanes, lanes)]
                    acc = acc + xc * (
                        vrows_v[r, pl.ds(c * lanes, lanes)] * (1.0 - hr)
                        + vrows_v[r, pl.ds(_D + c * lanes, lanes)] * hr)
        acc_v[...] = acc
        pltpu.sync_copy(acc_v, out_hbm.at[wid])

    return _ll_kernel


def kernel(inputs, targets, V):
    v2 = V.reshape(_N // 2, 2 * _D)
    ll_parts = _make_ll_kernel()(inputs, targets.astype(jnp.int32), v2)
    v_bf = jnp.pad(V.astype(jnp.bfloat16), ((0, _NPAD), (0, 0)))
    out_bf, lz_sum = _fused_call(inputs.astype(jnp.bfloat16), v_bf)
    loss = (lz_sum[0, 0] - jnp.sum(ll_parts)) / _B
    return (loss, out_bf.astype(jnp.float32))

# --- scband reference (transcript-rebuilt; emitter-appended) ---
"""Pipeline reference for scband-ex-loss-8426725834993 (READ-ONLY COPY).

The authoritative reference and input builder live on the scoring server;
editing this copy changes nothing except your own understanding.
"""

import jax, jax.numpy as jnp
import numpy as np

NUM_CLASSES = 100000
NUM_FEATURES = 64
BATCH = 1024
T = 1.0

def setup_inputs(seed: int = 0) -> dict:
    key = jax.random.key(seed)
    k1, k2, k3 = jax.random.split(key, 3)
    inputs = jax.random.normal(k1, (BATCH, NUM_FEATURES), dtype=jnp.float32)
    targets = jax.random.randint(k2, (BATCH,), 0, NUM_CLASSES)
    # V is a registered buffer (memory bank). torch init is zeros, but we
    # materialize an L2-normalized random bank so the loss/grads are non-degenerate.
    V = jax.random.normal(k3, (NUM_CLASSES, NUM_FEATURES), dtype=jnp.float32)
    V = V / (jnp.linalg.norm(V, axis=1, keepdims=True) + 1e-12)
    return {"inputs": inputs, "targets": targets, "V": V}

def reference(inputs, targets, V):
    # Exclusive.forward: outputs = inputs.mm(V.t()); then scaled by t
    outputs = (inputs @ V.T) * T
    # F.cross_entropy(outputs, targets) with no class weights
    logz = jax.scipy.special.logsumexp(outputs, axis=1)
    ll = jnp.take_along_axis(outputs, targets[:, None].astype(jnp.int32), axis=1)[:, 0]
    loss = jnp.mean(logz - ll)
    return (loss, outputs)

if __name__ == "__main__":
    import jax
    _d = setup_inputs()
    print(jax.jit(kernel)(*tuple(_d.values())))

</pallas_src>

<mosaic_0001>
#map = affine_map<(d0, d1) -> (0, 0)>
#map1 = affine_map<(d0, d1) -> (0)>
module attributes {stable_mosaic.version = 14 : i64} {
  func.func @_ll_kernel(%arg0: i32, %arg1: i32, %arg2: memref<1024x64xf32, #tpu.memory_space<hbm>>, %arg3: memref<1024xi32, #tpu.memory_space<hbm>>, %arg4: memref<50000x128xf32, #tpu.memory_space<hbm>>, %arg5: memref<32x16xf32, #tpu.memory_space<hbm>>, %arg6: memref<32xi32, #tpu.memory_space<vmem>>, %arg7: memref<32xi32, #tpu.memory_space<vmem>>, %arg8: memref<32x64xf32, #tpu.memory_space<vmem>>, %arg9: memref<32x128xf32, #tpu.memory_space<vmem>>, %arg10: memref<16xf32, #tpu.memory_space<vmem>>, %arg11: memref<!tpu.dma_semaphore, #tpu.memory_space<semaphore_mem>>) attributes {dimension_semantics = [#tpu.dimension_semantics<core_parallel>, #tpu.dimension_semantics<subcore_parallel>], iteration_bounds = array<i64: 2, 16>, scalar_prefetch = 0 : i64, scratch_operands = 6 : i64, tpu.core_type = #tpu.core_type<sc_vector_subcore>, window_params = [{transform_indices = #map}, {transform_indices = #map1}, {transform_indices = #map}, {transform_indices = #map}]} {
    %mul3A = arith.constant 2 : i32
    %mul3A_0 = arith.muli %arg1, %mul3A : i32
    %add3A = arith.addi %mul3A_0, %arg0 : i32
    %mul3A_1 = arith.constant 32 : i32
    %mul3A_2 = arith.muli %add3A, %mul3A_1 : i32
    "tpu.region"() ({
      %run_scoped3A = tpu.sem_alloc : memref<!tpu.dma_semaphore, #tpu.memory_space<semaphore_mem>>
      %dma_start3A_3174 = tpu.memref_slice %arg3[%mul3A_2] : memref<1024xi32, #tpu.memory_space<hbm>> -> memref<32xi32, #tpu.memory_space<hbm>>
      %dma_start3A_3175 = tpu.memref_slice %arg3[%mul3A_2] : memref<1024xi32, #tpu.memory_space<hbm>> -> memref<32xi32, #tpu.memory_space<hbm>>
      tpu.enqueue_dma source(%dma_start3A_3175 : memref<32xi32, #tpu.memory_space<hbm>>) target(%arg6 : memref<32xi32, #tpu.memory_space<vmem>>) target_semaphore(%run_scoped3A : memref<!tpu.dma_semaphore, #tpu.memory_space<semaphore_mem>>)
      %dma_wait3A_3176 = tpu.memref_slice %arg3[%mul3A_2] : memref<1024xi32, #tpu.memory_space<hbm>> -> memref<32xi32, #tpu.memory_space<hbm>>
      %dma_wait3A_3177 = tpu.memref_slice %arg3[%mul3A_2] : memref<1024xi32, #tpu.memory_space<hbm>> -> memref<32xi32, #tpu.memory_space<hbm>>
      tpu.wait_dma2 semaphore(%run_scoped3A : memref<!tpu.dma_semaphore, #tpu.memory_space<semaphore_mem>>) src(%dma_wait3A_3177 : memref<32xi32, #tpu.memory_space<hbm>>) dst(%arg6 : memref<32xi32, #tpu.memory_space<vmem>>)
      tpu.yield
    }) : () -> ()
    "tpu.region"() ({
      %run_scoped3A = tpu.sem_alloc : memref<!tpu.dma_semaphore, #tpu.memory_space<semaphore_mem>>
      %dma_start3A_3174 = arith.constant 0 : i32
      %dma_start3A_3175 = tpu.memref_slice %arg2[%mul3A_2, %dma_start3A_3174] : memref<1024x64xf32, #tpu.memory_space<hbm>> -> memref<32x64xf32, #tpu.memory_space<hbm>>
      %dma_start3A_3176 = arith.constant 0 : i32
      %dma_start3A_3177 = tpu.memref_slice %arg2[%mul3A_2, %dma_start3A_3176] : memref<1024x64xf32, #tpu.memory_space<hbm>> -> memref<32x64xf32, #tpu.memory_space<hbm>>
      tpu.enqueue_dma source(%dma_start3A_3177 : memref<32x64xf32, #tpu.memory_space<hbm>>) target(%arg8 : memref<32x64xf32, #tpu.memory_space<vmem>>) target_semaphore(%run_scoped3A : memref<!tpu.dma_semaphore, #tpu.memory_space<semaphore_mem>>)
      %dma_wait3A_3178 = arith.constant 0 : i32
      %dma_wait3A_3179 = tpu.memref_slice %arg2[%mul3A_2, %dma_wait3A_3178] : memref<1024x64xf32, #tpu.memory_space<hbm>> -> memref<32x64xf32, #tpu.memory_space<hbm>>
      %dma_wait3A_3180 = arith.constant 0 : i32
      %dma_wait3A_3181 = tpu.memref_slice %arg2[%mul3A_2, %dma_wait3A_3180] : memref<1024x64xf32, #tpu.memory_space<hbm>> -> memref<32x64xf32, #tpu.memory_space<hbm>>
      tpu.wait_dma2 semaphore(%run_scoped3A : memref<!tpu.dma_semaphore, #tpu.memory_space<semaphore_mem>>) src(%dma_wait3A_3181 : memref<32x64xf32, #tpu.memory_space<hbm>>) dst(%arg8 : memref<32x64xf32, #tpu.memory_space<vmem>>)
      tpu.yield
    }) : () -> ()
    %get3A = arith.constant 0 : index
    %get3A_3 = tpu.vector_load %arg6[%get3A] {strides = array<i32>} : memref<32xi32, #tpu.memory_space<vmem>>, vector<16xi32>,
    %get3A_4 = vector.shape_cast %get3A_3 : vector<16xi32> to vector<16xi32>
    %shift_right_logical3A = arith.constant 1 : i32
    %shift_right_logical3A_5 = vector.broadcast %shift_right_logical3A : i32 to vector<16xi32>
    %shift_right_logical3A_6 = arith.shrui %get3A_4, %shift_right_logical3A_5 : vector<16xi32>
    %swap3A = arith.constant 0 : index
    %swap3A_7 = tpu.vector_load %arg7[%swap3A] {strides = array<i32>} : memref<32xi32, #tpu.memory_space<vmem>>, vector<16xi32>,
    %swap3A_8 = vector.shape_cast %swap3A_7 : vector<16xi32> to vector<16xi32>
    %swap3A_9 = vector.shape_cast %shift_right_logical3A_6 : vector<16xi32> to vector<16xi32>
    tpu.vector_store %arg7[%swap3A], %swap3A_9 {strides = array<i32>} : memref<32xi32, #tpu.memory_space<vmem>>, vector<16xi32>,
    %get3A_10 = arith.constant 16 : index
    %get3A_11 = tpu.vector_load %arg6[%get3A_10] {strides = array<i32>} : memref<32xi32, #tpu.memory_space<vmem>>, vector<16xi32>,
    %get3A_12 = vector.shape_cast %get3A_11 : vector<16xi32> to vector<16xi32>
    %shift_right_logical3A_13 = arith.constant 1 : i32
    %shift_right_logical3A_14 = vector.broadcast %shift_right_logical3A_13 : i32 to vector<16xi32>
    %shift_right_logical3A_15 = arith.shrui %get3A_12, %shift_right_logical3A_14 : vector<16xi32>
    %swap3A_16 = arith.constant 16 : index
    %swap3A_17 = tpu.vector_load %arg7[%swap3A_16] {strides = array<i32>} : memref<32xi32, #tpu.memory_space<vmem>>, vector<16xi32>,
    %swap3A_18 = vector.shape_cast %swap3A_17 : vector<16xi32> to vector<16xi32>
    %swap3A_19 = vector.shape_cast %shift_right_logical3A_15 : vector<16xi32> to vector<16xi32>
    tpu.vector_store %arg7[%swap3A_16], %swap3A_19 {strides = array<i32>} : memref<32xi32, #tpu.memory_space<vmem>>, vector<16xi32>,
    %dma_start3A = arith.constant 0 : i32
    %dma_start3A_20 = arith.constant 0 : i32
    %dma_start3A_21 = tpu.memref_slice %arg4[%dma_start3A, %dma_start3A_20] : memref<50000x128xf32, #tpu.memory_space<hbm>> -> memref<50000x128xf32, #tpu.memory_space<hbm>>
    tpu.enqueue_indirect_dma source(%dma_start3A_21 : memref<50000x128xf32, #tpu.memory_space<hbm>>) target(%arg9 : memref<32x128xf32, #tpu.memory_space<vmem>>) offsets(%arg7 : memref<32xi32, #tpu.memory_space<vmem>>) semaphore(%arg11 : memref<!tpu.dma_semaphore, #tpu.memory_space<semaphore_mem>>)
    %dma_wait3A = arith.constant 0 : i32
    %dma_wait3A_22 = arith.constant 0 : i32
    %dma_wait3A_23 = tpu.memref_slice %arg4[%dma_wait3A, %dma_wait3A_22] : memref<50000x128xf32, #tpu.memory_space<hbm>> -> memref<50000x128xf32, #tpu.memory_space<hbm>>
    tpu.wait_indirect_dma semaphore(%arg11 : memref<!tpu.dma_semaphore, #tpu.memory_space<semaphore_mem>>) src(%dma_wait3A_23 : memref<50000x128xf32, #tpu.memory_space<hbm>>) dst(%arg9 : memref<32x128xf32, #tpu.memory_space<vmem>>)
    %broadcast_in_dim3A = arith.constant 0.000000e+00 : f32
    %broadcast_in_dim3A_24 = vector.broadcast %broadcast_in_dim3A : f32 to vector<16xf32>
    %get3A_25 = arith.constant 0 : index
    %get3A_26 = tpu.vector_load %arg6[%get3A_25] {strides = array<i32>} : memref<32xi32, #tpu.memory_space<vmem>>, vector<16xi32>,
    %get3A_27 = vector.shape_cast %get3A_26 : vector<16xi32> to vector<16xi32>
    %and3A = arith.constant 1 : i32
    %and3A_28 = vector.broadcast %and3A : i32 to vector<16xi32>
    %and3A_29 = arith.andi %get3A_27, %and3A_28 : vector<16xi32>
    %convert_element_type3A = arith.sitofp %and3A_29 : vector<16xi32> to vector<16xf32>
    %slice3A = vector.extract_strided_slice %convert_element_type3A {offsets = [0], sizes = [1], strides = [1]} : vector<16xf32> to vector<1xf32>
    %squeeze3A = vector.extract %slice3A[0] : f32 from vector<1xf32>
    %get3A_30 = arith.constant 0 : i32
    %get3A_31 = arith.index_cast %get3A_30 : i32 to index
    %get3A_32 = arith.constant 0 : index
    %get3A_33 = tpu.vector_load %arg8[%get3A_31, %get3A_32] {strides = array<i32>} : memref<32x64xf32, #tpu.memory_space<vmem>>, vector<1x16xf32>,
    %get3A_34 = vector.shape_cast %get3A_33 : vector<1x16xf32> to vector<16xf32>
    %get3A_35 = arith.constant 0 : i32
    %get3A_36 = arith.index_cast %get3A_35 : i32 to index
    %get3A_37 = arith.constant 0 : index
    %get3A_38 = tpu.vector_load %arg9[%get3A_36, %get3A_37] {strides = array<i32>} : memref<32x128xf32, #tpu.memory_space<vmem>>, vector<1x16xf32>,
    %get3A_39 = vector.shape_cast %get3A_38 : vector<1x16xf32> to vector<16xf32>
    %sub3A = arith.constant 1.000000e+00 : f32
    %sub3A_40 = arith.subf %sub3A, %squeeze3A : f32
    %mul3A_41 = vector.broadcast %sub3A_40 : f32 to vector<16xf32>
    %mul3A_42 = arith.mulf %get3A_39, %mul3A_41 : vector<16xf32>
    %get3A_43 = arith.constant 0 : i32
    %get3A_44 = arith.index_cast %get3A_43 : i32 to index
    %get3A_45 = arith.constant 64 : index
    %get3A_46 = tpu.vector_load %arg9[%get3A_44, %get3A_45] {strides = array<i32>} : memref<32x128xf32, #tpu.memory_space<vmem>>, vector<1x16xf32>,
    %get3A_47 = vector.shape_cast %get3A_46 : vector<1x16xf32> to vector<16xf32>
    %mul3A_48 = vector.broadcast %squeeze3A : f32 to vector<16xf32>
    %mul3A_49 = arith.mulf %get3A_47, %mul3A_48 : vector<16xf32>
    %add3A_50 = arith.addf %mul3A_42, %mul3A_49 : vector<16xf32>
    %mul3A_51 = arith.mulf %get3A_34, %add3A_50 : vector<16xf32>
    %add3A_52 = arith.addf %broadcast_in_dim3A_24, %mul3A_51 : vector<16xf32>
    %get3A_53 = arith.constant 0 : i32
    %get3A_54 = arith.index_cast %get3A_53 : i32 to index
    %get3A_55 = arith.constant 16 : index
    %get3A_56 = tpu.vector_load %arg8[%get3A_54, %get3A_55] {strides = array<i32>} : memref<32x64xf32, #tpu.memory_space<vmem>>, vector<1x16xf32>,
    %get3A_57 = vector.shape_cast %get3A_56 : vector<1x16xf32> to vector<16xf32>
    %get3A_58 = arith.constant 0 : i32
    %get3A_59 = arith.index_cast %get3A_58 : i32 to index
    %get3A_60 = arith.constant 16 : index
    %get3A_61 = tpu.vector_load %arg9[%get3A_59, %get3A_60] {strides = array<i32>} : memref<32x128xf32, #tpu.memory_space<vmem>>, vector<1x16xf32>,
    %get3A_62 = vector.shape_cast %get3A_61 : vector<1x16xf32> to vector<16xf32>
    %sub3A_63 = arith.constant 1.000000e+00 : f32
    %sub3A_64 = arith.subf %sub3A_63, %squeeze3A : f32
    %mul3A_65 = vector.broadcast %sub3A_64 : f32 to vector<16xf32>
    %mul3A_66 = arith.mulf %get3A_62, %mul3A_65 : vector<16xf32>
    %get3A_67 = arith.constant 0 : i32
    %get3A_68 = arith.index_cast %get3A_67 : i32 to index
    %get3A_69 = arith.constant 80 : index
    %get3A_70 = tpu.vector_load %arg9[%get3A_68, %get3A_69] {strides = array<i32>} : memref<32x128xf32, #tpu.memory_space<vmem>>, vector<1x16xf32>,
    %get3A_71 = vector.shape_cast %get3A_70 : vector<1x16xf32> to vector<16xf32>
    %mul3A_72 = vector.broadcast %squeeze3A : f32 to vector<16xf32>
    %mul3A_73 = arith.mulf %get3A_71, %mul3A_72 : vector<16xf32>
    %add3A_74 = arith.addf %mul3A_66, %mul3A_73 : vector<16xf32>
    %mul3A_75 = arith.mulf %get3A_57, %add3A_74 : vector<16xf32>
    %add3A_76 = arith.addf %add3A_52, %mul3A_75 : vector<16xf32>
    %get3A_77 = arith.constant 0 : i32
    %get3A_78 = arith.index_cast %get3A_77 : i32 to index
    %get3A_79 = arith.constant 32 : index
    %get3A_80 = tpu.vector_load %arg8[%get3A_78, %get3A_79] {strides = array<i32>} : memref<32x64xf32, #tpu.memory_space<vmem>>, vector<1x16xf32>,
    %get3A_81 = vector.shape_cast %get3A_80 : vector<1x16xf32> to vector<16xf32>
    %get3A_82 = arith.constant 0 : i32
    %get3A_83 = arith.index_cast %get3A_82 : i32 to index
    %get3A_84 = arith.constant 32 : index
    %get3A_85 = tpu.vector_load %arg9[%get3A_83, %get3A_84] {strides = array<i32>} : memref<32x128xf32, #tpu.memory_space<vmem>>, vector<1x16xf32>,
    %get3A_86 = vector.shape_cast %get3A_85 : vector<1x16xf32> to vector<16xf32>
    %sub3A_87 = arith.constant 1.000000e+00 : f32
    %sub3A_88 = arith.subf %sub3A_87, %squeeze3A : f32
    %mul3A_89 = vector.broadcast %sub3A_88 : f32 to vector<16xf32>
    %mul3A_90 = arith.mulf %get3A_86, %mul3A_89 : vector<16xf32>
    %get3A_91 = arith.constant 0 : i32
    %get3A_92 = arith.index_cast %get3A_91 : i32 to index
    %get3A_93 = arith.constant 96 : index
    %get3A_94 = tpu.vector_load %arg9[%get3A_92, %get3A_93] {strides = array<i32>} : memref<32x128xf32, #tpu.memory_space<vmem>>, vector<1x16xf32>,
    %get3A_95 = vector.shape_cast %get3A_94 : vector<1x16xf32> to vector<16xf32>
    %mul3A_96 = vector.broadcast %squeeze3A : f32 to vector<16xf32>
    %mul3A_97 = arith.mulf %get3A_95, %mul3A_96 : vector<16xf32>
    %add3A_98 = arith.addf %mul3A_90, %mul3A_97 : vector<16xf32>
    %mul3A_99 = arith.mulf %get3A_81, %add3A_98 : vector<16xf32>
    %add3A_100 = arith.addf %add3A_76, %mul3A_99 : vector<16xf32>
    %get3A_101 = arith.constant 0 : i32
    %get3A_102 = arith.index_cast %get3A_101 : i32 to index
    %get3A_103 = arith.constant 48 : index
    %get3A_104 = tpu.vector_load %arg8[%get3A_102, %get3A_103] {strides = array<i32>} : memref<32x64xf32, #tpu.memory_space<vmem>>, vector<1x16xf32>,
    %get3A_105 = vector.shape_cast %get3A_104 : vector<1x16xf32> to vector<16xf32>
    %get3A_106 = arith.constant 0 : i32
    %get3A_107 = arith.index_cast %get3A_106 : i32 to index
    %get3A_108 = arith.constant 48 : index
    %get3A_109 = tpu.vector_load %arg9[%get3A_107, %get3A_108] {strides = array<i32>} : memref<32x128xf32, #tpu.memory_space<vmem>>, vector<1x16xf32>,
    %get3A_110 = vector.shape_cast %get3A_109 : vector<1x16xf32> to vector<16xf32>
    %sub3A_111 = arith.constant 1.000000e+00 : f32
    %sub3A_112 = arith.subf %sub3A_111, %squeeze3A : f32
    %mul3A_113 = vector.broadcast %sub3A_112 : f32 to vector<16xf32>
    %mul3A_114 = arith.mulf %get3A_110, %mul3A_113 : vector<16xf32>
    %get3A_115 = arith.constant 0 : i32
    %get3A_116 = arith.index_cast %get3A_115 : i32 to index
    %get3A_117 = arith.constant 112 : index
    %get3A_118 = tpu.vector_load %arg9[%get3A_116, %get3A_117] {strides = array<i32>} : memref<32x128xf32, #tpu.memory_space<vmem>>, vector<1x16xf32>,
    %get3A_119 = vector.shape_cast %get3A_118 : vector<1x16xf32> to vector<16xf32>
    %mul3A_120 = vector.broadcast %squeeze3A : f32 to vector<16xf32>
    %mul3A_121 = arith.mulf %get3A_119, %mul3A_120 : vector<16xf32>
    %add3A_122 = arith.addf %mul3A_114, %mul3A_121 : vector<16xf32>
    %mul3A_123 = arith.mulf %get3A_105, %add3A_122 : vector<16xf32>
    %add3A_124 = arith.addf %add3A_100, %mul3A_123 : vector<16xf32>
    %slice3A_125 = vector.extract_strided_slice %convert_element_type3A {offsets = [1], sizes = [1], strides = [1]} : vector<16xf32> to vector<1xf32>
    %squeeze3A_126 = vector.extract %slice3A_125[0] : f32 from vector<1xf32>
    %get3A_127 = arith.constant 1 : i32
    %get3A_128 = arith.index_cast %get3A_127 : i32 to index
    %get3A_129 = arith.constant 0 : index
    %get3A_130 = tpu.vector_load %arg8[%get3A_128, %get3A_129] {strides = array<i32>} : memref<32x64xf32, #tpu.memory_space<vmem>>, vector<1x16xf32>,
    %get3A_131 = vector.shape_cast %get3A_130 : vector<1x16xf32> to vector<16xf32>
    %get3A_132 = arith.constant 1 : i32
    %get3A_133 = arith.index_cast %get3A_132 : i32 to index
    %get3A_134 = arith.constant 0 : index
    %get3A_135 = tpu.vector_load %arg9[%get3A_133, %get3A_134] {strides = array<i32>} : memref<32x128xf32, #tpu.memory_space<vmem>>, vector<1x16xf32>,
    %get3A_136 = vector.shape_cast %get3A_135 : vector<1x16xf32> to vector<16xf32>
    %sub3A_137 = arith.constant 1.000000e+00 : f32
    %sub3A_138 = arith.subf %sub3A_137, %squeeze3A_126 : f32
    %mul3A_139 = vector.broadcast %sub3A_138 : f32 to vector<16xf32>
    %mul3A_140 = arith.mulf %get3A_136, %mul3A_139 : vector<16xf32>
    %get3A_141 = arith.constant 1 : i32
    %get3A_142 = arith.index_cast %get3A_141 : i32 to index
    %get3A_143 = arith.constant 64 : index
    %get3A_144 = tpu.vector_load %arg9[%get3A_142, %get3A_143] {strides = array<i32>} : memref<32x128xf32, #tpu.memory_space<vmem>>, vector<1x16xf32>,
    %get3A_145 = vector.shape_cast %get3A_144 : vector<1x16xf32> to vector<16xf32>
    %mul3A_146 = vector.broadcast %squeeze3A_126 : f32 to vector<16xf32>
    %mul3A_147 = arith.mulf %get3A_145, %mul3A_146 : vector<16xf32>
    %add3A_148 = arith.addf %mul3A_140, %mul3A_147 : vector<16xf32>
    %mul3A_149 = arith.mulf %get3A_131, %add3A_148 : vector<16xf32>
    %add3A_150 = arith.addf %add3A_124, %mul3A_149 : vector<16xf32>
    %get3A_151 = arith.constant 1 : i32
    %get3A_152 = arith.index_cast %get3A_151 : i32 to index
    %get3A_153 = arith.constant 16 : index
    %get3A_154 = tpu.vector_load %arg8[%get3A_152, %get3A_153] {strides = array<i32>} : memref<32x64xf32, #tpu.memory_space<vmem>>, vector<1x16xf32>,
    %get3A_155 = vector.shape_cast %get3A_154 : vector<1x16xf32> to vector<16xf32>
    %get3A_156 = arith.constant 1 : i32
    %get3A_157 = arith.index_cast %get3A_156 : i32 to index
    %get3A_158 = arith.constant 16 : index
    %get3A_159 = tpu.vector_load %arg9[%get3A_157, %get3A_158] {strides = array<i32>} : memref<32x128xf32, #tpu.memory_space<vmem>>, vector<1x16xf32>,
    %get3A_160 = vector.shape_cast %get3A_159 : vector<1x16xf32> to vector<16xf32>
    %sub3A_161 = arith.constant 1.000000e+00 : f32
    %sub3A_162 = arith.subf %sub3A_161, %squeeze3A_126 : f32
    %mul3A_163 = vector.broadcast %sub3A_162 : f32 to vector<16xf32>
    %mul3A_164 = arith.mulf %get3A_160, %mul3A_163 : vector<16xf32>
    %get3A_165 = arith.constant 1 : i32
    %get3A_166 = arith.index_cast %get3A_165 : i32 to index
    %get3A_167 = arith.constant 80 : index
    %get3A_168 = tpu.vector_load %arg9[%get3A_166, %get3A_167] {strides = array<i32>} : memref<32x128xf32, #tpu.memory_space<vmem>>, vector<1x16xf32>,
    %get3A_169 = vector.shape_cast %get3A_168 : vector<1x16xf32> to vector<16xf32>
    %mul3A_170 = vector.broadcast %squeeze3A_126 : f32 to vector<16xf32>
    %mul3A_171 = arith.mulf %get3A_169, %mul3A_170 : vector<16xf32>
    %add3A_172 = arith.addf %mul3A_164, %mul3A_171 : vector<16xf32>
    %mul3A_173 = arith.mulf %get3A_155, %add3A_172 : vector<16xf32>
    %add3A_174 = arith.addf %add3A_150, %mul3A_173 : vector<16xf32>
    %get3A_175 = arith.constant 1 : i32
    %get3A_176 = arith.index_cast %get3A_175 : i32 to index
    %get3A_177 = arith.constant 32 : index
    %get3A_178 = tpu.vector_load %arg8[%get3A_176, %get3A_177] {strides = array<i32>} : memref<32x64xf32, #tpu.memory_space<vmem>>, vector<1x16xf32>,
    %get3A_179 = vector.shape_cast %get3A_178 : vector<1x16xf32> to vector<16xf32>
    %get3A_180 = arith.constant 1 : i32
    %get3A_181 = arith.index_cast %get3A_180 : i32 to index
    %get3A_182 = arith.constant 32 : index
    %get3A_183 = tpu.vector_load %arg9[%get3A_181, %get3A_182] {strides = array<i32>} : memref<32x128xf32, #tpu.memory_space<vmem>>, vector<1x16xf32>,
    %get3A_184 = vector.shape_cast %get3A_183 : vector<1x16xf32> to vector<16xf32>
    %sub3A_185 = arith.constant 1.000000e+00 : f32
    %sub3A_186 = arith.subf %sub3A_185, %squeeze3A_126 : f32
    %mul3A_187 = vector.broadcast %sub3A_186 : f32 to vector<16xf32>
    %mul3A_188 = arith.mulf %get3A_184, %mul3A_187 : vector<16xf32>
    %get3A_189 = arith.constant 1 : i32
    %get3A_190 = arith.index_cast %get3A_189 : i32 to index
    %get3A_191 = arith.constant 96 : index
    %get3A_192 = tpu.vector_load %arg9[%get3A_190, %get3A_191] {strides = array<i32>} : memref<32x128xf32, #tpu.memory_space<vmem>>, vector<1x16xf32>,
    %get3A_193 = vector.shape_cast %get3A_192 : vector<1x16xf32> to vector<16xf32>
    %mul3A_194 = vector.broadcast %squeeze3A_126 : f32 to vector<16xf32>
    %mul3A_195 = arith.mulf %get3A_193, %mul3A_194 : vector<16xf32>
    %add3A_196 = arith.addf %mul3A_188, %mul3A_195 : vector<16xf32>
    %mul3A_197 = arith.mulf %get3A_179, %add3A_196 : vector<16xf32>
    %add3A_198 = arith.addf %add3A_174, %mul3A_197 : vector<16xf32>
    %get3A_199 = arith.constant 1 : i32
    %get3A_200 = arith.index_cast %get3A_199 : i32 to index
    %get3A_201 = arith.constant 48 : index
    %get3A_202 = tpu.vector_load %arg8[%get3A_200, %get3A_201] {strides = array<i32>} : memref<32x64xf32, #tpu.memory_space<vmem>>, vector<1x16xf32>,
    %get3A_203 = vector.shape_cast %get3A_202 : vector<1x16xf32> to vector<16xf32>
    %get3A_204 = arith.constant 1 : i32
    %get3A_205 = arith.index_cast %get3A_204 : i32 to index
    %get3A_206 = arith.constant 48 : index
    %get3A_207 = tpu.vector_load %arg9[%get3A_205, %get3A_206] {strides = array<i32>} : memref<32x128xf32, #tpu.memory_space<vmem>>, vector<1x16xf32>,
    %get3A_208 = vector.shape_cast %get3A_207 : vector<1x16xf32> to vector<16xf32>
    %sub3A_209 = arith.constant 1.000000e+00 : f32
    %sub3A_210 = arith.subf %sub3A_209, %squeeze3A_126 : f32
    %mul3A_211 = vector.broadcast %sub3A_210 : f32 to vector<16xf32>
    %mul3A_212 = arith.mulf %get3A_208, %mul3A_211 : vector<16xf32>
    %get3A_213 = arith.constant 1 : i32
    %get3A_214 = arith.index_cast %get3A_213 : i32 to index
    %get3A_215 = arith.constant 112 : index
    %get3A_216 = tpu.vector_load %arg9[%get3A_214, %get3A_215] {strides = array<i32>} : memref<32x128xf32, #tpu.memory_space<vmem>>, vector<1x16xf32>,
    %get3A_217 = vector.shape_cast %get3A_216 : vector<1x16xf32> to vector<16xf32>
    %mul3A_218 = vector.broadcast %squeeze3A_126 : f32 to vector<16xf32>
    %mul3A_219 = arith.mulf %get3A_217, %mul3A_218 : vector<16xf32>
    %add3A_220 = arith.addf %mul3A_212, %mul3A_219 : vector<16xf32>
    %mul3A_221 = arith.mulf %get3A_203, %add3A_220 : vector<16xf32>
    %add3A_222 = arith.addf %add3A_198, %mul3A_221 : vector<16xf32>
    %slice3A_223 = vector.extract_strided_slice %convert_element_type3A {offsets = [2], sizes = [1], strides = [1]} : vector<16xf32> to vector<1xf32>
    %squeeze3A_224 = vector.extract %slice3A_223[0] : f32 from vector<1xf32>
    %get3A_225 = arith.constant 2 : i32
    %get3A_226 = arith.index_cast %get3A_225 : i32 to index
    %get3A_227 = arith.constant 0 : index
    %get3A_228 = tpu.vector_load %arg8[%get3A_226, %get3A_227] {strides = array<i32>} : memref<32x64xf32, #tpu.memory_space<vmem>>, vector<1x16xf32>,
    %get3A_229 = vector.shape_cast %get3A_228 : vector<1x16xf32> to vector<16xf32>
    %get3A_230 = arith.constant 2 : i32
    %get3A_231 = arith.index_cast %get3A_230 : i32 to index
    %get3A_232 = arith.constant 0 : index
    %get3A_233 = tpu.vector_load %arg9[%get3A_231, %get3A_232] {strides = array<i32>} : memref<32x128xf32, #tpu.memory_space<vmem>>, vector<1x16xf32>,
    %get3A_234 = vector.shape_cast %get3A_233 : vector<1x16xf32> to vector<16xf32>
    %sub3A_235 = arith.constant 1.000000e+00 : f32
    %sub3A_236 = arith.subf %sub3A_235, %squeeze3A_224 : f32
    %mul3A_237 = vector.broadcast %sub3A_236 : f32 to vector<16xf32>
    %mul3A_238 = arith.mulf %get3A_234, %mul3A_237 : vector<16xf32>
    %get3A_239 = arith.constant 2 : i32
    %get3A_240 = arith.index_cast %get3A_239 : i32 to index
    %get3A_241 = arith.constant 64 : index
    %get3A_242 = tpu.vector_load %arg9[%get3A_240, %get3A_241] {strides = array<i32>} : memref<32x128xf32, #tpu.memory_space<vmem>>, vector<1x16xf32>,
    %get3A_243 = vector.shape_cast %get3A_242 : vector<1x16xf32> to vector<16xf32>
    %mul3A_244 = vector.broadcast %squeeze3A_224 : f32 to vector<16xf32>
    %mul3A_245 = arith.mulf %get3A_243, %mul3A_244 : vector<16xf32>
    %add3A_246 = arith.addf %mul3A_238, %mul3A_245 : vector<16xf32>
    %mul3A_247 = arith.mulf %get3A_229, %add3A_246 : vector<16xf32>
    %add3A_248 = arith.addf %add3A_222, %mul3A_247 : vector<16xf32>
    %get3A_249 = arith.constant 2 : i32
    %get3A_250 = arith.index_cast %get3A_249 : i32 to index
    %get3A_251 = arith.constant 16 : index
    %get3A_252 = tpu.vector_load %arg8[%get3A_250, %get3A_251] {strides = array<i32>} : memref<32x64xf32, #tpu.memory_space<vmem>>, vector<1x16xf32>,
    %get3A_253 = vector.shape_cast %get3A_252 : vector<1x16xf32> to vector<16xf32>
    %get3A_254 = arith.constant 2 : i32
    %get3A_255 = arith.index_cast %get3A_254 : i32 to index
    %get3A_256 = arith.constant 16 : index
    %get3A_257 = tpu.vector_load %arg9[%get3A_255, %get3A_256] {strides = array<i32>} : memref<32x128xf32, #tpu.memory_space<vmem>>, vector<1x16xf32>,
    %get3A_258 = vector.shape_cast %get3A_257 : vector<1x16xf32> to vector<16xf32>
    %sub3A_259 = arith.constant 1.000000e+00 : f32
    %sub3A_260 = arith.subf %sub3A_259, %squeeze3A_224 : f32
    %mul3A_261 = vector.broadcast %sub3A_260 : f32 to vector<16xf32>
    %mul3A_262 = arith.mulf %get3A_258, %mul3A_261 : vector<16xf32>
    %get3A_263 = arith.constant 2 : i32
    %get3A_264 = arith.index_cast %get3A_263 : i32 to index
    %get3A_265 = arith.constant 80 : index
    %get3A_266 = tpu.vector_load %arg9[%get3A_264, %get3A_265] {strides = array<i32>} : memref<32x128xf32, #tpu.memory_space<vmem>>, vector<1x16xf32>,
    %get3A_267 = vector.shape_cast %get3A_266 : vector<1x16xf32> to vector<16xf32>
    %mul3A_268 = vector.broadcast %squeeze3A_224 : f32 to vector<16xf32>
    %mul3A_269 = arith.mulf %get3A_267, %mul3A_268 : vector<16xf32>
    %add3A_270 = arith.addf %mul3A_262, %mul3A_269 : vector<16xf32>
    %mul3A_271 = arith.mulf %get3A_253, %add3A_270 : vector<16xf32>
    %add3A_272 = arith.addf %add3A_248, %mul3A_271 : vector<16xf32>
    %get3A_273 = arith.constant 2 : i32
    %get3A_274 = arith.index_cast %get3A_273 : i32 to index
    %get3A_275 = arith.constant 32 : index
    %get3A_276 = tpu.vector_load %arg8[%get3A_274, %get3A_275] {strides = array<i32>} : memref<32x64xf32, #tpu.memory_space<vmem>>, vector<1x16xf32>,
    %get3A_277 = vector.shape_cast %get3A_276 : vector<1x16xf32> to vector<16xf32>
    %get3A_278 = arith.constant 2 : i32
    %get3A_279 = arith.index_cast %get3A_278 : i32 to index
    %get3A_280 = arith.constant 32 : index
    %get3A_281 = tpu.vector_load %arg9[%get3A_279, %get3A_280] {strides = array<i32>} : memref<32x128xf32, #tpu.memory_space<vmem>>, vector<1x16xf32>,
    %get3A_282 = vector.shape_cast %get3A_281 : vector<1x16xf32> to vector<16xf32>
    %sub3A_283 = arith.constant 1.000000e+00 : f32
    %sub3A_284 = arith.subf %sub3A_283, %squeeze3A_224 : f32
    %mul3A_285 = vector.broadcast %sub3A_284 : f32 to vector<16xf32>
    %mul3A_286 = arith.mulf %get3A_282, %mul3A_285 : vector<16xf32>
    %get3A_287 = arith.constant 2 : i32
    %get3A_288 = arith.index_cast %get3A_287 : i32 to index
    %get3A_289 = arith.constant 96 : index
    %get3A_290 = tpu.vector_load %arg9[%get3A_288, %get3A_289] {strides = array<i32>} : memref<32x128xf32, #tpu.memory_space<vmem>>, vector<1x16xf32>,
    %get3A_291 = vector.shape_cast %get3A_290 : vector<1x16xf32> to vector<16xf32>
    %mul3A_292 = vector.broadcast %squeeze3A_224 : f32 to vector<16xf32>
    %mul3A_293 = arith.mulf %get3A_291, %mul3A_292 : vector<16xf32>
    %add3A_294 = arith.addf %mul3A_286, %mul3A_293 : vector<16xf32>
    %mul3A_295 = arith.mulf %get3A_277, %add3A_294 : vector<16xf32>
    %add3A_296 = arith.addf %add3A_272, %mul3A_295 : vector<16xf32>
    %get3A_297 = arith.constant 2 : i32
    %get3A_298 = arith.index_cast %get3A_297 : i32 to index
    %get3A_299 = arith.constant 48 : index
    %get3A_300 = tpu.vector_load %arg8[%get3A_298, %get3A_299] {strides = array<i32>} : memref<32x64xf32, #tpu.memory_space<vmem>>, vector<1x16xf32>,
    %get3A_301 = vector.shape_cast %get3A_300 : vector<1x16xf32> to vector<16xf32>
    %get3A_302 = arith.constant 2 : i32
    %get3A_303 = arith.index_cast %get3A_302 : i32 to index
    %get3A_304 = arith.constant 48 : index
    %get3A_305 = tpu.vector_load %arg9[%get3A_303, %get3A_304] {strides = array<i32>} : memref<32x128xf32, #tpu.memory_space<vmem>>, vector<1x16xf32>,
    %get3A_306 = vector.shape_cast %get3A_305 : vector<1x16xf32> to vector<16xf32>
    %sub3A_307 = arith.constant 1.000000e+00 : f32
    %sub3A_308 = arith.subf %sub3A_307, %squeeze3A_224 : f32
    %mul3A_309 = vector.broadcast %sub3A_308 : f32 to vector<16xf32>
    %mul3A_310 = arith.mulf %get3A_306, %mul3A_309 : vector<16xf32>
    %get3A_311 = arith.constant 2 : i32
    %get3A_312 = arith.index_cast %get3A_311 : i32 to index
    %get3A_313 = arith.constant 112 : index
    %get3A_314 = tpu.vector_load %arg9[%get3A_312, %get3A_313] {strides = array<i32>} : memref<32x128xf32, #tpu.memory_space<vmem>>, vector<1x16xf32>,
    %get3A_315 = vector.shape_cast %get3A_314 : vector<1x16xf32> to vector<16xf32>
    %mul3A_316 = vector.broadcast %squeeze3A_224 : f32 to vector<16xf32>
    %mul3A_317 = arith.mulf %get3A_315, %mul3A_316 : vector<16xf32>
    %add3A_318 = arith.addf %mul3A_310, %mul3A_317 : vector<16xf32>
    %mul3A_319 = arith.mulf %get3A_301, %add3A_318 : vector<16xf32>
    %add3A_320 = arith.addf %add3A_296, %mul3A_319 : vector<16xf32>
    %slice3A_321 = vector.extract_strided_slice %convert_element_type3A {offsets = [3], sizes = [1], strides = [1]} : vector<16xf32> to vector<1xf32>
    %squeeze3A_322 = vector.extract %slice3A_321[0] : f32 from vector<1xf32>
    %get3A_323 = arith.constant 3 : i32
    %get3A_324 = arith.index_cast %get3A_323 : i32 to index
    %get3A_325 = arith.constant 0 : index
    %get3A_326 = tpu.vector_load %arg8[%get3A_324, %get3A_325] {strides = array<i32>} : memref<32x64xf32, #tpu.memory_space<vmem>>, vector<1x16xf32>,
    %get3A_327 = vector.shape_cast %get3A_326 : vector<1x16xf32> to vector<16xf32>
    %get3A_328 = arith.constant 3 : i32
    %get3A_329 = arith.index_cast %get3A_328 : i32 to index
    %get3A_330 = arith.constant 0 : index
    %get3A_331 = tpu.vector_load %arg9[%get3A_329, %get3A_330] {strides = array<i32>} : memref<32x128xf32, #tpu.memory_space<vmem>>, vector<1x16xf32>,
    %get3A_332 = vector.shape_cast %get3A_331 : vector<1x16xf32> to vector<16xf32>
    %sub3A_333 = arith.constant 1.000000e+00 : f32
    %sub3A_334 = arith.subf %sub3A_333, %squeeze3A_322 : f32
    %mul3A_335 = vector.broadcast %sub3A_334 : f32 to vector<16xf32>
    %mul3A_336 = arith.mulf %get3A_332, %mul3A_335 : vector<16xf32>
    %get3A_337 = arith.constant 3 : i32
    %get3A_338 = arith.index_cast %get3A_337 : i32 to index
    %get3A_339 = arith.constant 64 : index
    %get3A_340 = tpu.vector_load %arg9[%get3A_338, %get3A_339] {strides = array<i32>} : memref<32x128xf32, #tpu.memory_space<vmem>>, vector<1x16xf32>,
    %get3A_341 = vector.shape_cast %get3A_340 : vector<1x16xf32> to vector<16xf32>
    %mul3A_342 = vector.broadcast %squeeze3A_322 : f32 to vector<16xf32>
    %mul3A_343 = arith.mulf %get3A_341, %mul3A_342 : vector<16xf32>
    %add3A_344 = arith.addf %mul3A_336, %mul3A_343 : vector<16xf32>
    %mul3A_345 = arith.mulf %get3A_327, %add3A_344 : vector<16xf32>
    %add3A_346 = arith.addf %add3A_320, %mul3A_345 : vector<16xf32>
    %get3A_347 = arith.constant 3 : i32
    %get3A_348 = arith.index_cast %get3A_347 : i32 to index
    %get3A_349 = arith.constant 16 : index
    %get3A_350 = tpu.vector_load %arg8[%get3A_348, %get3A_349] {strides = array<i32>} : memref<32x64xf32, #tpu.memory_space<vmem>>, vector<1x16xf32>,
    %get3A_351 = vector.shape_cast %get3A_350 : vector<1x16xf32> to vector<16xf32>
    %get3A_352 = arith.constant 3 : i32
    %get3A_353 = arith.index_cast %get3A_352 : i32 to index
    %get3A_354 = arith.constant 16 : index
    %get3A_355 = tpu.vector_load %arg9[%get3A_353, %get3A_354] {strides = array<i32>} : memref<32x128xf32, #tpu.memory_space<vmem>>, vector<1x16xf32>,
    %get3A_356 = vector.shape_cast %get3A_355 : vector<1x16xf32> to vector<16xf32>
    %sub3A_357 = arith.constant 1.000000e+00 : f32
    %sub3A_358 = arith.subf %sub3A_357, %squeeze3A_322 : f32
    %mul3A_359 = vector.broadcast %sub3A_358 : f32 to vector<16xf32>
    %mul3A_360 = arith.mulf %get3A_356, %mul3A_359 : vector<16xf32>
    %get3A_361 = arith.constant 3 : i32
    %get3A_362 = arith.index_cast %get3A_361 : i32 to index
    %get3A_363 = arith.constant 80 : index
    %get3A_364 = tpu.vector_load %arg9[%get3A_362, %get3A_363] {strides = array<i32>} : memref<32x128xf32, #tpu.memory_space<vmem>>, vector<1x16xf32>,
    %get3A_365 = vector.shape_cast %get3A_364 : vector<1x16xf32> to vector<16xf32>
    %mul3A_366 = vector.broadcast %squeeze3A_322 : f32 to vector<16xf32>
    %mul3A_367 = arith.mulf %get3A_365, %mul3A_366 : vector<16xf32>
    %add3A_368 = arith.addf %mul3A_360, %mul3A_367 : vector<16xf32>
    %mul3A_369 = arith.mulf %get3A_351, %add3A_368 : vector<16xf32>
    %add3A_370 = arith.addf %add3A_346, %mul3A_369 : vector<16xf32>
    %get3A_371 = arith.constant 3 : i32
    %get3A_372 = arith.index_cast %get3A_371 : i32 to index
    %get3A_373 = arith.constant 32 : index
    %get3A_374 = tpu.vector_load %arg8[%get3A_372, %get3A_373] {strides = array<i32>} : memref<32x64xf32, #tpu.memory_space<vmem>>, vector<1x16xf32>,
    %get3A_375 = vector.shape_cast %get3A_374 : vector<1x16xf32> to vector<16xf32>
    %get3A_376 = arith.constant 3 : i32
    %get3A_377 = arith.index_cast %get3A_376 : i32 to index
    %get3A_378 = arith.constant 32 : index
    %get3A_379 = tpu.vector_load %arg9[%get3A_377, %get3A_378] {strides = array<i32>} : memref<32x128xf32, #tpu.memory_space<vmem>>, vector<1x16xf32>,
    %get3A_380 = vector.shape_cast %get3A_379 : vector<1x16xf32> to vector<16xf32>
    %sub3A_381 = arith.constant 1.000000e+00 : f32
    %sub3A_382 = arith.subf %sub3A_381, %squeeze3A_322 : f32
    %mul3A_383 = vector.broadcast %sub3A_382 : f32 to vector<16xf32>
    %mul3A_384 = arith.mulf %get3A_380, %mul3A_383 : vector<16xf32>
    %get3A_385 = arith.constant 3 : i32
    %get3A_386 = arith.index_cast %get3A_385 : i32 to index
    %get3A_387 = arith.constant 96 : index
    %get3A_388 = tpu.vector_load %arg9[%get3A_386, %get3A_387] {strides = array<i32>} : memref<32x128xf32, #tpu.memory_space<vmem>>, vector<1x16xf32>,
    %get3A_389 = vector.shape_cast %get3A_388 : vector<1x16xf32> to vector<16xf32>
    %mul3A_390 = vector.broadcast %squeeze3A_322 : f32 to vector<16xf32>
    %mul3A_391 = arith.mulf %get3A_389, %mul3A_390 : vector<16xf32>
    %add3A_392 = arith.addf %mul3A_384, %mul3A_391 : vector<16xf32>
    %mul3A_393 = arith.mulf %get3A_375, %add3A_392 : vector<16xf32>
    %add3A_394 = arith.addf %add3A_370, %mul3A_393 : vector<16xf32>
    %get3A_395 = arith.constant 3 : i32
    %get3A_396 = arith.index_cast %get3A_395 : i32 to index
    %get3A_397 = arith.constant 48 : index
    %get3A_398 = tpu.vector_load %arg8[%get3A_396, %get3A_397] {strides = array<i32>} : memref<32x64xf32, #tpu.memory_space<vmem>>, vector<1x16xf32>,
    %get3A_399 = vector.shape_cast %get3A_398 : vector<1x16xf32> to vector<16xf32>
    %get3A_400 = arith.constant 3 : i32
    %get3A_401 = arith.index_cast %get3A_400 : i32 to index
    %get3A_402 = arith.constant 48 : index
    %get3A_403 = tpu.vector_load %arg9[%get3A_401, %get3A_402] {strides = array<i32>} : memref<32x128xf32, #tpu.memory_space<vmem>>, vector<1x16xf32>,
    %get3A_404 = vector.shape_cast %get3A_403 : vector<1x16xf32> to vector<16xf32>
    %sub3A_405 = arith.constant 1.000000e+00 : f32
    %sub3A_406 = arith.subf %sub3A_405, %squeeze3A_322 : f32
    %mul3A_407 = vector.broadcast %sub3A_406 : f32 to vector<16xf32>
    %mul3A_408 = arith.mulf %get3A_404, %mul3A_407 : vector<16xf32>
    %get3A_409 = arith.constant 3 : i32
    %get3A_410 = arith.index_cast %get3A_409 : i32 to index
    %get3A_411 = arith.constant 112 : index
    %get3A_412 = tpu.vector_load %arg9[%get3A_410, %get3A_411] {strides = array<i32>} : memref<32x128xf32, #tpu.memory_space<vmem>>, vector<1x16xf32>,
    %get3A_413 = vector.shape_cast %get3A_412 : vector<1x16xf32> to vector<16xf32>
    %mul3A_414 = vector.broadcast %squeeze3A_322 : f32 to vector<16xf32>
    %mul3A_415 = arith.mulf %get3A_413, %mul3A_414 : vector<16xf32>
    %add3A_416 = arith.addf %mul3A_408, %mul3A_415 : vector<16xf32>
    %mul3A_417 = arith.mulf %get3A_399, %add3A_416 : vector<16xf32>
    %add3A_418 = arith.addf %add3A_394, %mul3A_417 : vector<16xf32>
    %slice3A_419 = vector.extract_strided_slice %convert_element_type3A {offsets = [4], sizes = [1], strides = [1]} : vector<16xf32> to vector<1xf32>
    %squeeze3A_420 = vector.extract %slice3A_419[0] : f32 from vector<1xf32>
    %get3A_421 = arith.constant 4 : i32
    %get3A_422 = arith.index_cast %get3A_421 : i32 to index
    %get3A_423 = arith.constant 0 : index
    %get3A_424 = tpu.vector_load %arg8[%get3A_422, %get3A_423] {strides = array<i32>} : memref<32x64xf32, #tpu.memory_space<vmem>>, vector<1x16xf32>,
    %get3A_425 = vector.shape_cast %get3A_424 : vector<1x16xf32> to vector<16xf32>
    %get3A_426 = arith.constant 4 : i32
    %get3A_427 = arith.index_cast %get3A_426 : i32 to index
    %get3A_428 = arith.constant 0 : index
    %get3A_429 = tpu.vector_load %arg9[%get3A_427, %get3A_428] {strides = array<i32>} : memref<32x128xf32, #tpu.memory_space<vmem>>, vector<1x16xf32>,
    %get3A_430 = vector.shape_cast %get3A_429 : vector<1x16xf32> to vector<16xf32>
    %sub3A_431 = arith.constant 1.000000e+00 : f32
    %sub3A_432 = arith.subf %sub3A_431, %squeeze3A_420 : f32
    %mul3A_433 = vector.broadcast %sub3A_432 : f32 to vector<16xf32>
    %mul3A_434 = arith.mulf %get3A_430, %mul3A_433 : vector<16xf32>
    %get3A_435 = arith.constant 4 : i32
    %get3A_436 = arith.index_cast %get3A_435 : i32 to index
    %get3A_437 = arith.constant 64 : index
    %get3A_438 = tpu.vector_load %arg9[%get3A_436, %get3A_437] {strides = array<i32>} : memref<32x128xf32, #tpu.memory_space<vmem>>, vector<1x16xf32>,
    %get3A_439 = vector.shape_cast %get3A_438 : vector<1x16xf32> to vector<16xf32>
    %mul3A_440 = vector.broadcast %squeeze3A_420 : f32 to vector<16xf32>
    %mul3A_441 = arith.mulf %get3A_439, %mul3A_440 : vector<16xf32>
    %add3A_442 = arith.addf %mul3A_434, %mul3A_441 : vector<16xf32>
    %mul3A_443 = arith.mulf %get3A_425, %add3A_442 : vector<16xf32>
    %add3A_444 = arith.addf %add3A_418, %mul3A_443 : vector<16xf32>
    %get3A_445 = arith.constant 4 : i32
    %get3A_446 = arith.index_cast %get3A_445 : i32 to index
    %get3A_447 = arith.constant 16 : index
    %get3A_448 = tpu.vector_load %arg8[%get3A_446, %get3A_447] {strides = array<i32>} : memref<32x64xf32, #tpu.memory_space<vmem>>, vector<1x16xf32>,
    %get3A_449 = vector.shape_cast %get3A_448 : vector<1x16xf32> to vector<16xf32>
    %get3A_450 = arith.constant 4 : i32
    %get3A_451 = arith.index_cast %get3A_450 : i32 to index
    %get3A_452 = arith.constant 16 : index
    %get3A_453 = tpu.vector_load %arg9[%get3A_451, %get3A_452] {strides = array<i32>} : memref<32x128xf32, #tpu.memory_space<vmem>>, vector<1x16xf32>,
    %get3A_454 = vector.shape_cast %get3A_453 : vector<1x16xf32> to vector<16xf32>
    %sub3A_455 = arith.constant 1.000000e+00 : f32
    %sub3A_456 = arith.subf %sub3A_455, %squeeze3A_420 : f32
    %mul3A_457 = vector.broadcast %sub3A_456 : f32 to vector<16xf32>
    %mul3A_458 = arith.mulf %get3A_454, %mul3A_457 : vector<16xf32>
    %get3A_459 = arith.constant 4 : i32
    %get3A_460 = arith.index_cast %get3A_459 : i32 to index
    %get3A_461 = arith.constant 80 : index
    %get3A_462 = tpu.vector_load %arg9[%get3A_460, %get3A_461] {strides = array<i32>} : memref<32x128xf32, #tpu.memory_space<vmem>>, vector<1x16xf32>,
    %get3A_463 = vector.shape_cast %get3A_462 : vector<1x16xf32> to vector<16xf32>
    %mul3A_464 = vector.broadcast %squeeze3A_420 : f32 to vector<16xf32>
    %mul3A_465 = arith.mulf %get3A_463, %mul3A_464 : vector<16xf32>
    %add3A_466 = arith.addf %mul3A_458, %mul3A_465 : vector<16xf32>
    %mul3A_467 = arith.mulf %get3A_449, %add3A_466 : vector<16xf32>
    %add3A_468 = arith.addf %add3A_444, %mul3A_467 : vector<16xf32>
    %get3A_469 = arith.constant 4 : i32
    %get3A_470 = arith.index_cast %get3A_469 : i32 to index
    %get3A_471 = arith.constant 32 : index
    %get3A_472 = tpu.vector_load %arg8[%get3A_470, %get3A_471] {strides = array<i32>} : memref<32x64xf32, #tpu.memory_space<vmem>>, vector<1x16xf32>,
    %get3A_473 = vector.shape_cast %get3A_472 : vector<1x16xf32> to vector<16xf32>
    %get3A_474 = arith.constant 4 : i32
    %get3A_475 = arith.index_cast %get3A_474 : i32 to index
    %get3A_476 = arith.constant 32 : index
    %get3A_477 = tpu.vector_load %arg9[%get3A_475, %get3A_476] {strides = array<i32>} : memref<32x128xf32, #tpu.memory_space<vmem>>, vector<1x16xf32>,
    %get3A_478 = vector.shape_cast %get3A_477 : vector<1x16xf32> to vector<16xf32>
    %sub3A_479 = arith.constant 1.000000e+00 : f32
    %sub3A_480 = arith.subf %sub3A_479, %squeeze3A_420 : f32
    %mul3A_481 = vector.broadcast %sub3A_480 : f32 to vector<16xf32>
    %mul3A_482 = arith.mulf %get3A_478, %mul3A_481 : vector<16xf32>
    %get3A_483 = arith.constant 4 : i32
    %get3A_484 = arith.index_cast %get3A_483 : i32 to index
    %get3A_485 = arith.constant 96 : index
    %get3A_486 = tpu.vector_load %arg9[%get3A_484, %get3A_485] {strides = array<i32>} : memref<32x128xf32, #tpu.memory_space<vmem>>, vector<1x16xf32>,
    %get3A_487 = vector.shape_cast %get3A_486 : vector<1x16xf32> to vector<16xf32>
    %mul3A_488 = vector.broadcast %squeeze3A_420 : f32 to vector<16xf32>
    %mul3A_489 = arith.mulf %get3A_487, %mul3A_488 : vector<16xf32>
    %add3A_490 = arith.addf %mul3A_482, %mul3A_489 : vector<16xf32>
    %mul3A_491 = arith.mulf %get3A_473, %add3A_490 : vector<16xf32>
    %add3A_492 = arith.addf %add3A_468, %mul3A_491 : vector<16xf32>
    %get3A_493 = arith.constant 4 : i32
    %get3A_494 = arith.index_cast %get3A_493 : i32 to index
    %get3A_495 = arith.constant 48 : index
    %get3A_496 = tpu.vector_load %arg8[%get3A_494, %get3A_495] {strides = array<i32>} : memref<32x64xf32, #tpu.memory_space<vmem>>, vector<1x16xf32>,
    %get3A_497 = vector.shape_cast %get3A_496 : vector<1x16xf32> to vector<16xf32>
    %get3A_498 = arith.constant 4 : i32
    %get3A_499 = arith.index_cast %get3A_498 : i32 to index
    %get3A_500 = arith.constant 48 : index
    %get3A_501 = tpu.vector_load %arg9[%get3A_499, %get3A_500] {strides = array<i32>} : memref<32x128xf32, #tpu.memory_space<vmem>>, vector<1x16xf32>,
    %get3A_502 = vector.shape_cast %get3A_501 : vector<1x16xf32> to vector<16xf32>
    %sub3A_503 = arith.constant 1.000000e+00 : f32
    %sub3A_504 = arith.subf %sub3A_503, %squeeze3A_420 : f32
    %mul3A_505 = vector.broadcast %sub3A_504 : f32 to vector<16xf32>
    %mul3A_506 = arith.mulf %get3A_502, %mul3A_505 : vector<16xf32>
    %get3A_507 = arith.constant 4 : i32
    %get3A_508 = arith.index_cast %get3A_507 : i32 to index
    %get3A_509 = arith.constant 112 : index
    %get3A_510 = tpu.vector_load %arg9[%get3A_508, %get3A_509] {strides = array<i32>} : memref<32x128xf32, #tpu.memory_space<vmem>>, vector<1x16xf32>,
    %get3A_511 = vector.shape_cast %get3A_510 : vector<1x16xf32> to vector<16xf32>
    %mul3A_512 = vector.broadcast %squeeze3A_420 : f32 to vector<16xf32>
    %mul3A_513 = arith.mulf %get3A_511, %mul3A_512 : vector<16xf32>
    %add3A_514 = arith.addf %mul3A_506, %mul3A_513 : vector<16xf32>
    %mul3A_515 = arith.mulf %get3A_497, %add3A_514 : vector<16xf32>
    %add3A_516 = arith.addf %add3A_492, %mul3A_515 : vector<16xf32>
    %slice3A_517 = vector.extract_strided_slice %convert_element_type3A {offsets = [5], sizes = [1], strides = [1]} : vector<16xf32> to vector<1xf32>
    %squeeze3A_518 = vector.extract %slice3A_517[0] : f32 from vector<1xf32>
    %get3A_519 = arith.constant 5 : i32
    %get3A_520 = arith.index_cast %get3A_519 : i32 to index
    %get3A_521 = arith.constant 0 : index
    %get3A_522 = tpu.vector_load %arg8[%get3A_520, %get3A_521] {strides = array<i32>} : memref<32x64xf32, #tpu.memory_space<vmem>>, vector<1x16xf32>,
    %get3A_523 = vector.shape_cast %get3A_522 : vector<1x16xf32> to vector<16xf32>
    %get3A_524 = arith.constant 5 : i32
    %get3A_525 = arith.index_cast %get3A_524 : i32 to index
    %get3A_526 = arith.constant 0 : index
    %get3A_527 = tpu.vector_load %arg9[%get3A_525, %get3A_526] {strides = array<i32>} : memref<32x128xf32, #tpu.memory_space<vmem>>, vector<1x16xf32>,
    %get3A_528 = vector.shape_cast %get3A_527 : vector<1x16xf32> to vector<16xf32>
    %sub3A_529 = arith.constant 1.000000e+00 : f32
    %sub3A_530 = arith.subf %sub3A_529, %squeeze3A_518 : f32
    %mul3A_531 = vector.broadcast %sub3A_530 : f32 to vector<16xf32>
    %mul3A_532 = arith.mulf %get3A_528, %mul3A_531 : vector<16xf32>
    %get3A_533 = arith.constant 5 : i32
    %get3A_534 = arith.index_cast %get3A_533 : i32 to index
    %get3A_535 = arith.constant 64 : index
    %get3A_536 = tpu.vector_load %arg9[%get3A_534, %get3A_535] {strides = array<i32>} : memref<32x128xf32, #tpu.memory_space<vmem>>, vector<1x16xf32>,
    %get3A_537 = vector.shape_cast %get3A_536 : vector<1x16xf32> to vector<16xf32>
    %mul3A_538 = vector.broadcast %squeeze3A_518 : f32 to vector<16xf32>
    %mul3A_539 = arith.mulf %get3A_537, %mul3A_538 : vector<16xf32>
    %add3A_540 = arith.addf %mul3A_532, %mul3A_539 : vector<16xf32>
    %mul3A_541 = arith.mulf %get3A_523, %add3A_540 : vector<16xf32>
    %add3A_542 = arith.addf %add3A_516, %mul3A_541 : vector<16xf32>
    %get3A_543 = arith.constant 5 : i32
    %get3A_544 = arith.index_cast %get3A_543 : i32 to index
    %get3A_545 = arith.constant 16 : index
    %get3A_546 = tpu.vector_load %arg8[%get3A_544, %get3A_545] {strides = array<i32>} : memref<32x64xf32, #tpu.memory_space<vmem>>, vector<1x16xf32>,
    %get3A_547 = vector.shape_cast %get3A_546 : vector<1x16xf32> to vector<16xf32>
    %get3A_548 = arith.constant 5 : i32
    %get3A_549 = arith.index_cast %get3A_548 : i32 to index
    %get3A_550 = arith.constant 16 : index
    %get3A_551 = tpu.vector_load %arg9[%get3A_549, %get3A_550] {strides = array<i32>} : memref<32x128xf32, #tpu.memory_space<vmem>>, vector<1x16xf32>,
    %get3A_552 = vector.shape_cast %get3A_551 : vector<1x16xf32> to vector<16xf32>
    %sub3A_553 = arith.constant 1.000000e+00 : f32
    %sub3A_554 = arith.subf %sub3A_553, %squeeze3A_518 : f32
    %mul3A_555 = vector.broadcast %sub3A_554 : f32 to vector<16xf32>
    %mul3A_556 = arith.mulf %get3A_552, %mul3A_555 : vector<16xf32>
    %get3A_557 = arith.constant 5 : i32
    %get3A_558 = arith.index_cast %get3A_557 : i32 to index
    %get3A_559 = arith.constant 80 : index
    %get3A_560 = tpu.vector_load %arg9[%get3A_558, %get3A_559] {strides = array<i32>} : memref<32x128xf32, #tpu.memory_space<vmem>>, vector<1x16xf32>,
    %get3A_561 = vector.shape_cast %get3A_560 : vector<1x16xf32> to vector<16xf32>
    %mul3A_562 = vector.broadcast %squeeze3A_518 : f32 to vector<16xf32>
    %mul3A_563 = arith.mulf %get3A_561, %mul3A_562 : vector<16xf32>
    %add3A_564 = arith.addf %mul3A_556, %mul3A_563 : vector<16xf32>
    %mul3A_565 = arith.mulf %get3A_547, %add3A_564 : vector<16xf32>
    %add3A_566 = arith.addf %add3A_542, %mul3A_565 : vector<16xf32>
    %get3A_567 = arith.constant 5 : i32
    %get3A_568 = arith.index_cast %get3A_567 : i32 to index
    %get3A_569 = arith.constant 32 : index
    %get3A_570 = tpu.vector_load %arg8[%get3A_568, %get3A_569] {strides = array<i32>} : memref<32x64xf32, #tpu.memory_space<vmem>>, vector<1x16xf32>,
    %get3A_571 = vector.shape_cast %get3A_570 : vector<1x16xf32> to vector<16xf32>
    %get3A_572 = arith.constant 5 : i32
    %get3A_573 = arith.index_cast %get3A_572 : i32 to index
    %get3A_574 = arith.constant 32 : index
    %get3A_575 = tpu.vector_load %arg9[%get3A_573, %get3A_574] {strides = array<i32>} : memref<32x128xf32, #tpu.memory_space<vmem>>, vector<1x16xf32>,
    %get3A_576 = vector.shape_cast %get3A_575 : vector<1x16xf32> to vector<16xf32>
    %sub3A_577 = arith.constant 1.000000e+00 : f32
    %sub3A_578 = arith.subf %sub3A_577, %squeeze3A_518 : f32
    %mul3A_579 = vector.broadcast %sub3A_578 : f32 to vector<16xf32>
    %mul3A_580 = arith.mulf %get3A_576, %mul3A_579 : vector<16xf32>
    %get3A_581 = arith.constant 5 : i32
    %get3A_582 = arith.index_cast %get3A_581 : i32 to index
    %get3A_583 = arith.constant 96 : index
    %get3A_584 = tpu.vector_load %arg9[%get3A_582, %get3A_583] {strides = array<i32>} : memref<32x128xf32, #tpu.memory_space<vmem>>, vector<1x16xf32>,
    %get3A_585 = vector.shape_cast %get3A_584 : vector<1x16xf32> to vector<16xf32>
    %mul3A_586 = vector.broadcast %squeeze3A_518 : f32 to vector<16xf32>
    %mul3A_587 = arith.mulf %get3A_585, %mul3A_586 : vector<16xf32>
    %add3A_588 = arith.addf %mul3A_580, %mul3A_587 : vector<16xf32>
    %mul3A_589 = arith.mulf %get3A_571, %add3A_588 : vector<16xf32>
    %add3A_590 = arith.addf %add3A_566, %mul3A_589 : vector<16xf32>
    %get3A_591 = arith.constant 5 : i32
    %get3A_592 = arith.index_cast %get3A_591 : i32 to index
    %get3A_593 = arith.constant 48 : index
    %get3A_594 = tpu.vector_load %arg8[%get3A_592, %get3A_593] {strides = array<i32>} : memref<32x64xf32, #tpu.memory_space<vmem>>, vector<1x16xf32>,
    %get3A_595 = vector.shape_cast %get3A_594 : vector<1x16xf32> to vector<16xf32>
    %get3A_596 = arith.constant 5 : i32
    %get3A_597 = arith.index_cast %get3A_596 : i32 to index
    %get3A_598 = arith.constant 48 : index
    %get3A_599 = tpu.vector_load %arg9[%get3A_597, %get3A_598] {strides = array<i32>} : memref<32x128xf32, #tpu.memory_space<vmem>>, vector<1x16xf32>,
    %get3A_600 = vector.shape_cast %get3A_599 : vector<1x16xf32> to vector<16xf32>
    %sub3A_601 = arith.constant 1.000000e+00 : f32
    %sub3A_602 = arith.subf %sub3A_601, %squeeze3A_518 : f32
    %mul3A_603 = vector.broadcast %sub3A_602 : f32 to vector<16xf32>
    %mul3A_604 = arith.mulf %get3A_600, %mul3A_603 : vector<16xf32>
    %get3A_605 = arith.constant 5 : i32
    %get3A_606 = arith.index_cast %get3A_605 : i32 to index
    %get3A_607 = arith.constant 112 : index
    %get3A_608 = tpu.vector_load %arg9[%get3A_606, %get3A_607] {strides = array<i32>} : memref<32x128xf32, #tpu.memory_space<vmem>>, vector<1x16xf32>,
    %get3A_609 = vector.shape_cast %get3A_608 : vector<1x16xf32> to vector<16xf32>
    %mul3A_610 = vector.broadcast %squeeze3A_518 : f32 to vector<16xf32>
    %mul3A_611 = arith.mulf %get3A_609, %mul3A_610 : vector<16xf32>
    %add3A_612 = arith.addf %mul3A_604, %mul3A_611 : vector<16xf32>
    %mul3A_613 = arith.mulf %get3A_595, %add3A_612 : vector<16xf32>
    %add3A_614 = arith.addf %add3A_590, %mul3A_613 : vector<16xf32>
    %slice3A_615 = vector.extract_strided_slice %convert_element_type3A {offsets = [6], sizes = [1], strides = [1]} : vector<16xf32> to vector<1xf32>
    %squeeze3A_616 = vector.extract %slice3A_615[0] : f32 from vector<1xf32>
    %get3A_617 = arith.constant 6 : i32
    %get3A_618 = arith.index_cast %get3A_617 : i32 to index
    %get3A_619 = arith.constant 0 : index
    %get3A_620 = tpu.vector_load %arg8[%get3A_618, %get3A_619] {strides = array<i32>} : memref<32x64xf32, #tpu.memory_space<vmem>>, vector<1x16xf32>,
    %get3A_621 = vector.shape_cast %get3A_620 : vector<1x16xf32> to vector<16xf32>
    %get3A_622 = arith.constant 6 : i32
    %get3A_623 = arith.index_cast %get3A_622 : i32 to index
    %get3A_624 = arith.constant 0 : index
    %get3A_625 = tpu.vector_load %arg9[%get3A_623, %get3A_624] {strides = array<i32>} : memref<32x128xf32, #tpu.memory_space<vmem>>, vector<1x16xf32>,
    %get3A_626 = vector.shape_cast %get3A_625 : vector<1x16xf32> to vector<16xf32>
    %sub3A_627 = arith.constant 1.000000e+00 : f32
    %sub3A_628 = arith.subf %sub3A_627, %squeeze3A_616 : f32
    %mul3A_629 = vector.broadcast %sub3A_628 : f32 to vector<16xf32>
    %mul3A_630 = arith.mulf %get3A_626, %mul3A_629 : vector<16xf32>
    %get3A_631 = arith.constant 6 : i32
    %get3A_632 = arith.index_cast %get3A_631 : i32 to index
    %get3A_633 = arith.constant 64 : index
    %get3A_634 = tpu.vector_load %arg9[%get3A_632, %get3A_633] {strides = array<i32>} : memref<32x128xf32, #tpu.memory_space<vmem>>, vector<1x16xf32>,
    %get3A_635 = vector.shape_cast %get3A_634 : vector<1x16xf32> to vector<16xf32>
    %mul3A_636 = vector.broadcast %squeeze3A_616 : f32 to vector<16xf32>
    %mul3A_637 = arith.mulf %get3A_635, %mul3A_636 : vector<16xf32>
    %add3A_638 = arith.addf %mul3A_630, %mul3A_637 : vector<16xf32>
    %mul3A_639 = arith.mulf %get3A_621, %add3A_638 : vector<16xf32>
    %add3A_640 = arith.addf %add3A_614, %mul3A_639 : vector<16xf32>
    %get3A_641 = arith.constant 6 : i32
    %get3A_642 = arith.index_cast %get3A_641 : i32 to index
    %get3A_643 = arith.constant 16 : index
    %get3A_644 = tpu.vector_load %arg8[%get3A_642, %get3A_643] {strides = array<i32>} : memref<32x64xf32, #tpu.memory_space<vmem>>, vector<1x16xf32>,
    %get3A_645 = vector.shape_cast %get3A_644 : vector<1x16xf32> to vector<16xf32>
    %get3A_646 = arith.constant 6 : i32
    %get3A_647 = arith.index_cast %get3A_646 : i32 to index
    %get3A_648 = arith.constant 16 : index
    %get3A_649 = tpu.vector_load %arg9[%get3A_647, %get3A_648] {strides = array<i32>} : memref<32x128xf32, #tpu.memory_space<vmem>>, vector<1x16xf32>,
    %get3A_650 = vector.shape_cast %get3A_649 : vector<1x16xf32> to vector<16xf32>
    %sub3A_651 = arith.constant 1.000000e+00 : f32
    %sub3A_652 = arith.subf %sub3A_651, %squeeze3A_616 : f32
    %mul3A_653 = vector.broadcast %sub3A_652 : f32 to vector<16xf32>
    %mul3A_654 = arith.mulf %get3A_650, %mul3A_653 : vector<16xf32>
    %get3A_655 = arith.constant 6 : i32
    %get3A_656 = arith.index_cast %get3A_655 : i32 to index
    %get3A_657 = arith.constant 80 : index
    %get3A_658 = tpu.vector_load %arg9[%get3A_656, %get3A_657] {strides = array<i32>} : memref<32x128xf32, #tpu.memory_space<vmem>>, vector<1x16xf32>,
    %get3A_659 = vector.shape_cast %get3A_658 : vector<1x16xf32> to vector<16xf32>
    %mul3A_660 = vector.broadcast %squeeze3A_616 : f32 to vector<16xf32>
    %mul3A_661 = arith.mulf %get3A_659, %mul3A_660 : vector<16xf32>
    %add3A_662 = arith.addf %mul3A_654, %mul3A_661 : vector<16xf32>
    %mul3A_663 = arith.mulf %get3A_645, %add3A_662 : vector<16xf32>
    %add3A_664 = arith.addf %add3A_640, %mul3A_663 : vector<16xf32>
    %get3A_665 = arith.constant 6 : i32
    %get3A_666 = arith.index_cast %get3A_665 : i32 to index
    %get3A_667 = arith.constant 32 : index
    %get3A_668 = tpu.vector_load %arg8[%get3A_666, %get3A_667] {strides = array<i32>} : memref<32x64xf32, #tpu.memory_space<vmem>>, vector<1x16xf32>,
    %get3A_669 = vector.shape_cast %get3A_668 : vector<1x16xf32> to vector<16xf32>
    %get3A_670 = arith.constant 6 : i32
    %get3A_671 = arith.index_cast %get3A_670 : i32 to index
    %get3A_672 = arith.constant 32 : index
    %get3A_673 = tpu.vector_load %arg9[%get3A_671, %get3A_672] {strides = array<i32>} : memref<32x128xf32, #tpu.memory_space<vmem>>, vector<1x16xf32>,
    %get3A_674 = vector.shape_cast %get3A_673 : vector<1x16xf32> to vector<16xf32>
    %sub3A_675 = arith.constant 1.000000e+00 : f32
    %sub3A_676 = arith.subf %sub3A_675, %squeeze3A_616 : f32
    %mul3A_677 = vector.broadcast %sub3A_676 : f32 to vector<16xf32>
    %mul3A_678 = arith.mulf %get3A_674, %mul3A_677 : vector<16xf32>
    %get3A_679 = arith.constant 6 : i32
    %get3A_680 = arith.index_cast %get3A_679 : i32 to index
    %get3A_681 = arith.constant 96 : index
    %get3A_682 = tpu.vector_load %arg9[%get3A_680, %get3A_681] {strides = array<i32>} : memref<32x128xf32, #tpu.memory_space<vmem>>, vector<1x16xf32>,
    %get3A_683 = vector.shape_cast %get3A_682 : vector<1x16xf32> to vector<16xf32>
    %mul3A_684 = vector.broadcast %squeeze3A_616 : f32 to vector<16xf32>
    %mul3A_685 = arith.mulf %get3A_683, %mul3A_684 : vector<16xf32>
    %add3A_686 = arith.addf %mul3A_678, %mul3A_685 : vector<16xf32>
    %mul3A_687 = arith.mulf %get3A_669, %add3A_686 : vector<16xf32>
    %add3A_688 = arith.addf %add3A_664, %mul3A_687 : vector<16xf32>
    %get3A_689 = arith.constant 6 : i32
    %get3A_690 = arith.index_cast %get3A_689 : i32 to index
    %get3A_691 = arith.constant 48 : index
    %get3A_692 = tpu.vector_load %arg8[%get3A_690, %get3A_691] {strides = array<i32>} : memref<32x64xf32, #tpu.memory_space<vmem>>, vector<1x16xf32>,
    %get3A_693 = vector.shape_cast %get3A_692 : vector<1x16xf32> to vector<16xf32>
    %get3A_694 = arith.constant 6 : i32
    %get3A_695 = arith.index_cast %get3A_694 : i32 to index
    %get3A_696 = arith.constant 48 : index
    %get3A_697 = tpu.vector_load %arg9[%get3A_695, %get3A_696] {strides = array<i32>} : memref<32x128xf32, #tpu.memory_space<vmem>>, vector<1x16xf32>,
    %get3A_698 = vector.shape_cast %get3A_697 : vector<1x16xf32> to vector<16xf32>
    %sub3A_699 = arith.constant 1.000000e+00 : f32
    %sub3A_700 = arith.subf %sub3A_699, %squeeze3A_616 : f32
    %mul3A_701 = vector.broadcast %sub3A_700 : f32 to vector<16xf32>
    %mul3A_702 = arith.mulf %get3A_698, %mul3A_701 : vector<16xf32>
    %get3A_703 = arith.constant 6 : i32
    %get3A_704 = arith.index_cast %get3A_703 : i32 to index
    %get3A_705 = arith.constant 112 : index
    %get3A_706 = tpu.vector_load %arg9[%get3A_704, %get3A_705] {strides = array<i32>} : memref<32x128xf32, #tpu.memory_space<vmem>>, vector<1x16xf32>,
    %get3A_707 = vector.shape_cast %get3A_706 : vector<1x16xf32> to vector<16xf32>
    %mul3A_708 = vector.broadcast %squeeze3A_616 : f32 to vector<16xf32>
    %mul3A_709 = arith.mulf %get3A_707, %mul3A_708 : vector<16xf32>
    %add3A_710 = arith.addf %mul3A_702, %mul3A_709 : vector<16xf32>
    %mul3A_711 = arith.mulf %get3A_693, %add3A_710 : vector<16xf32>
    %add3A_712 = arith.addf %add3A_688, %mul3A_711 : vector<16xf32>
    %slice3A_713 = vector.extract_strided_slice %convert_element_type3A {offsets = [7], sizes = [1], strides = [1]} : vector<16xf32> to vector<1xf32>
    %squeeze3A_714 = vector.extract %slice3A_713[0] : f32 from vector<1xf32>
    %get3A_715 = arith.constant 7 : i32
    %get3A_716 = arith.index_cast %get3A_715 : i32 to index
    %get3A_717 = arith.constant 0 : index
    %get3A_718 = tpu.vector_load %arg8[%get3A_716, %get3A_717] {strides = array<i32>} : memref<32x64xf32, #tpu.memory_space<vmem>>, vector<1x16xf32>,
    %get3A_719 = vector.shape_cast %get3A_718 : vector<1x16xf32> to vector<16xf32>
    %get3A_720 = arith.constant 7 : i32
    %get3A_721 = arith.index_cast %get3A_720 : i32 to index
    %get3A_722 = arith.constant 0 : index
    %get3A_723 = tpu.vector_load %arg9[%get3A_721, %get3A_722] {strides = array<i32>} : memref<32x128xf32, #tpu.memory_space<vmem>>, vector<1x16xf32>,
    %get3A_724 = vector.shape_cast %get3A_723 : vector<1x16xf32> to vector<16xf32>
    %sub3A_725 = arith.constant 1.000000e+00 : f32
    %sub3A_726 = arith.subf %sub3A_725, %squeeze3A_714 : f32
    %mul3A_727 = vector.broadcast %sub3A_726 : f32 to vector<16xf32>
    %mul3A_728 = arith.mulf %get3A_724, %mul3A_727 : vector<16xf32>
    %get3A_729 = arith.constant 7 : i32
    %get3A_730 = arith.index_cast %get3A_729 : i32 to index
    %get3A_731 = arith.constant 64 : index
    %get3A_732 = tpu.vector_load %arg9[%get3A_730, %get3A_731] {strides = array<i32>} : memref<32x128xf32, #tpu.memory_space<vmem>>, vector<1x16xf32>,
    %get3A_733 = vector.shape_cast %get3A_732 : vector<1x16xf32> to vector<16xf32>
    %mul3A_734 = vector.broadcast %squeeze3A_714 : f32 to vector<16xf32>
    %mul3A_735 = arith.mulf %get3A_733, %mul3A_734 : vector<16xf32>
    %add3A_736 = arith.addf %mul3A_728, %mul3A_735 : vector<16xf32>
    %mul3A_737 = arith.mulf %get3A_719, %add3A_736 : vector<16xf32>
    %add3A_738 = arith.addf %add3A_712, %mul3A_737 : vector<16xf32>
    %get3A_739 = arith.constant 7 : i32
    %get3A_740 = arith.index_cast %get3A_739 : i32 to index
    %get3A_741 = arith.constant 16 : index
    %get3A_742 = tpu.vector_load %arg8[%get3A_740, %get3A_741] {strides = array<i32>} : memref<32x64xf32, #tpu.memory_space<vmem>>, vector<1x16xf32>,
    %get3A_743 = vector.shape_cast %get3A_742 : vector<1x16xf32> to vector<16xf32>
    %get3A_744 = arith.constant 7 : i32
    %get3A_745 = arith.index_cast %get3A_744 : i32 to index
    %get3A_746 = arith.constant 16 : index
    %get3A_747 = tpu.vector_load %arg9[%get3A_745, %get3A_746] {strides = array<i32>} : memref<32x128xf32, #tpu.memory_space<vmem>>, vector<1x16xf32>,
    %get3A_748 = vector.shape_cast %get3A_747 : vector<1x16xf32> to vector<16xf32>
    %sub3A_749 = arith.constant 1.000000e+00 : f32
    %sub3A_750 = arith.subf %sub3A_749, %squeeze3A_714 : f32
    %mul3A_751 = vector.broadcast %sub3A_750 : f32 to vector<16xf32>
    %mul3A_752 = arith.mulf %get3A_748, %mul3A_751 : vector<16xf32>
    %get3A_753 = arith.constant 7 : i32
    %get3A_754 = arith.index_cast %get3A_753 : i32 to index
    %get3A_755 = arith.constant 80 : index
    %get3A_756 = tpu.vector_load %arg9[%get3A_754, %get3A_755] {strides = array<i32>} : memref<32x128xf32, #tpu.memory_space<vmem>>, vector<1x16xf32>,
    %get3A_757 = vector.shape_cast %get3A_756 : vector<1x16xf32> to vector<16xf32>
    %mul3A_758 = vector.broadcast %squeeze3A_714 : f32 to vector<16xf32>
    %mul3A_759 = arith.mulf %get3A_757, %mul3A_758 : vector<16xf32>
    %add3A_760 = arith.addf %mul3A_752, %mul3A_759 : vector<16xf32>
    %mul3A_761 = arith.mulf %get3A_743, %add3A_760 : vector<16xf32>
    %add3A_762 = arith.addf %add3A_738, %mul3A_761 : vector<16xf32>
    %get3A_763 = arith.constant 7 : i32
    %get3A_764 = arith.index_cast %get3A_763 : i32 to index
    %get3A_765 = arith.constant 32 : index
    %get3A_766 = tpu.vector_load %arg8[%get3A_764, %get3A_765] {strides = array<i32>} : memref<32x64xf32, #tpu.memory_space<vmem>>, vector<1x16xf32>,
    %get3A_767 = vector.shape_cast %get3A_766 : vector<1x16xf32> to vector<16xf32>
    %get3A_768 = arith.constant 7 : i32
    %get3A_769 = arith.index_cast %get3A_768 : i32 to index
    %get3A_770 = arith.constant 32 : index
    %get3A_771 = tpu.vector_load %arg9[%get3A_769, %get3A_770] {strides = array<i32>} : memref<32x128xf32, #tpu.memory_space<vmem>>, vector<1x16xf32>,
    %get3A_772 = vector.shape_cast %get3A_771 : vector<1x16xf32> to vector<16xf32>
    %sub3A_773 = arith.constant 1.000000e+00 : f32
    %sub3A_774 = arith.subf %sub3A_773, %squeeze3A_714 : f32
    %mul3A_775 = vector.broadcast %sub3A_774 : f32 to vector<16xf32>
    %mul3A_776 = arith.mulf %get3A_772, %mul3A_775 : vector<16xf32>
    %get3A_777 = arith.constant 7 : i32
    %get3A_778 = arith.index_cast %get3A_777 : i32 to index
    %get3A_779 = arith.constant 96 : index
    %get3A_780 = tpu.vector_load %arg9[%get3A_778, %get3A_779] {strides = array<i32>} : memref<32x128xf32, #tpu.memory_space<vmem>>, vector<1x16xf32>,
    %get3A_781 = vector.shape_cast %get3A_780 : vector<1x16xf32> to vector<16xf32>
    %mul3A_782 = vector.broadcast %squeeze3A_714 : f32 to vector<16xf32>
    %mul3A_783 = arith.mulf %get3A_781, %mul3A_782 : vector<16xf32>
    %add3A_784 = arith.addf %mul3A_776, %mul3A_783 : vector<16xf32>
    %mul3A_785 = arith.mulf %get3A_767, %add3A_784 : vector<16xf32>
    %add3A_786 = arith.addf %add3A_762, %mul3A_785 : vector<16xf32>
    %get3A_787 = arith.constant 7 : i32
    %get3A_788 = arith.index_cast %get3A_787 : i32 to index
    %get3A_789 = arith.constant 48 : index
    %get3A_790 = tpu.vector_load %arg8[%get3A_788, %get3A_789] {strides = array<i32>} : memref<32x64xf32, #tpu.memory_space<vmem>>, vector<1x16xf32>,
    %get3A_791 = vector.shape_cast %get3A_790 : vector<1x16xf32> to vector<16xf32>
    %get3A_792 = arith.constant 7 : i32
    %get3A_793 = arith.index_cast %get3A_792 : i32 to index
    %get3A_794 = arith.constant 48 : index
    %get3A_795 = tpu.vector_load %arg9[%get3A_793, %get3A_794] {strides = array<i32>} : memref<32x128xf32, #tpu.memory_space<vmem>>, vector<1x16xf32>,
    %get3A_796 = vector.shape_cast %get3A_795 : vector<1x16xf32> to vector<16xf32>
    %sub3A_797 = arith.constant 1.000000e+00 : f32
    %sub3A_798 = arith.subf %sub3A_797, %squeeze3A_714 : f32
    %mul3A_799 = vector.broadcast %sub3A_798 : f32 to vector<16xf32>
    %mul3A_800 = arith.mulf %get3A_796, %mul3A_799 : vector<16xf32>
    %get3A_801 = arith.constant 7 : i32
    %get3A_802 = arith.index_cast %get3A_801 : i32 to index
    %get3A_803 = arith.constant 112 : index
    %get3A_804 = tpu.vector_load %arg9[%get3A_802, %get3A_803] {strides = array<i32>} : memref<32x128xf32, #tpu.memory_space<vmem>>, vector<1x16xf32>,
    %get3A_805 = vector.shape_cast %get3A_804 : vector<1x16xf32> to vector<16xf32>
    %mul3A_806 = vector.broadcast %squeeze3A_714 : f32 to vector<16xf32>
    %mul3A_807 = arith.mulf %get3A_805, %mul3A_806 : vector<16xf32>
    %add3A_808 = arith.addf %mul3A_800, %mul3A_807 : vector<16xf32>
    %mul3A_809 = arith.mulf %get3A_791, %add3A_808 : vector<16xf32>
    %add3A_810 = arith.addf %add3A_786, %mul3A_809 : vector<16xf32>
    %slice3A_811 = vector.extract_strided_slice %convert_element_type3A {offsets = [8], sizes = [1], strides = [1]} : vector<16xf32> to vector<1xf32>
    %squeeze3A_812 = vector.extract %slice3A_811[0] : f32 from vector<1xf32>
    %get3A_813 = arith.constant 8 : i32
    %get3A_814 = arith.index_cast %get3A_813 : i32 to index
    %get3A_815 = arith.constant 0 : index
    %get3A_816 = tpu.vector_load %arg8[%get3A_814, %get3A_815] {strides = array<i32>} : memref<32x64xf32, #tpu.memory_space<vmem>>, vector<1x16xf32>,
    %get3A_817 = vector.shape_cast %get3A_816 : vector<1x16xf32> to vector<16xf32>
    %get3A_818 = arith.constant 8 : i32
    %get3A_819 = arith.index_cast %get3A_818 : i32 to index
    %get3A_820 = arith.constant 0 : index
    %get3A_821 = tpu.vector_load %arg9[%get3A_819, %get3A_820] {strides = array<i32>} : memref<32x128xf32, #tpu.memory_space<vmem>>, vector<1x16xf32>,
    %get3A_822 = vector.shape_cast %get3A_821 : vector<1x16xf32> to vector<16xf32>
    %sub3A_823 = arith.constant 1.000000e+00 : f32
    %sub3A_824 = arith.subf %sub3A_823, %squeeze3A_812 : f32
    %mul3A_825 = vector.broadcast %sub3A_824 : f32 to vector<16xf32>
    %mul3A_826 = arith.mulf %get3A_822, %mul3A_825 : vector<16xf32>
    %get3A_827 = arith.constant 8 : i32
    %get3A_828 = arith.index_cast %get3A_827 : i32 to index
    %get3A_829 = arith.constant 64 : index
    %get3A_830 = tpu.vector_load %arg9[%get3A_828, %get3A_829] {strides = array<i32>} : memref<32x128xf32, #tpu.memory_space<vmem>>, vector<1x16xf32>,
    %get3A_831 = vector.shape_cast %get3A_830 : vector<1x16xf32> to vector<16xf32>
    %mul3A_832 = vector.broadcast %squeeze3A_812 : f32 to vector<16xf32>
    %mul3A_833 = arith.mulf %get3A_831, %mul3A_832 : vector<16xf32>
    %add3A_834 = arith.addf %mul3A_826, %mul3A_833 : vector<16xf32>
    %mul3A_835 = arith.mulf %get3A_817, %add3A_834 : vector<16xf32>
    %add3A_836 = arith.addf %add3A_810, %mul3A_835 : vector<16xf32>
    %get3A_837 = arith.constant 8 : i32
    %get3A_838 = arith.index_cast %get3A_837 : i32 to index
    %get3A_839 = arith.constant 16 : index
    %get3A_840 = tpu.vector_load %arg8[%get3A_838, %get3A_839] {strides = array<i32>} : memref<32x64xf32, #tpu.memory_space<vmem>>, vector<1x16xf32>,
    %get3A_841 = vector.shape_cast %get3A_840 : vector<1x16xf32> to vector<16xf32>
    %get3A_842 = arith.constant 8 : i32
    %get3A_843 = arith.index_cast %get3A_842 : i32 to index
    %get3A_844 = arith.constant 16 : index
    %get3A_845 = tpu.vector_load %arg9[%get3A_843, %get3A_844] {strides = array<i32>} : memref<32x128xf32, #tpu.memory_space<vmem>>, vector<1x16xf32>,
    %get3A_846 = vector.shape_cast %get3A_845 : vector<1x16xf32> to vector<16xf32>
    %sub3A_847 = arith.constant 1.000000e+00 : f32
    %sub3A_848 = arith.subf %sub3A_847, %squeeze3A_812 : f32
    %mul3A_849 = vector.broadcast %sub3A_848 : f32 to vector<16xf32>
    %mul3A_850 = arith.mulf %get3A_846, %mul3A_849 : vector<16xf32>
    %get3A_851 = arith.constant 8 : i32
    %get3A_852 = arith.index_cast %get3A_851 : i32 to index
    %get3A_853 = arith.constant 80 : index
    %get3A_854 = tpu.vector_load %arg9[%get3A_852, %get3A_853] {strides = array<i32>} : memref<32x128xf32, #tpu.memory_space<vmem>>, vector<1x16xf32>,
    %get3A_855 = vector.shape_cast %get3A_854 : vector<1x16xf32> to vector<16xf32>
    %mul3A_856 = vector.broadcast %squeeze3A_812 : f32 to vector<16xf32>
    %mul3A_857 = arith.mulf %get3A_855, %mul3A_856 : vector<16xf32>
    %add3A_858 = arith.addf %mul3A_850, %mul3A_857 : vector<16xf32>
    %mul3A_859 = arith.mulf %get3A_841, %add3A_858 : vector<16xf32>
    %add3A_860 = arith.addf %add3A_836, %mul3A_859 : vector<16xf32>
    %get3A_861 = arith.constant 8 : i32
    %get3A_862 = arith.index_cast %get3A_861 : i32 to index
    %get3A_863 = arith.constant 32 : index
    %get3A_864 = tpu.vector_load %arg8[%get3A_862, %get3A_863] {strides = array<i32>} : memref<32x64xf32, #tpu.memory_space<vmem>>, vector<1x16xf32>,
    %get3A_865 = vector.shape_cast %get3A_864 : vector<1x16xf32> to vector<16xf32>
    %get3A_866 = arith.constant 8 : i32
    %get3A_867 = arith.index_cast %get3A_866 : i32 to index
    %get3A_868 = arith.constant 32 : index
    %get3A_869 = tpu.vector_load %arg9[%get3A_867, %get3A_868] {strides = array<i32>} : memref<32x128xf32, #tpu.memory_space<vmem>>, vector<1x16xf32>,
    %get3A_870 = vector.shape_cast %get3A_869 : vector<1x16xf32> to vector<16xf32>
    %sub3A_871 = arith.constant 1.000000e+00 : f32
    %sub3A_872 = arith.subf %sub3A_871, %squeeze3A_812 : f32
    %mul3A_873 = vector.broadcast %sub3A_872 : f32 to vector<16xf32>
    %mul3A_874 = arith.mulf %get3A_870, %mul3A_873 : vector<16xf32>
    %get3A_875 = arith.constant 8 : i32
    %get3A_876 = arith.index_cast %get3A_875 : i32 to index
    %get3A_877 = arith.constant 96 : index
    %get3A_878 = tpu.vector_load %arg9[%get3A_876, %get3A_877] {strides = array<i32>} : memref<32x128xf32, #tpu.memory_space<vmem>>, vector<1x16xf32>,
    %get3A_879 = vector.shape_cast %get3A_878 : vector<1x16xf32> to vector<16xf32>
    %mul3A_880 = vector.broadcast %squeeze3A_812 : f32 to vector<16xf32>
    %mul3A_881 = arith.mulf %get3A_879, %mul3A_880 : vector<16xf32>
    %add3A_882 = arith.addf %mul3A_874, %mul3A_881 : vector<16xf32>
    %mul3A_883 = arith.mulf %get3A_865, %add3A_882 : vector<16xf32>
    %add3A_884 = arith.addf %add3A_860, %mul3A_883 : vector<16xf32>
    %get3A_885 = arith.constant 8 : i32
    %get3A_886 = arith.index_cast %get3A_885 : i32 to index
    %get3A_887 = arith.constant 48 : index
    %get3A_888 = tpu.vector_load %arg8[%get3A_886, %get3A_887] {strides = array<i32>} : memref<32x64xf32, #tpu.memory_space<vmem>>, vector<1x16xf32>,
    %get3A_889 = vector.shape_cast %get3A_888 : vector<1x16xf32> to vector<16xf32>
    %get3A_890 = arith.constant 8 : i32
    %get3A_891 = arith.index_cast %get3A_890 : i32 to index
    %get3A_892 = arith.constant 48 : index
    %get3A_893 = tpu.vector_load %arg9[%get3A_891, %get3A_892] {strides = array<i32>} : memref<32x128xf32, #tpu.memory_space<vmem>>, vector<1x16xf32>,
    %get3A_894 = vector.shape_cast %get3A_893 : vector<1x16xf32> to vector<16xf32>
    %sub3A_895 = arith.constant 1.000000e+00 : f32
    %sub3A_896 = arith.subf %sub3A_895, %squeeze3A_812 : f32
    %mul3A_897 = vector.broadcast %sub3A_896 : f32 to vector<16xf32>
    %mul3A_898 = arith.mulf %get3A_894, %mul3A_897 : vector<16xf32>
    %get3A_899 = arith.constant 8 : i32
    %get3A_900 = arith.index_cast %get3A_899 : i32 to index
    %get3A_901 = arith.constant 112 : index
    %get3A_902 = tpu.vector_load %arg9[%get3A_900, %get3A_901] {strides = array<i32>} : memref<32x128xf32, #tpu.memory_space<vmem>>, vector<1x16xf32>,
    %get3A_903 = vector.shape_cast %get3A_902 : vector<1x16xf32> to vector<16xf32>
    %mul3A_904 = vector.broadcast %squeeze3A_812 : f32 to vector<16xf32>
    %mul3A_905 = arith.mulf %get3A_903, %mul3A_904 : vector<16xf32>
    %add3A_906 = arith.addf %mul3A_898, %mul3A_905 : vector<16xf32>
    %mul3A_907 = arith.mulf %get3A_889, %add3A_906 : vector<16xf32>
    %add3A_908 = arith.addf %add3A_884, %mul3A_907 : vector<16xf32>
    %slice3A_909 = vector.extract_strided_slice %convert_element_type3A {offsets = [9], sizes = [1], strides = [1]} : vector<16xf32> to vector<1xf32>
    %squeeze3A_910 = vector.extract %slice3A_909[0] : f32 from vector<1xf32>
    %get3A_911 = arith.constant 9 : i32
    %get3A_912 = arith.index_cast %get3A_911 : i32 to index
    %get3A_913 = arith.constant 0 : index
    %get3A_914 = tpu.vector_load %arg8[%get3A_912, %get3A_913] {strides = array<i32>} : memref<32x64xf32, #tpu.memory_space<vmem>>, vector<1x16xf32>,
    %get3A_915 = vector.shape_cast %get3A_914 : vector<1x16xf32> to vector<16xf32>
    %get3A_916 = arith.constant 9 : i32
    %get3A_917 = arith.index_cast %get3A_916 : i32 to index
    %get3A_918 = arith.constant 0 : index
    %get3A_919 = tpu.vector_load %arg9[%get3A_917, %get3A_918] {strides = array<i32>} : memref<32x128xf32, #tpu.memory_space<vmem>>, vector<1x16xf32>,
    %get3A_920 = vector.shape_cast %get3A_919 : vector<1x16xf32> to vector<16xf32>
    %sub3A_921 = arith.constant 1.000000e+00 : f32
    %sub3A_922 = arith.subf %sub3A_921, %squeeze3A_910 : f32
    %mul3A_923 = vector.broadcast %sub3A_922 : f32 to vector<16xf32>
    %mul3A_924 = arith.mulf %get3A_920, %mul3A_923 : vector<16xf32>
    %get3A_925 = arith.constant 9 : i32
    %get3A_926 = arith.index_cast %get3A_925 : i32 to index
    %get3A_927 = arith.constant 64 : index
    %get3A_928 = tpu.vector_load %arg9[%get3A_926, %get3A_927] {strides = array<i32>} : memref<32x128xf32, #tpu.memory_space<vmem>>, vector<1x16xf32>,
    %get3A_929 = vector.shape_cast %get3A_928 : vector<1x16xf32> to vector<16xf32>
    %mul3A_930 = vector.broadcast %squeeze3A_910 : f32 to vector<16xf32>
    %mul3A_931 = arith.mulf %get3A_929, %mul3A_930 : vector<16xf32>
    %add3A_932 = arith.addf %mul3A_924, %mul3A_931 : vector<16xf32>
    %mul3A_933 = arith.mulf %get3A_915, %add3A_932 : vector<16xf32>
    %add3A_934 = arith.addf %add3A_908, %mul3A_933 : vector<16xf32>
    %get3A_935 = arith.constant 9 : i32
    %get3A_936 = arith.index_cast %get3A_935 : i32 to index
    %get3A_937 = arith.constant 16 : index
    %get3A_938 = tpu.vector_load %arg8[%get3A_936, %get3A_937] {strides = array<i32>} : memref<32x64xf32, #tpu.memory_space<vmem>>, vector<1x16xf32>,
    %get3A_939 = vector.shape_cast %get3A_938 : vector<1x16xf32> to vector<16xf32>
    %get3A_940 = arith.constant 9 : i32
    %get3A_941 = arith.index_cast %get3A_940 : i32 to index
    %get3A_942 = arith.constant 16 : index
    %get3A_943 = tpu.vector_load %arg9[%get3A_941, %get3A_942] {strides = array<i32>} : memref<32x128xf32, #tpu.memory_space<vmem>>, vector<1x16xf32>,
    %get3A_944 = vector.shape_cast %get3A_943 : vector<1x16xf32> to vector<16xf32>
    %sub3A_945 = arith.constant 1.000000e+00 : f32
    %sub3A_946 = arith.subf %sub3A_945, %squeeze3A_910 : f32
    %mul3A_947 = vector.broadcast %sub3A_946 : f32 to vector<16xf32>
    %mul3A_948 = arith.mulf %get3A_944, %mul3A_947 : vector<16xf32>
    %get3A_949 = arith.constant 9 : i32
    %get3A_950 = arith.index_cast %get3A_949 : i32 to index
    %get3A_951 = arith.constant 80 : index
    %get3A_952 = tpu.vector_load %arg9[%get3A_950, %get3A_951] {strides = array<i32>} : memref<32x128xf32, #tpu.memory_space<vmem>>, vector<1x16xf32>,
    %get3A_953 = vector.shape_cast %get3A_952 : vector<1x16xf32> to vector<16xf32>
    %mul3A_954 = vector.broadcast %squeeze3A_910 : f32 to vector<16xf32>
    %mul3A_955 = arith.mulf %get3A_953, %mul3A_954 : vector<16xf32>
    %add3A_956 = arith.addf %mul3A_948, %mul3A_955 : vector<16xf32>
    %mul3A_957 = arith.mulf %get3A_939, %add3A_956 : vector<16xf32>
    %add3A_958 = arith.addf %add3A_934, %mul3A_957 : vector<16xf32>
    %get3A_959 = arith.constant 9 : i32
    %get3A_960 = arith.index_cast %get3A_959 : i32 to index
    %get3A_961 = arith.constant 32 : index
    %get3A_962 = tpu.vector_load %arg8[%get3A_960, %get3A_961] {strides = array<i32>} : memref<32x64xf32, #tpu.memory_space<vmem>>, vector<1x16xf32>,
    %get3A_963 = vector.shape_cast %get3A_962 : vector<1x16xf32> to vector<16xf32>
    %get3A_964 = arith.constant 9 : i32
    %get3A_965 = arith.index_cast %get3A_964 : i32 to index
    %get3A_966 = arith.constant 32 : index
    %get3A_967 = tpu.vector_load %arg9[%get3A_965, %get3A_966] {strides = array<i32>} : memref<32x128xf32, #tpu.memory_space<vmem>>, vector<1x16xf32>,
    %get3A_968 = vector.shape_cast %get3A_967 : vector<1x16xf32> to vector<16xf32>
    %sub3A_969 = arith.constant 1.000000e+00 : f32
    %sub3A_970 = arith.subf %sub3A_969, %squeeze3A_910 : f32
    %mul3A_971 = vector.broadcast %sub3A_970 : f32 to vector<16xf32>
    %mul3A_972 = arith.mulf %get3A_968, %mul3A_971 : vector<16xf32>
    %get3A_973 = arith.constant 9 : i32
    %get3A_974 = arith.index_cast %get3A_973 : i32 to index
    %get3A_975 = arith.constant 96 : index
    %get3A_976 = tpu.vector_load %arg9[%get3A_974, %get3A_975] {strides = array<i32>} : memref<32x128xf32, #tpu.memory_space<vmem>>, vector<1x16xf32>,
    %get3A_977 = vector.shape_cast %get3A_976 : vector<1x16xf32> to vector<16xf32>
    %mul3A_978 = vector.broadcast %squeeze3A_910 : f32 to vector<16xf32>
    %mul3A_979 = arith.mulf %get3A_977, %mul3A_978 : vector<16xf32>
    %add3A_980 = arith.addf %mul3A_972, %mul3A_979 : vector<16xf32>
    %mul3A_981 = arith.mulf %get3A_963, %add3A_980 : vector<16xf32>
    %add3A_982 = arith.addf %add3A_958, %mul3A_981 : vector<16xf32>
    %get3A_983 = arith.constant 9 : i32
    %get3A_984 = arith.index_cast %get3A_983 : i32 to index
    %get3A_985 = arith.constant 48 : index
    %get3A_986 = tpu.vector_load %arg8[%get3A_984, %get3A_985] {strides = array<i32>} : memref<32x64xf32, #tpu.memory_space<vmem>>, vector<1x16xf32>,
    %get3A_987 = vector.shape_cast %get3A_986 : vector<1x16xf32> to vector<16xf32>
    %get3A_988 = arith.constant 9 : i32
    %get3A_989 = arith.index_cast %get3A_988 : i32 to index
    %get3A_990 = arith.constant 48 : index
    %get3A_991 = tpu.vector_load %arg9[%get3A_989, %get3A_990] {strides = array<i32>} : memref<32x128xf32, #tpu.memory_space<vmem>>, vector<1x16xf32>,
    %get3A_992 = vector.shape_cast %get3A_991 : vector<1x16xf32> to vector<16xf32>
    %sub3A_993 = arith.constant 1.000000e+00 : f32
    %sub3A_994 = arith.subf %sub3A_993, %squeeze3A_910 : f32
    %mul3A_995 = vector.broadcast %sub3A_994 : f32 to vector<16xf32>
    %mul3A_996 = arith.mulf %get3A_992, %mul3A_995 : vector<16xf32>
    %get3A_997 = arith.constant 9 : i32
    %get3A_998 = arith.index_cast %get3A_997 : i32 to index
    %get3A_999 = arith.constant 112 : index
    %get3A_1000 = tpu.vector_load %arg9[%get3A_998, %get3A_999] {strides = array<i32>} : memref<32x128xf32, #tpu.memory_space<vmem>>, vector<1x16xf32>,
    %get3A_1001 = vector.shape_cast %get3A_1000 : vector<1x16xf32> to vector<16xf32>
    %mul3A_1002 = vector.broadcast %squeeze3A_910 : f32 to vector<16xf32>
    %mul3A_1003 = arith.mulf %get3A_1001, %mul3A_1002 : vector<16xf32>
    %add3A_1004 = arith.addf %mul3A_996, %mul3A_1003 : vector<16xf32>
    %mul3A_1005 = arith.mulf %get3A_987, %add3A_1004 : vector<16xf32>
    %add3A_1006 = arith.addf %add3A_982, %mul3A_1005 : vector<16xf32>
    %slice3A_1007 = vector.extract_strided_slice %convert_element_type3A {offsets = [10], sizes = [1], strides = [1]} : vector<16xf32> to vector<1xf32>
    %squeeze3A_1008 = vector.extract %slice3A_1007[0] : f32 from vector<1xf32>
    %get3A_1009 = arith.constant 10 : i32
    %get3A_1010 = arith.index_cast %get3A_1009 : i32 to index
    %get3A_1011 = arith.constant 0 : index
    %get3A_1012 = tpu.vector_load %arg8[%get3A_1010, %get3A_1011] {strides = array<i32>} : memref<32x64xf32, #tpu.memory_space<vmem>>, vector<1x16xf32>,
    %get3A_1013 = vector.shape_cast %get3A_1012 : vector<1x16xf32> to vector<16xf32>
    %get3A_1014 = arith.constant 10 : i32
    %get3A_1015 = arith.index_cast %get3A_1014 : i32 to index
    %get3A_1016 = arith.constant 0 : index
    %get3A_1017 = tpu.vector_load %arg9[%get3A_1015, %get3A_1016] {strides = array<i32>} : memref<32x128xf32, #tpu.memory_space<vmem>>, vector<1x16xf32>,
    %get3A_1018 = vector.shape_cast %get3A_1017 : vector<1x16xf32> to vector<16xf32>
    %sub3A_1019 = arith.constant 1.000000e+00 : f32
    %sub3A_1020 = arith.subf %sub3A_1019, %squeeze3A_1008 : f32
    %mul3A_1021 = vector.broadcast %sub3A_1020 : f32 to vector<16xf32>
    %mul3A_1022 = arith.mulf %get3A_1018, %mul3A_1021 : vector<16xf32>
    %get3A_1023 = arith.constant 10 : i32
    %get3A_1024 = arith.index_cast %get3A_1023 : i32 to index
    %get3A_1025 = arith.constant 64 : index
    %get3A_1026 = tpu.vector_load %arg9[%get3A_1024, %get3A_1025] {strides = array<i32>} : memref<32x128xf32, #tpu.memory_space<vmem>>, vector<1x16xf32>,
    %get3A_1027 = vector.shape_cast %get3A_1026 : vector<1x16xf32> to vector<16xf32>
    %mul3A_1028 = vector.broadcast %squeeze3A_1008 : f32 to vector<16xf32>
    %mul3A_1029 = arith.mulf %get3A_1027, %mul3A_1028 : vector<16xf32>
    %add3A_1030 = arith.addf %mul3A_1022, %mul3A_1029 : vector<16xf32>
    %mul3A_1031 = arith.mulf %get3A_1013, %add3A_1030 : vector<16xf32>
    %add3A_1032 = arith.addf %add3A_1006, %mul3A_1031 : vector<16xf32>
    %get3A_1033 = arith.constant 10 : i32
    %get3A_1034 = arith.index_cast %get3A_1033 : i32 to index
    %get3A_1035 = arith.constant 16 : index
    %get3A_1036 = tpu.vector_load %arg8[%get3A_1034, %get3A_1035] {strides = array<i32>} : memref<32x64xf32, #tpu.memory_space<vmem>>, vector<1x16xf32>,
    %get3A_1037 = vector.shape_cast %get3A_1036 : vector<1x16xf32> to vector<16xf32>
    %get3A_1038 = arith.constant 10 : i32
    %get3A_1039 = arith.index_cast %get3A_1038 : i32 to index
    %get3A_1040 = arith.constant 16 : index
    %get3A_1041 = tpu.vector_load %arg9[%get3A_1039, %get3A_1040] {strides = array<i32>} : memref<32x128xf32, #tpu.memory_space<vmem>>, vector<1x16xf32>,
    %get3A_1042 = vector.shape_cast %get3A_1041 : vector<1x16xf32> to vector<16xf32>
    %sub3A_1043 = arith.constant 1.000000e+00 : f32
    %sub3A_1044 = arith.subf %sub3A_1043, %squeeze3A_1008 : f32
    %mul3A_1045 = vector.broadcast %sub3A_1044 : f32 to vector<16xf32>
    %mul3A_1046 = arith.mulf %get3A_1042, %mul3A_1045 : vector<16xf32>
    %get3A_1047 = arith.constant 10 : i32
    %get3A_1048 = arith.index_cast %get3A_1047 : i32 to index
    %get3A_1049 = arith.constant 80 : index
    %get3A_1050 = tpu.vector_load %arg9[%get3A_1048, %get3A_1049] {strides = array<i32>} : memref<32x128xf32, #tpu.memory_space<vmem>>, vector<1x16xf32>,
    %get3A_1051 = vector.shape_cast %get3A_1050 : vector<1x16xf32> to vector<16xf32>
    %mul3A_1052 = vector.broadcast %squeeze3A_1008 : f32 to vector<16xf32>
    %mul3A_1053 = arith.mulf %get3A_1051, %mul3A_1052 : vector<16xf32>
    %add3A_1054 = arith.addf %mul3A_1046, %mul3A_1053 : vector<16xf32>
    %mul3A_1055 = arith.mulf %get3A_1037, %add3A_1054 : vector<16xf32>
    %add3A_1056 = arith.addf %add3A_1032, %mul3A_1055 : vector<16xf32>
    %get3A_1057 = arith.constant 10 : i32
    %get3A_1058 = arith.index_cast %get3A_1057 : i32 to index
    %get3A_1059 = arith.constant 32 : index
    %get3A_1060 = tpu.vector_load %arg8[%get3A_1058, %get3A_1059] {strides = array<i32>} : memref<32x64xf32, #tpu.memory_space<vmem>>, vector<1x16xf32>,
    %get3A_1061 = vector.shape_cast %get3A_1060 : vector<1x16xf32> to vector<16xf32>
    %get3A_1062 = arith.constant 10 : i32
    %get3A_1063 = arith.index_cast %get3A_1062 : i32 to index
    %get3A_1064 = arith.constant 32 : index
    %get3A_1065 = tpu.vector_load %arg9[%get3A_1063, %get3A_1064] {strides = array<i32>} : memref<32x128xf32, #tpu.memory_space<vmem>>, vector<1x16xf32>,
    %get3A_1066 = vector.shape_cast %get3A_1065 : vector<1x16xf32> to vector<16xf32>
    %sub3A_1067 = arith.constant 1.000000e+00 : f32
    %sub3A_1068 = arith.subf %sub3A_1067, %squeeze3A_1008 : f32
    %mul3A_1069 = vector.broadcast %sub3A_1068 : f32 to vector<16xf32>
    %mul3A_1070 = arith.mulf %get3A_1066, %mul3A_1069 : vector<16xf32>
    %get3A_1071 = arith.constant 10 : i32
    %get3A_1072 = arith.index_cast %get3A_1071 : i32 to index
    %get3A_1073 = arith.constant 96 : index
    %get3A_1074 = tpu.vector_load %arg9[%get3A_1072, %get3A_1073] {strides = array<i32>} : memref<32x128xf32, #tpu.memory_space<vmem>>, vector<1x16xf32>,
    %get3A_1075 = vector.shape_cast %get3A_1074 : vector<1x16xf32> to vector<16xf32>
    %mul3A_1076 = vector.broadcast %squeeze3A_1008 : f32 to vector<16xf32>
    %mul3A_1077 = arith.mulf %get3A_1075, %mul3A_1076 : vector<16xf32>
    %add3A_1078 = arith.addf %mul3A_1070, %mul3A_1077 : vector<16xf32>
    %mul3A_1079 = arith.mulf %get3A_1061, %add3A_1078 : vector<16xf32>
    %add3A_1080 = arith.addf %add3A_1056, %mul3A_1079 : vector<16xf32>
    %get3A_1081 = arith.constant 10 : i32
    %get3A_1082 = arith.index_cast %get3A_1081 : i32 to index
    %get3A_1083 = arith.constant 48 : index
    %get3A_1084 = tpu.vector_load %arg8[%get3A_1082, %get3A_1083] {strides = array<i32>} : memref<32x64xf32, #tpu.memory_space<vmem>>, vector<1x16xf32>,
    %get3A_1085 = vector.shape_cast %get3A_1084 : vector<1x16xf32> to vector<16xf32>
    %get3A_1086 = arith.constant 10 : i32
    %get3A_1087 = arith.index_cast %get3A_1086 : i32 to index
    %get3A_1088 = arith.constant 48 : index
    %get3A_1089 = tpu.vector_load %arg9[%get3A_1087, %get3A_1088] {strides = array<i32>} : memref<32x128xf32, #tpu.memory_space<vmem>>, vector<1x16xf32>,
    %get3A_1090 = vector.shape_cast %get3A_1089 : vector<1x16xf32> to vector<16xf32>
    %sub3A_1091 = arith.constant 1.000000e+00 : f32
    %sub3A_1092 = arith.subf %sub3A_1091, %squeeze3A_1008 : f32
    %mul3A_1093 = vector.broadcast %sub3A_1092 : f32 to vector<16xf32>
    %mul3A_1094 = arith.mulf %get3A_1090, %mul3A_1093 : vector<16xf32>
    %get3A_1095 = arith.constant 10 : i32
    %get3A_1096 = arith.index_cast %get3A_1095 : i32 to index
    %get3A_1097 = arith.constant 112 : index
    %get3A_1098 = tpu.vector_load %arg9[%get3A_1096, %get3A_1097] {strides = array<i32>} : memref<32x128xf32, #tpu.memory_space<vmem>>, vector<1x16xf32>,
    %get3A_1099 = vector.shape_cast %get3A_1098 : vector<1x16xf32> to vector<16xf32>
    %mul3A_1100 = vector.broadcast %squeeze3A_1008 : f32 to vector<16xf32>
    %mul3A_1101 = arith.mulf %get3A_1099, %mul3A_1100 : vector<16xf32>
    %add3A_1102 = arith.addf %mul3A_1094, %mul3A_1101 : vector<16xf32>
    %mul3A_1103 = arith.mulf %get3A_1085, %add3A_1102 : vector<16xf32>
    %add3A_1104 = arith.addf %add3A_1080, %mul3A_1103 : vector<16xf32>
    %slice3A_1105 = vector.extract_strided_slice %convert_element_type3A {offsets = [11], sizes = [1], strides = [1]} : vector<16xf32> to vector<1xf32>
    %squeeze3A_1106 = vector.extract %slice3A_1105[0] : f32 from vector<1xf32>
    %get3A_1107 = arith.constant 11 : i32
    %get3A_1108 = arith.index_cast %get3A_1107 : i32 to index
    %get3A_1109 = arith.constant 0 : index
    %get3A_1110 = tpu.vector_load %arg8[%get3A_1108, %get3A_1109] {strides = array<i32>} : memref<32x64xf32, #tpu.memory_space<vmem>>, vector<1x16xf32>,
    %get3A_1111 = vector.shape_cast %get3A_1110 : vector<1x16xf32> to vector<16xf32>
    %get3A_1112 = arith.constant 11 : i32
    %get3A_1113 = arith.index_cast %get3A_1112 : i32 to index
    %get3A_1114 = arith.constant 0 : index
    %get3A_1115 = tpu.vector_load %arg9[%get3A_1113, %get3A_1114] {strides = array<i32>} : memref<32x128xf32, #tpu.memory_space<vmem>>, vector<1x16xf32>,
    %get3A_1116 = vector.shape_cast %get3A_1115 : vector<1x16xf32> to vector<16xf32>
    %sub3A_1117 = arith.constant 1.000000e+00 : f32
    %sub3A_1118 = arith.subf %sub3A_1117, %squeeze3A_1106 : f32
    %mul3A_1119 = vector.broadcast %sub3A_1118 : f32 to vector<16xf32>
    %mul3A_1120 = arith.mulf %get3A_1116, %mul3A_1119 : vector<16xf32>
    %get3A_1121 = arith.constant 11 : i32
    %get3A_1122 = arith.index_cast %get3A_1121 : i32 to index
    %get3A_1123 = arith.constant 64 : index
    %get3A_1124 = tpu.vector_load %arg9[%get3A_1122, %get3A_1123] {strides = array<i32>} : memref<32x128xf32, #tpu.memory_space<vmem>>, vector<1x16xf32>,
    %get3A_1125 = vector.shape_cast %get3A_1124 : vector<1x16xf32> to vector<16xf32>
    %mul3A_1126 = vector.broadcast %squeeze3A_1106 : f32 to vector<16xf32>
    %mul3A_1127 = arith.mulf %get3A_1125, %mul3A_1126 : vector<16xf32>
    %add3A_1128 = arith.addf %mul3A_1120, %mul3A_1127 : vector<16xf32>
    %mul3A_1129 = arith.mulf %get3A_1111, %add3A_1128 : vector<16xf32>
    %add3A_1130 = arith.addf %add3A_1104, %mul3A_1129 : vector<16xf32>
    %get3A_1131 = arith.constant 11 : i32
    %get3A_1132 = arith.index_cast %get3A_1131 : i32 to index
    %get3A_1133 = arith.constant 16 : index
    %get3A_1134 = tpu.vector_load %arg8[%get3A_1132, %get3A_1133] {strides = array<i32>} : memref<32x64xf32, #tpu.memory_space<vmem>>, vector<1x16xf32>,
    %get3A_1135 = vector.shape_cast %get3A_1134 : vector<1x16xf32> to vector<16xf32>
    %get3A_1136 = arith.constant 11 : i32
    %get3A_1137 = arith.index_cast %get3A_1136 : i32 to index
    %get3A_1138 = arith.constant 16 : index
    %get3A_1139 = tpu.vector_load %arg9[%get3A_1137, %get3A_1138] {strides = array<i32>} : memref<32x128xf32, #tpu.memory_space<vmem>>, vector<1x16xf32>,
    %get3A_1140 = vector.shape_cast %get3A_1139 : vector<1x16xf32> to vector<16xf32>
    %sub3A_1141 = arith.constant 1.000000e+00 : f32
    %sub3A_1142 = arith.subf %sub3A_1141, %squeeze3A_1106 : f32
    %mul3A_1143 = vector.broadcast %sub3A_1142 : f32 to vector<16xf32>
    %mul3A_1144 = arith.mulf %get3A_1140, %mul3A_1143 : vector<16xf32>
    %get3A_1145 = arith.constant 11 : i32
    %get3A_1146 = arith.index_cast %get3A_1145 : i32 to index
    %get3A_1147 = arith.constant 80 : index
    %get3A_1148 = tpu.vector_load %arg9[%get3A_1146, %get3A_1147] {strides = array<i32>} : memref<32x128xf32, #tpu.memory_space<vmem>>, vector<1x16xf32>,
    %get3A_1149 = vector.shape_cast %get3A_1148 : vector<1x16xf32> to vector<16xf32>
    %mul3A_1150 = vector.broadcast %squeeze3A_1106 : f32 to vector<16xf32>
    %mul3A_1151 = arith.mulf %get3A_1149, %mul3A_1150 : vector<16xf32>
    %add3A_1152 = arith.addf %mul3A_1144, %mul3A_1151 : vector<16xf32>
    %mul3A_1153 = arith.mulf %get3A_1135, %add3A_1152 : vector<16xf32>
    %add3A_1154 = arith.addf %add3A_1130, %mul3A_1153 : vector<16xf32>
    %get3A_1155 = arith.constant 11 : i32
    %get3A_1156 = arith.index_cast %get3A_1155 : i32 to index
    %get3A_1157 = arith.constant 32 : index
    %get3A_1158 = tpu.vector_load %arg8[%get3A_1156, %get3A_1157] {strides = array<i32>} : memref<32x64xf32, #tpu.memory_space<vmem>>, vector<1x16xf32>,
    %get3A_1159 = vector.shape_cast %get3A_1158 : vector<1x16xf32> to vector<16xf32>
    %get3A_1160 = arith.constant 11 : i32
    %get3A_1161 = arith.index_cast %get3A_1160 : i32 to index
    %get3A_1162 = arith.constant 32 : index
    %get3A_1163 = tpu.vector_load %arg9[%get3A_1161, %get3A_1162] {strides = array<i32>} : memref<32x128xf32, #tpu.memory_space<vmem>>, vector<1x16xf32>,
    %get3A_1164 = vector.shape_cast %get3A_1163 : vector<1x16xf32> to vector<16xf32>
    %sub3A_1165 = arith.constant 1.000000e+00 : f32
    %sub3A_1166 = arith.subf %sub3A_1165, %squeeze3A_1106 : f32
    %mul3A_1167 = vector.broadcast %sub3A_1166 : f32 to vector<16xf32>
    %mul3A_1168 = arith.mulf %get3A_1164, %mul3A_1167 : vector<16xf32>
    %get3A_1169 = arith.constant 11 : i32
    %get3A_1170 = arith.index_cast %get3A_1169 : i32 to index
    %get3A_1171 = arith.constant 96 : index
    %get3A_1172 = tpu.vector_load %arg9[%get3A_1170, %get3A_1171] {strides = array<i32>} : memref<32x128xf32, #tpu.memory_space<vmem>>, vector<1x16xf32>,
    %get3A_1173 = vector.shape_cast %get3A_1172 : vector<1x16xf32> to vector<16xf32>
    %mul3A_1174 = vector.broadcast %squeeze3A_1106 : f32 to vector<16xf32>
    %mul3A_1175 = arith.mulf %get3A_1173, %mul3A_1174 : vector<16xf32>
    %add3A_1176 = arith.addf %mul3A_1168, %mul3A_1175 : vector<16xf32>
    %mul3A_1177 = arith.mulf %get3A_1159, %add3A_1176 : vector<16xf32>
    %add3A_1178 = arith.addf %add3A_1154, %mul3A_1177 : vector<16xf32>
    %get3A_1179 = arith.constant 11 : i32
    %get3A_1180 = arith.index_cast %get3A_1179 : i32 to index
    %get3A_1181 = arith.constant 48 : index
    %get3A_1182 = tpu.vector_load %arg8[%get3A_1180, %get3A_1181] {strides = array<i32>} : memref<32x64xf32, #tpu.memory_space<vmem>>, vector<1x16xf32>,
    %get3A_1183 = vector.shape_cast %get3A_1182 : vector<1x16xf32> to vector<16xf32>
    %get3A_1184 = arith.constant 11 : i32
    %get3A_1185 = arith.index_cast %get3A_1184 : i32 to index
    %get3A_1186 = arith.constant 48 : index
    %get3A_1187 = tpu.vector_load %arg9[%get3A_1185, %get3A_1186] {strides = array<i32>} : memref<32x128xf32, #tpu.memory_space<vmem>>, vector<1x16xf32>,
    %get3A_1188 = vector.shape_cast %get3A_1187 : vector<1x16xf32> to vector<16xf32>
    %sub3A_1189 = arith.constant 1.000000e+00 : f32
    %sub3A_1190 = arith.subf %sub3A_1189, %squeeze3A_1106 : f32
    %mul3A_1191 = vector.broadcast %sub3A_1190 : f32 to vector<16xf32>
    %mul3A_1192 = arith.mulf %get3A_1188, %mul3A_1191 : vector<16xf32>
    %get3A_1193 = arith.constant 11 : i32
    %get3A_1194 = arith.index_cast %get3A_1193 : i32 to index
    %get3A_1195 = arith.constant 112 : index
    %get3A_1196 = tpu.vector_load %arg9[%get3A_1194, %get3A_1195] {strides = array<i32>} : memref<32x128xf32, #tpu.memory_space<vmem>>, vector<1x16xf32>,
    %get3A_1197 = vector.shape_cast %get3A_1196 : vector<1x16xf32> to vector<16xf32>
    %mul3A_1198 = vector.broadcast %squeeze3A_1106 : f32 to vector<16xf32>
    %mul3A_1199 = arith.mulf %get3A_1197, %mul3A_1198 : vector<16xf32>
    %add3A_1200 = arith.addf %mul3A_1192, %mul3A_1199 : vector<16xf32>
    %mul3A_1201 = arith.mulf %get3A_1183, %add3A_1200 : vector<16xf32>
    %add3A_1202 = arith.addf %add3A_1178, %mul3A_1201 : vector<16xf32>
    %slice3A_1203 = vector.extract_strided_slice %convert_element_type3A {offsets = [12], sizes = [1], strides = [1]} : vector<16xf32> to vector<1xf32>
    %squeeze3A_1204 = vector.extract %slice3A_1203[0] : f32 from vector<1xf32>
    %get3A_1205 = arith.constant 12 : i32
    %get3A_1206 = arith.index_cast %get3A_1205 : i32 to index
    %get3A_1207 = arith.constant 0 : index
    %get3A_1208 = tpu.vector_load %arg8[%get3A_1206, %get3A_1207] {strides = array<i32>} : memref<32x64xf32, #tpu.memory_space<vmem>>, vector<1x16xf32>,
    %get3A_1209 = vector.shape_cast %get3A_1208 : vector<1x16xf32> to vector<16xf32>
    %get3A_1210 = arith.constant 12 : i32
    %get3A_1211 = arith.index_cast %get3A_1210 : i32 to index
    %get3A_1212 = arith.constant 0 : index
    %get3A_1213 = tpu.vector_load %arg9[%get3A_1211, %get3A_1212] {strides = array<i32>} : memref<32x128xf32, #tpu.memory_space<vmem>>, vector<1x16xf32>,
    %get3A_1214 = vector.shape_cast %get3A_1213 : vector<1x16xf32> to vector<16xf32>
    %sub3A_1215 = arith.constant 1.000000e+00 : f32
    %sub3A_1216 = arith.subf %sub3A_1215, %squeeze3A_1204 : f32
    %mul3A_1217 = vector.broadcast %sub3A_1216 : f32 to vector<16xf32>
    %mul3A_1218 = arith.mulf %get3A_1214, %mul3A_1217 : vector<16xf32>
    %get3A_1219 = arith.constant 12 : i32
    %get3A_1220 = arith.index_cast %get3A_1219 : i32 to index
    %get3A_1221 = arith.constant 64 : index
    %get3A_1222 = tpu.vector_load %arg9[%get3A_1220, %get3A_1221] {strides = array<i32>} : memref<32x128xf32, #tpu.memory_space<vmem>>, vector<1x16xf32>,
    %get3A_1223 = vector.shape_cast %get3A_1222 : vector<1x16xf32> to vector<16xf32>
    %mul3A_1224 = vector.broadcast %squeeze3A_1204 : f32 to vector<16xf32>
    %mul3A_1225 = arith.mulf %get3A_1223, %mul3A_1224 : vector<16xf32>
    %add3A_1226 = arith.addf %mul3A_1218, %mul3A_1225 : vector<16xf32>
    %mul3A_1227 = arith.mulf %get3A_1209, %add3A_1226 : vector<16xf32>
    %add3A_1228 = arith.addf %add3A_1202, %mul3A_1227 : vector<16xf32>
    %get3A_1229 = arith.constant 12 : i32
    %get3A_1230 = arith.index_cast %get3A_1229 : i32 to index
    %get3A_1231 = arith.constant 16 : index
    %get3A_1232 = tpu.vector_load %arg8[%get3A_1230, %get3A_1231] {strides = array<i32>} : memref<32x64xf32, #tpu.memory_space<vmem>>, vector<1x16xf32>,
    %get3A_1233 = vector.shape_cast %get3A_1232 : vector<1x16xf32> to vector<16xf32>
    %get3A_1234 = arith.constant 12 : i32
    %get3A_1235 = arith.index_cast %get3A_1234 : i32 to index
    %get3A_1236 = arith.constant 16 : index
    %get3A_1237 = tpu.vector_load %arg9[%get3A_1235, %get3A_1236] {strides = array<i32>} : memref<32x128xf32, #tpu.memory_space<vmem>>, vector<1x16xf32>,
    %get3A_1238 = vector.shape_cast %get3A_1237 : vector<1x16xf32> to vector<16xf32>
    %sub3A_1239 = arith.constant 1.000000e+00 : f32
    %sub3A_1240 = arith.subf %sub3A_1239, %squeeze3A_1204 : f32
    %mul3A_1241 = vector.broadcast %sub3A_1240 : f32 to vector<16xf32>
    %mul3A_1242 = arith.mulf %get3A_1238, %mul3A_1241 : vector<16xf32>
    %get3A_1243 = arith.constant 12 : i32
    %get3A_1244 = arith.index_cast %get3A_1243 : i32 to index
    %get3A_1245 = arith.constant 80 : index
    %get3A_1246 = tpu.vector_load %arg9[%get3A_1244, %get3A_1245] {strides = array<i32>} : memref<32x128xf32, #tpu.memory_space<vmem>>, vector<1x16xf32>,
    %get3A_1247 = vector.shape_cast %get3A_1246 : vector<1x16xf32> to vector<16xf32>
    %mul3A_1248 = vector.broadcast %squeeze3A_1204 : f32 to vector<16xf32>
    %mul3A_1249 = arith.mulf %get3A_1247, %mul3A_1248 : vector<16xf32>
    %add3A_1250 = arith.addf %mul3A_1242, %mul3A_1249 : vector<16xf32>
    %mul3A_1251 = arith.mulf %get3A_1233, %add3A_1250 : vector<16xf32>
    %add3A_1252 = arith.addf %add3A_1228, %mul3A_1251 : vector<16xf32>
    %get3A_1253 = arith.constant 12 : i32
    %get3A_1254 = arith.index_cast %get3A_1253 : i32 to index
    %get3A_1255 = arith.constant 32 : index
    %get3A_1256 = tpu.vector_load %arg8[%get3A_1254, %get3A_1255] {strides = array<i32>} : memref<32x64xf32, #tpu.memory_space<vmem>>, vector<1x16xf32>,
    %get3A_1257 = vector.shape_cast %get3A_1256 : vector<1x16xf32> to vector<16xf32>
    %get3A_1258 = arith.constant 12 : i32
    %get3A_1259 = arith.index_cast %get3A_1258 : i32 to index
    %get3A_1260 = arith.constant 32 : index
    %get3A_1261 = tpu.vector_load %arg9[%get3A_1259, %get3A_1260] {strides = array<i32>} : memref<32x128xf32, #tpu.memory_space<vmem>>, vector<1x16xf32>,
    %get3A_1262 = vector.shape_cast %get3A_1261 : vector<1x16xf32> to vector<16xf32>
    %sub3A_1263 = arith.constant 1.000000e+00 : f32
    %sub3A_1264 = arith.subf %sub3A_1263, %squeeze3A_1204 : f32
    %mul3A_1265 = vector.broadcast %sub3A_1264 : f32 to vector<16xf32>
    %mul3A_1266 = arith.mulf %get3A_1262, %mul3A_1265 : vector<16xf32>
    %get3A_1267 = arith.constant 12 : i32
    %get3A_1268 = arith.index_cast %get3A_1267 : i32 to index
    %get3A_1269 = arith.constant 96 : index
    %get3A_1270 = tpu.vector_load %arg9[%get3A_1268, %get3A_1269] {strides = array<i32>} : memref<32x128xf32, #tpu.memory_space<vmem>>, vector<1x16xf32>,
    %get3A_1271 = vector.shape_cast %get3A_1270 : vector<1x16xf32> to vector<16xf32>
    %mul3A_1272 = vector.broadcast %squeeze3A_1204 : f32 to vector<16xf32>
    %mul3A_1273 = arith.mulf %get3A_1271, %mul3A_1272 : vector<16xf32>
    %add3A_1274 = arith.addf %mul3A_1266, %mul3A_1273 : vector<16xf32>
    %mul3A_1275 = arith.mulf %get3A_1257, %add3A_1274 : vector<16xf32>
    %add3A_1276 = arith.addf %add3A_1252, %mul3A_1275 : vector<16xf32>
    %get3A_1277 = arith.constant 12 : i32
    %get3A_1278 = arith.index_cast %get3A_1277 : i32 to index
    %get3A_1279 = arith.constant 48 : index
    %get3A_1280 = tpu.vector_load %arg8[%get3A_1278, %get3A_1279] {strides = array<i32>} : memref<32x64xf32, #tpu.memory_space<vmem>>, vector<1x16xf32>,
    %get3A_1281 = vector.shape_cast %get3A_1280 : vector<1x16xf32> to vector<16xf32>
    %get3A_1282 = arith.constant 12 : i32
    %get3A_1283 = arith.index_cast %get3A_1282 : i32 to index
    %get3A_1284 = arith.constant 48 : index
    %get3A_1285 = tpu.vector_load %arg9[%get3A_1283, %get3A_1284] {strides = array<i32>} : memref<32x128xf32, #tpu.memory_space<vmem>>, vector<1x16xf32>,
    %get3A_1286 = vector.shape_cast %get3A_1285 : vector<1x16xf32> to vector<16xf32>
    %sub3A_1287 = arith.constant 1.000000e+00 : f32
    %sub3A_1288 = arith.subf %sub3A_1287, %squeeze3A_1204 : f32
    %mul3A_1289 = vector.broadcast %sub3A_1288 : f32 to vector<16xf32>
    %mul3A_1290 = arith.mulf %get3A_1286, %mul3A_1289 : vector<16xf32>
    %get3A_1291 = arith.constant 12 : i32
    %get3A_1292 = arith.index_cast %get3A_1291 : i32 to index
    %get3A_1293 = arith.constant 112 : index
    %get3A_1294 = tpu.vector_load %arg9[%get3A_1292, %get3A_1293] {strides = array<i32>} : memref<32x128xf32, #tpu.memory_space<vmem>>, vector<1x16xf32>,
    %get3A_1295 = vector.shape_cast %get3A_1294 : vector<1x16xf32> to vector<16xf32>
    %mul3A_1296 = vector.broadcast %squeeze3A_1204 : f32 to vector<16xf32>
    %mul3A_1297 = arith.mulf %get3A_1295, %mul3A_1296 : vector<16xf32>
    %add3A_1298 = arith.addf %mul3A_1290, %mul3A_1297 : vector<16xf32>
    %mul3A_1299 = arith.mulf %get3A_1281, %add3A_1298 : vector<16xf32>
    %add3A_1300 = arith.addf %add3A_1276, %mul3A_1299 : vector<16xf32>
    %slice3A_1301 = vector.extract_strided_slice %convert_element_type3A {offsets = [13], sizes = [1], strides = [1]} : vector<16xf32> to vector<1xf32>
    %squeeze3A_1302 = vector.extract %slice3A_1301[0] : f32 from vector<1xf32>
    %get3A_1303 = arith.constant 13 : i32
    %get3A_1304 = arith.index_cast %get3A_1303 : i32 to index
    %get3A_1305 = arith.constant 0 : index
    %get3A_1306 = tpu.vector_load %arg8[%get3A_1304, %get3A_1305] {strides = array<i32>} : memref<32x64xf32, #tpu.memory_space<vmem>>, vector<1x16xf32>,
    %get3A_1307 = vector.shape_cast %get3A_1306 : vector<1x16xf32> to vector<16xf32>
    %get3A_1308 = arith.constant 13 : i32
    %get3A_1309 = arith.index_cast %get3A_1308 : i32 to index
    %get3A_1310 = arith.constant 0 : index
    %get3A_1311 = tpu.vector_load %arg9[%get3A_1309, %get3A_1310] {strides = array<i32>} : memref<32x128xf32, #tpu.memory_space<vmem>>, vector<1x16xf32>,
    %get3A_1312 = vector.shape_cast %get3A_1311 : vector<1x16xf32> to vector<16xf32>
    %sub3A_1313 = arith.constant 1.000000e+00 : f32
    %sub3A_1314 = arith.subf %sub3A_1313, %squeeze3A_1302 : f32
    %mul3A_1315 = vector.broadcast %sub3A_1314 : f32 to vector<16xf32>
    %mul3A_1316 = arith.mulf %get3A_1312, %mul3A_1315 : vector<16xf32>
    %get3A_1317 = arith.constant 13 : i32
    %get3A_1318 = arith.index_cast %get3A_1317 : i32 to index
    %get3A_1319 = arith.constant 64 : index
    %get3A_1320 = tpu.vector_load %arg9[%get3A_1318, %get3A_1319] {strides = array<i32>} : memref<32x128xf32, #tpu.memory_space<vmem>>, vector<1x16xf32>,
    %get3A_1321 = vector.shape_cast %get3A_1320 : vector<1x16xf32> to vector<16xf32>
    %mul3A_1322 = vector.broadcast %squeeze3A_1302 : f32 to vector<16xf32>
    %mul3A_1323 = arith.mulf %get3A_1321, %mul3A_1322 : vector<16xf32>
    %add3A_1324 = arith.addf %mul3A_1316, %mul3A_1323 : vector<16xf32>
    %mul3A_1325 = arith.mulf %get3A_1307, %add3A_1324 : vector<16xf32>
    %add3A_1326 = arith.addf %add3A_1300, %mul3A_1325 : vector<16xf32>
    %get3A_1327 = arith.constant 13 : i32
    %get3A_1328 = arith.index_cast %get3A_1327 : i32 to index
    %get3A_1329 = arith.constant 16 : index
    %get3A_1330 = tpu.vector_load %arg8[%get3A_1328, %get3A_1329] {strides = array<i32>} : memref<32x64xf32, #tpu.memory_space<vmem>>, vector<1x16xf32>,
    %get3A_1331 = vector.shape_cast %get3A_1330 : vector<1x16xf32> to vector<16xf32>
    %get3A_1332 = arith.constant 13 : i32
    %get3A_1333 = arith.index_cast %get3A_1332 : i32 to index
    %get3A_1334 = arith.constant 16 : index
    %get3A_1335 = tpu.vector_load %arg9[%get3A_1333, %get3A_1334] {strides = array<i32>} : memref<32x128xf32, #tpu.memory_space<vmem>>, vector<1x16xf32>,
    %get3A_1336 = vector.shape_cast %get3A_1335 : vector<1x16xf32> to vector<16xf32>
    %sub3A_1337 = arith.constant 1.000000e+00 : f32
    %sub3A_1338 = arith.subf %sub3A_1337, %squeeze3A_1302 : f32
    %mul3A_1339 = vector.broadcast %sub3A_1338 : f32 to vector<16xf32>
    %mul3A_1340 = arith.mulf %get3A_1336, %mul3A_1339 : vector<16xf32>
    %get3A_1341 = arith.constant 13 : i32
    %get3A_1342 = arith.index_cast %get3A_1341 : i32 to index
    %get3A_1343 = arith.constant 80 : index
    %get3A_1344 = tpu.vector_load %arg9[%get3A_1342, %get3A_1343] {strides = array<i32>} : memref<32x128xf32, #tpu.memory_space<vmem>>, vector<1x16xf32>,
    %get3A_1345 = vector.shape_cast %get3A_1344 : vector<1x16xf32> to vector<16xf32>
    %mul3A_1346 = vector.broadcast %squeeze3A_1302 : f32 to vector<16xf32>
    %mul3A_1347 = arith.mulf %get3A_1345, %mul3A_1346 : vector<16xf32>
    %add3A_1348 = arith.addf %mul3A_1340, %mul3A_1347 : vector<16xf32>
    %mul3A_1349 = arith.mulf %get3A_1331, %add3A_1348 : vector<16xf32>
    %add3A_1350 = arith.addf %add3A_1326, %mul3A_1349 : vector<16xf32>
    %get3A_1351 = arith.constant 13 : i32
    %get3A_1352 = arith.index_cast %get3A_1351 : i32 to index
    %get3A_1353 = arith.constant 32 : index
    %get3A_1354 = tpu.vector_load %arg8[%get3A_1352, %get3A_1353] {strides = array<i32>} : memref<32x64xf32, #tpu.memory_space<vmem>>, vector<1x16xf32>,
    %get3A_1355 = vector.shape_cast %get3A_1354 : vector<1x16xf32> to vector<16xf32>
    %get3A_1356 = arith.constant 13 : i32
    %get3A_1357 = arith.index_cast %get3A_1356 : i32 to index
    %get3A_1358 = arith.constant 32 : index
    %get3A_1359 = tpu.vector_load %arg9[%get3A_1357, %get3A_1358] {strides = array<i32>} : memref<32x128xf32, #tpu.memory_space<vmem>>, vector<1x16xf32>,
    %get3A_1360 = vector.shape_cast %get3A_1359 : vector<1x16xf32> to vector<16xf32>
    %sub3A_1361 = arith.constant 1.000000e+00 : f32
    %sub3A_1362 = arith.subf %sub3A_1361, %squeeze3A_1302 : f32
    %mul3A_1363 = vector.broadcast %sub3A_1362 : f32 to vector<16xf32>
    %mul3A_1364 = arith.mulf %get3A_1360, %mul3A_1363 : vector<16xf32>
    %get3A_1365 = arith.constant 13 : i32
    %get3A_1366 = arith.index_cast %get3A_1365 : i32 to index
    %get3A_1367 = arith.constant 96 : index
    %get3A_1368 = tpu.vector_load %arg9[%get3A_1366, %get3A_1367] {strides = array<i32>} : memref<32x128xf32, #tpu.memory_space<vmem>>, vector<1x16xf32>,
    %get3A_1369 = vector.shape_cast %get3A_1368 : vector<1x16xf32> to vector<16xf32>
    %mul3A_1370 = vector.broadcast %squeeze3A_1302 : f32 to vector<16xf32>
    %mul3A_1371 = arith.mulf %get3A_1369, %mul3A_1370 : vector<16xf32>
    %add3A_1372 = arith.addf %mul3A_1364, %mul3A_1371 : vector<16xf32>
    %mul3A_1373 = arith.mulf %get3A_1355, %add3A_1372 : vector<16xf32>
    %add3A_1374 = arith.addf %add3A_1350, %mul3A_1373 : vector<16xf32>
    %get3A_1375 = arith.constant 13 : i32
    %get3A_1376 = arith.index_cast %get3A_1375 : i32 to index
    %get3A_1377 = arith.constant 48 : index
    %get3A_1378 = tpu.vector_load %arg8[%get3A_1376, %get3A_1377] {strides = array<i32>} : memref<32x64xf32, #tpu.memory_space<vmem>>, vector<1x16xf32>,
    %get3A_1379 = vector.shape_cast %get3A_1378 : vector<1x16xf32> to vector<16xf32>
    %get3A_1380 = arith.constant 13 : i32
    %get3A_1381 = arith.index_cast %get3A_1380 : i32 to index
    %get3A_1382 = arith.constant 48 : index
    %get3A_1383 = tpu.vector_load %arg9[%get3A_1381, %get3A_1382] {strides = array<i32>} : memref<32x128xf32, #tpu.memory_space<vmem>>, vector<1x16xf32>,
    %get3A_1384 = vector.shape_cast %get3A_1383 : vector<1x16xf32> to vector<16xf32>
    %sub3A_1385 = arith.constant 1.000000e+00 : f32
    %sub3A_1386 = arith.subf %sub3A_1385, %squeeze3A_1302 : f32
    %mul3A_1387 = vector.broadcast %sub3A_1386 : f32 to vector<16xf32>
    %mul3A_1388 = arith.mulf %get3A_1384, %mul3A_1387 : vector<16xf32>
    %get3A_1389 = arith.constant 13 : i32
    %get3A_1390 = arith.index_cast %get3A_1389 : i32 to index
    %get3A_1391 = arith.constant 112 : index
    %get3A_1392 = tpu.vector_load %arg9[%get3A_1390, %get3A_1391] {strides = array<i32>} : memref<32x128xf32, #tpu.memory_space<vmem>>, vector<1x16xf32>,
    %get3A_1393 = vector.shape_cast %get3A_1392 : vector<1x16xf32> to vector<16xf32>
    %mul3A_1394 = vector.broadcast %squeeze3A_1302 : f32 to vector<16xf32>
    %mul3A_1395 = arith.mulf %get3A_1393, %mul3A_1394 : vector<16xf32>
    %add3A_1396 = arith.addf %mul3A_1388, %mul3A_1395 : vector<16xf32>
    %mul3A_1397 = arith.mulf %get3A_1379, %add3A_1396 : vector<16xf32>
    %add3A_1398 = arith.addf %add3A_1374, %mul3A_1397 : vector<16xf32>
    %slice3A_1399 = vector.extract_strided_slice %convert_element_type3A {offsets = [14], sizes = [1], strides = [1]} : vector<16xf32> to vector<1xf32>
    %squeeze3A_1400 = vector.extract %slice3A_1399[0] : f32 from vector<1xf32>
    %get3A_1401 = arith.constant 14 : i32
    %get3A_1402 = arith.index_cast %get3A_1401 : i32 to index
    %get3A_1403 = arith.constant 0 : index
    %get3A_1404 = tpu.vector_load %arg8[%get3A_1402, %get3A_1403] {strides = array<i32>} : memref<32x64xf32, #tpu.memory_space<vmem>>, vector<1x16xf32>,
    %get3A_1405 = vector.shape_cast %get3A_1404 : vector<1x16xf32> to vector<16xf32>
    %get3A_1406 = arith.constant 14 : i32
    %get3A_1407 = arith.index_cast %get3A_1406 : i32 to index
    %get3A_1408 = arith.constant 0 : index
    %get3A_1409 = tpu.vector_load %arg9[%get3A_1407, %get3A_1408] {strides = array<i32>} : memref<32x128xf32, #tpu.memory_space<vmem>>, vector<1x16xf32>,
    %get3A_1410 = vector.shape_cast %get3A_1409 : vector<1x16xf32> to vector<16xf32>
    %sub3A_1411 = arith.constant 1.000000e+00 : f32
    %sub3A_1412 = arith.subf %sub3A_1411, %squeeze3A_1400 : f32
    %mul3A_1413 = vector.broadcast %sub3A_1412 : f32 to vector<16xf32>
    %mul3A_1414 = arith.mulf %get3A_1410, %mul3A_1413 : vector<16xf32>
    %get3A_1415 = arith.constant 14 : i32
    %get3A_1416 = arith.index_cast %get3A_1415 : i32 to index
    %get3A_1417 = arith.constant 64 : index
    %get3A_1418 = tpu.vector_load %arg9[%get3A_1416, %get3A_1417] {strides = array<i32>} : memref<32x128xf32, #tpu.memory_space<vmem>>, vector<1x16xf32>,
    %get3A_1419 = vector.shape_cast %get3A_1418 : vector<1x16xf32> to vector<16xf32>
    %mul3A_1420 = vector.broadcast %squeeze3A_1400 : f32 to vector<16xf32>
    %mul3A_1421 = arith.mulf %get3A_1419, %mul3A_1420 : vector<16xf32>
    %add3A_1422 = arith.addf %mul3A_1414, %mul3A_1421 : vector<16xf32>
    %mul3A_1423 = arith.mulf %get3A_1405, %add3A_1422 : vector<16xf32>
    %add3A_1424 = arith.addf %add3A_1398, %mul3A_1423 : vector<16xf32>
    %get3A_1425 = arith.constant 14 : i32
    %get3A_1426 = arith.index_cast %get3A_1425 : i32 to index
    %get3A_1427 = arith.constant 16 : index
    %get3A_1428 = tpu.vector_load %arg8[%get3A_1426, %get3A_1427] {strides = array<i32>} : memref<32x64xf32, #tpu.memory_space<vmem>>, vector<1x16xf32>,
    %get3A_1429 = vector.shape_cast %get3A_1428 : vector<1x16xf32> to vector<16xf32>
    %get3A_1430 = arith.constant 14 : i32
    %get3A_1431 = arith.index_cast %get3A_1430 : i32 to index
    %get3A_1432 = arith.constant 16 : index
    %get3A_1433 = tpu.vector_load %arg9[%get3A_1431, %get3A_1432] {strides = array<i32>} : memref<32x128xf32, #tpu.memory_space<vmem>>, vector<1x16xf32>,
    %get3A_1434 = vector.shape_cast %get3A_1433 : vector<1x16xf32> to vector<16xf32>
    %sub3A_1435 = arith.constant 1.000000e+00 : f32
    %sub3A_1436 = arith.subf %sub3A_1435, %squeeze3A_1400 : f32
    %mul3A_1437 = vector.broadcast %sub3A_1436 : f32 to vector<16xf32>
    %mul3A_1438 = arith.mulf %get3A_1434, %mul3A_1437 : vector<16xf32>
    %get3A_1439 = arith.constant 14 : i32
    %get3A_1440 = arith.index_cast %get3A_1439 : i32 to index
    %get3A_1441 = arith.constant 80 : index
    %get3A_1442 = tpu.vector_load %arg9[%get3A_1440, %get3A_1441] {strides = array<i32>} : memref<32x128xf32, #tpu.memory_space<vmem>>, vector<1x16xf32>,
    %get3A_1443 = vector.shape_cast %get3A_1442 : vector<1x16xf32> to vector<16xf32>
    %mul3A_1444 = vector.broadcast %squeeze3A_1400 : f32 to vector<16xf32>
    %mul3A_1445 = arith.mulf %get3A_1443, %mul3A_1444 : vector<16xf32>
    %add3A_1446 = arith.addf %mul3A_1438, %mul3A_1445 : vector<16xf32>
    %mul3A_1447 = arith.mulf %get3A_1429, %add3A_1446 : vector<16xf32>
    %add3A_1448 = arith.addf %add3A_1424, %mul3A_1447 : vector<16xf32>
    %get3A_1449 = arith.constant 14 : i32
    %get3A_1450 = arith.index_cast %get3A_1449 : i32 to index
    %get3A_1451 = arith.constant 32 : index
    %get3A_1452 = tpu.vector_load %arg8[%get3A_1450, %get3A_1451] {strides = array<i32>} : memref<32x64xf32, #tpu.memory_space<vmem>>, vector<1x16xf32>,
    %get3A_1453 = vector.shape_cast %get3A_1452 : vector<1x16xf32> to vector<16xf32>
    %get3A_1454 = arith.constant 14 : i32
    %get3A_1455 = arith.index_cast %get3A_1454 : i32 to index
    %get3A_1456 = arith.constant 32 : index
    %get3A_1457 = tpu.vector_load %arg9[%get3A_1455, %get3A_1456] {strides = array<i32>} : memref<32x128xf32, #tpu.memory_space<vmem>>, vector<1x16xf32>,
    %get3A_1458 = vector.shape_cast %get3A_1457 : vector<1x16xf32> to vector<16xf32>
    %sub3A_1459 = arith.constant 1.000000e+00 : f32
    %sub3A_1460 = arith.subf %sub3A_1459, %squeeze3A_1400 : f32
    %mul3A_1461 = vector.broadcast %sub3A_1460 : f32 to vector<16xf32>
    %mul3A_1462 = arith.mulf %get3A_1458, %mul3A_1461 : vector<16xf32>
    %get3A_1463 = arith.constant 14 : i32
    %get3A_1464 = arith.index_cast %get3A_1463 : i32 to index
    %get3A_1465 = arith.constant 96 : index
    %get3A_1466 = tpu.vector_load %arg9[%get3A_1464, %get3A_1465] {strides = array<i32>} : memref<32x128xf32, #tpu.memory_space<vmem>>, vector<1x16xf32>,
    %get3A_1467 = vector.shape_cast %get3A_1466 : vector<1x16xf32> to vector<16xf32>
    %mul3A_1468 = vector.broadcast %squeeze3A_1400 : f32 to vector<16xf32>
    %mul3A_1469 = arith.mulf %get3A_1467, %mul3A_1468 : vector<16xf32>
    %add3A_1470 = arith.addf %mul3A_1462, %mul3A_1469 : vector<16xf32>
    %mul3A_1471 = arith.mulf %get3A_1453, %add3A_1470 : vector<16xf32>
    %add3A_1472 = arith.addf %add3A_1448, %mul3A_1471 : vector<16xf32>
    %get3A_1473 = arith.constant 14 : i32
    %get3A_1474 = arith.index_cast %get3A_1473 : i32 to index
    %get3A_1475 = arith.constant 48 : index
    %get3A_1476 = tpu.vector_load %arg8[%get3A_1474, %get3A_1475] {strides = array<i32>} : memref<32x64xf32, #tpu.memory_space<vmem>>, vector<1x16xf32>,
    %get3A_1477 = vector.shape_cast %get3A_1476 : vector<1x16xf32> to vector<16xf32>
    %get3A_1478 = arith.constant 14 : i32
    %get3A_1479 = arith.index_cast %get3A_1478 : i32 to index
    %get3A_1480 = arith.constant 48 : index
    %get3A_1481 = tpu.vector_load %arg9[%get3A_1479, %get3A_1480] {strides = array<i32>} : memref<32x128xf32, #tpu.memory_space<vmem>>, vector<1x16xf32>,
    %get3A_1482 = vector.shape_cast %get3A_1481 : vector<1x16xf32> to vector<16xf32>
    %sub3A_1483 = arith.constant 1.000000e+00 : f32
    %sub3A_1484 = arith.subf %sub3A_1483, %squeeze3A_1400 : f32
    %mul3A_1485 = vector.broadcast %sub3A_1484 : f32 to vector<16xf32>
    %mul3A_1486 = arith.mulf %get3A_1482, %mul3A_1485 : vector<16xf32>
    %get3A_1487 = arith.constant 14 : i32
    %get3A_1488 = arith.index_cast %get3A_1487 : i32 to index
    %get3A_1489 = arith.constant 112 : index
    %get3A_1490 = tpu.vector_load %arg9[%get3A_1488, %get3A_1489] {strides = array<i32>} : memref<32x128xf32, #tpu.memory_space<vmem>>, vector<1x16xf32>,
    %get3A_1491 = vector.shape_cast %get3A_1490 : vector<1x16xf32> to vector<16xf32>
    %mul3A_1492 = vector.broadcast %squeeze3A_1400 : f32 to vector<16xf32>
    %mul3A_1493 = arith.mulf %get3A_1491, %mul3A_1492 : vector<16xf32>
    %add3A_1494 = arith.addf %mul3A_1486, %mul3A_1493 : vector<16xf32>
    %mul3A_1495 = arith.mulf %get3A_1477, %add3A_1494 : vector<16xf32>
    %add3A_1496 = arith.addf %add3A_1472, %mul3A_1495 : vector<16xf32>
    %slice3A_1497 = vector.extract_strided_slice %convert_element_type3A {offsets = [15], sizes = [1], strides = [1]} : vector<16xf32> to vector<1xf32>
    %squeeze3A_1498 = vector.extract %slice3A_1497[0] : f32 from vector<1xf32>
    %get3A_1499 = arith.constant 15 : i32
    %get3A_1500 = arith.index_cast %get3A_1499 : i32 to index
    %get3A_1501 = arith.constant 0 : index
    %get3A_1502 = tpu.vector_load %arg8[%get3A_1500, %get3A_1501] {strides = array<i32>} : memref<32x64xf32, #tpu.memory_space<vmem>>, vector<1x16xf32>,
    %get3A_1503 = vector.shape_cast %get3A_1502 : vector<1x16xf32> to vector<16xf32>
    %get3A_1504 = arith.constant 15 : i32
    %get3A_1505 = arith.index_cast %get3A_1504 : i32 to index
    %get3A_1506 = arith.constant 0 : index
    %get3A_1507 = tpu.vector_load %arg9[%get3A_1505, %get3A_1506] {strides = array<i32>} : memref<32x128xf32, #tpu.memory_space<vmem>>, vector<1x16xf32>,
    %get3A_1508 = vector.shape_cast %get3A_1507 : vector<1x16xf32> to vector<16xf32>
    %sub3A_1509 = arith.constant 1.000000e+00 : f32
    %sub3A_1510 = arith.subf %sub3A_1509, %squeeze3A_1498 : f32
    %mul3A_1511 = vector.broadcast %sub3A_1510 : f32 to vector<16xf32>
    %mul3A_1512 = arith.mulf %get3A_1508, %mul3A_1511 : vector<16xf32>
    %get3A_1513 = arith.constant 15 : i32
    %get3A_1514 = arith.index_cast %get3A_1513 : i32 to index
    %get3A_1515 = arith.constant 64 : index
    %get3A_1516 = tpu.vector_load %arg9[%get3A_1514, %get3A_1515] {strides = array<i32>} : memref<32x128xf32, #tpu.memory_space<vmem>>, vector<1x16xf32>,
    %get3A_1517 = vector.shape_cast %get3A_1516 : vector<1x16xf32> to vector<16xf32>
    %mul3A_1518 = vector.broadcast %squeeze3A_1498 : f32 to vector<16xf32>
    %mul3A_1519 = arith.mulf %get3A_1517, %mul3A_1518 : vector<16xf32>
    %add3A_1520 = arith.addf %mul3A_1512, %mul3A_1519 : vector<16xf32>
    %mul3A_1521 = arith.mulf %get3A_1503, %add3A_1520 : vector<16xf32>
    %add3A_1522 = arith.addf %add3A_1496, %mul3A_1521 : vector<16xf32>
    %get3A_1523 = arith.constant 15 : i32
    %get3A_1524 = arith.index_cast %get3A_1523 : i32 to index
    %get3A_1525 = arith.constant 16 : index
    %get3A_1526 = tpu.vector_load %arg8[%get3A_1524, %get3A_1525] {strides = array<i32>} : memref<32x64xf32, #tpu.memory_space<vmem>>, vector<1x16xf32>,
    %get3A_1527 = vector.shape_cast %get3A_1526 : vector<1x16xf32> to vector<16xf32>
    %get3A_1528 = arith.constant 15 : i32
    %get3A_1529 = arith.index_cast %get3A_1528 : i32 to index
    %get3A_1530 = arith.constant 16 : index
    %get3A_1531 = tpu.vector_load %arg9[%get3A_1529, %get3A_1530] {strides = array<i32>} : memref<32x128xf32, #tpu.memory_space<vmem>>, vector<1x16xf32>,
    %get3A_1532 = vector.shape_cast %get3A_1531 : vector<1x16xf32> to vector<16xf32>
    %sub3A_1533 = arith.constant 1.000000e+00 : f32
    %sub3A_1534 = arith.subf %sub3A_1533, %squeeze3A_1498 : f32
    %mul3A_1535 = vector.broadcast %sub3A_1534 : f32 to vector<16xf32>
    %mul3A_1536 = arith.mulf %get3A_1532, %mul3A_1535 : vector<16xf32>
    %get3A_1537 = arith.constant 15 : i32
    %get3A_1538 = arith.index_cast %get3A_1537 : i32 to index
    %get3A_1539 = arith.constant 80 : index
    %get3A_1540 = tpu.vector_load %arg9[%get3A_1538, %get3A_1539] {strides = array<i32>} : memref<32x128xf32, #tpu.memory_space<vmem>>, vector<1x16xf32>,
    %get3A_1541 = vector.shape_cast %get3A_1540 : vector<1x16xf32> to vector<16xf32>
    %mul3A_1542 = vector.broadcast %squeeze3A_1498 : f32 to vector<16xf32>
    %mul3A_1543 = arith.mulf %get3A_1541, %mul3A_1542 : vector<16xf32>
    %add3A_1544 = arith.addf %mul3A_1536, %mul3A_1543 : vector<16xf32>
    %mul3A_1545 = arith.mulf %get3A_1527, %add3A_1544 : vector<16xf32>
    %add3A_1546 = arith.addf %add3A_1522, %mul3A_1545 : vector<16xf32>
    %get3A_1547 = arith.constant 15 : i32
    %get3A_1548 = arith.index_cast %get3A_1547 : i32 to index
    %get3A_1549 = arith.constant 32 : index
    %get3A_1550 = tpu.vector_load %arg8[%get3A_1548, %get3A_1549] {strides = array<i32>} : memref<32x64xf32, #tpu.memory_space<vmem>>, vector<1x16xf32>,
    %get3A_1551 = vector.shape_cast %get3A_1550 : vector<1x16xf32> to vector<16xf32>
    %get3A_1552 = arith.constant 15 : i32
    %get3A_1553 = arith.index_cast %get3A_1552 : i32 to index
    %get3A_1554 = arith.constant 32 : index
    %get3A_1555 = tpu.vector_load %arg9[%get3A_1553, %get3A_1554] {strides = array<i32>} : memref<32x128xf32, #tpu.memory_space<vmem>>, vector<1x16xf32>,
    %get3A_1556 = vector.shape_cast %get3A_1555 : vector<1x16xf32> to vector<16xf32>
    %sub3A_1557 = arith.constant 1.000000e+00 : f32
    %sub3A_1558 = arith.subf %sub3A_1557, %squeeze3A_1498 : f32
    %mul3A_1559 = vector.broadcast %sub3A_1558 : f32 to vector<16xf32>
    %mul3A_1560 = arith.mulf %get3A_1556, %mul3A_1559 : vector<16xf32>
    %get3A_1561 = arith.constant 15 : i32
    %get3A_1562 = arith.index_cast %get3A_1561 : i32 to index
    %get3A_1563 = arith.constant 96 : index
    %get3A_1564 = tpu.vector_load %arg9[%get3A_1562, %get3A_1563] {strides = array<i32>} : memref<32x128xf32, #tpu.memory_space<vmem>>, vector<1x16xf32>,
    %get3A_1565 = vector.shape_cast %get3A_1564 : vector<1x16xf32> to vector<16xf32>
    %mul3A_1566 = vector.broadcast %squeeze3A_1498 : f32 to vector<16xf32>
    %mul3A_1567 = arith.mulf %get3A_1565, %mul3A_1566 : vector<16xf32>
    %add3A_1568 = arith.addf %mul3A_1560, %mul3A_1567 : vector<16xf32>
    %mul3A_1569 = arith.mulf %get3A_1551, %add3A_1568 : vector<16xf32>
    %add3A_1570 = arith.addf %add3A_1546, %mul3A_1569 : vector<16xf32>
    %get3A_1571 = arith.constant 15 : i32
    %get3A_1572 = arith.index_cast %get3A_1571 : i32 to index
    %get3A_1573 = arith.constant 48 : index
    %get3A_1574 = tpu.vector_load %arg8[%get3A_1572, %get3A_1573] {strides = array<i32>} : memref<32x64xf32, #tpu.memory_space<vmem>>, vector<1x16xf32>,
    %get3A_1575 = vector.shape_cast %get3A_1574 : vector<1x16xf32> to vector<16xf32>
    %get3A_1576 = arith.constant 15 : i32
    %get3A_1577 = arith.index_cast %get3A_1576 : i32 to index
    %get3A_1578 = arith.constant 48 : index
    %get3A_1579 = tpu.vector_load %arg9[%get3A_1577, %get3A_1578] {strides = array<i32>} : memref<32x128xf32, #tpu.memory_space<vmem>>, vector<1x16xf32>,
    %get3A_1580 = vector.shape_cast %get3A_1579 : vector<1x16xf32> to vector<16xf32>
    %sub3A_1581 = arith.constant 1.000000e+00 : f32
    %sub3A_1582 = arith.subf %sub3A_1581, %squeeze3A_1498 : f32
    %mul3A_1583 = vector.broadcast %sub3A_1582 : f32 to vector<16xf32>
    %mul3A_1584 = arith.mulf %get3A_1580, %mul3A_1583 : vector<16xf32>
    %get3A_1585 = arith.constant 15 : i32
    %get3A_1586 = arith.index_cast %get3A_1585 : i32 to index
    %get3A_1587 = arith.constant 112 : index
    %get3A_1588 = tpu.vector_load %arg9[%get3A_1586, %get3A_1587] {strides = array<i32>} : memref<32x128xf32, #tpu.memory_space<vmem>>, vector<1x16xf32>,
    %get3A_1589 = vector.shape_cast %get3A_1588 : vector<1x16xf32> to vector<16xf32>
    %mul3A_1590 = vector.broadcast %squeeze3A_1498 : f32 to vector<16xf32>
    %mul3A_1591 = arith.mulf %get3A_1589, %mul3A_1590 : vector<16xf32>
    %add3A_1592 = arith.addf %mul3A_1584, %mul3A_1591 : vector<16xf32>
    %mul3A_1593 = arith.mulf %get3A_1575, %add3A_1592 : vector<16xf32>
    %add3A_1594 = arith.addf %add3A_1570, %mul3A_1593 : vector<16xf32>
    %get3A_1595 = arith.constant 16 : index
    %get3A_1596 = tpu.vector_load %arg6[%get3A_1595] {strides = array<i32>} : memref<32xi32, #tpu.memory_space<vmem>>, vector<16xi32>,
    %get3A_1597 = vector.shape_cast %get3A_1596 : vector<16xi32> to vector<16xi32>
    %and3A_1598 = arith.constant 1 : i32
    %and3A_1599 = vector.broadcast %and3A_1598 : i32 to vector<16xi32>
    %and3A_1600 = arith.andi %get3A_1597, %and3A_1599 : vector<16xi32>
    %convert_element_type3A_1601 = arith.sitofp %and3A_1600 : vector<16xi32> to vector<16xf32>
    %slice3A_1602 = vector.extract_strided_slice %convert_element_type3A_1601 {offsets = [0], sizes = [1], strides = [1]} : vector<16xf32> to vector<1xf32>
    %squeeze3A_1603 = vector.extract %slice3A_1602[0] : f32 from vector<1xf32>
    %get3A_1604 = arith.constant 16 : i32
    %get3A_1605 = arith.index_cast %get3A_1604 : i32 to index
    %get3A_1606 = arith.constant 0 : index
    %get3A_1607 = tpu.vector_load %arg8[%get3A_1605, %get3A_1606] {strides = array<i32>} : memref<32x64xf32, #tpu.memory_space<vmem>>, vector<1x16xf32>,
    %get3A_1608 = vector.shape_cast %get3A_1607 : vector<1x16xf32> to vector<16xf32>
    %get3A_1609 = arith.constant 16 : i32
    %get3A_1610 = arith.index_cast %get3A_1609 : i32 to index
    %get3A_1611 = arith.constant 0 : index
    %get3A_1612 = tpu.vector_load %arg9[%get3A_1610, %get3A_1611] {strides = array<i32>} : memref<32x128xf32, #tpu.memory_space<vmem>>, vector<1x16xf32>,
    %get3A_1613 = vector.shape_cast %get3A_1612 : vector<1x16xf32> to vector<16xf32>
    %sub3A_1614 = arith.constant 1.000000e+00 : f32
    %sub3A_1615 = arith.subf %sub3A_1614, %squeeze3A_1603 : f32
    %mul3A_1616 = vector.broadcast %sub3A_1615 : f32 to vector<16xf32>
    %mul3A_1617 = arith.mulf %get3A_1613, %mul3A_1616 : vector<16xf32>
    %get3A_1618 = arith.constant 16 : i32
    %get3A_1619 = arith.index_cast %get3A_1618 : i32 to index
    %get3A_1620 = arith.constant 64 : index
    %get3A_1621 = tpu.vector_load %arg9[%get3A_1619, %get3A_1620] {strides = array<i32>} : memref<32x128xf32, #tpu.memory_space<vmem>>, vector<1x16xf32>,
    %get3A_1622 = vector.shape_cast %get3A_1621 : vector<1x16xf32> to vector<16xf32>
    %mul3A_1623 = vector.broadcast %squeeze3A_1603 : f32 to vector<16xf32>
    %mul3A_1624 = arith.mulf %get3A_1622, %mul3A_1623 : vector<16xf32>
    %add3A_1625 = arith.addf %mul3A_1617, %mul3A_1624 : vector<16xf32>
    %mul3A_1626 = arith.mulf %get3A_1608, %add3A_1625 : vector<16xf32>
    %add3A_1627 = arith.addf %add3A_1594, %mul3A_1626 : vector<16xf32>
    %get3A_1628 = arith.constant 16 : i32
    %get3A_1629 = arith.index_cast %get3A_1628 : i32 to index
    %get3A_1630 = arith.constant 16 : index
    %get3A_1631 = tpu.vector_load %arg8[%get3A_1629, %get3A_1630] {strides = array<i32>} : memref<32x64xf32, #tpu.memory_space<vmem>>, vector<1x16xf32>,
    %get3A_1632 = vector.shape_cast %get3A_1631 : vector<1x16xf32> to vector<16xf32>
    %get3A_1633 = arith.constant 16 : i32
    %get3A_1634 = arith.index_cast %get3A_1633 : i32 to index
    %get3A_1635 = arith.constant 16 : index
    %get3A_1636 = tpu.vector_load %arg9[%get3A_1634, %get3A_1635] {strides = array<i32>} : memref<32x128xf32, #tpu.memory_space<vmem>>, vector<1x16xf32>,
    %get3A_1637 = vector.shape_cast %get3A_1636 : vector<1x16xf32> to vector<16xf32>
    %sub3A_1638 = arith.constant 1.000000e+00 : f32
    %sub3A_1639 = arith.subf %sub3A_1638, %squeeze3A_1603 : f32
    %mul3A_1640 = vector.broadcast %sub3A_1639 : f32 to vector<16xf32>
    %mul3A_1641 = arith.mulf %get3A_1637, %mul3A_1640 : vector<16xf32>
    %get3A_1642 = arith.constant 16 : i32
    %get3A_1643 = arith.index_cast %get3A_1642 : i32 to index
    %get3A_1644 = arith.constant 80 : index
    %get3A_1645 = tpu.vector_load %arg9[%get3A_1643, %get3A_1644] {strides = array<i32>} : memref<32x128xf32, #tpu.memory_space<vmem>>, vector<1x16xf32>,
    %get3A_1646 = vector.shape_cast %get3A_1645 : vector<1x16xf32> to vector<16xf32>
    %mul3A_1647 = vector.broadcast %squeeze3A_1603 : f32 to vector<16xf32>
    %mul3A_1648 = arith.mulf %get3A_1646, %mul3A_1647 : vector<16xf32>
    %add3A_1649 = arith.addf %mul3A_1641, %mul3A_1648 : vector<16xf32>
    %mul3A_1650 = arith.mulf %get3A_1632, %add3A_1649 : vector<16xf32>
    %add3A_1651 = arith.addf %add3A_1627, %mul3A_1650 : vector<16xf32>
    %get3A_1652 = arith.constant 16 : i32
    %get3A_1653 = arith.index_cast %get3A_1652 : i32 to index
    %get3A_1654 = arith.constant 32 : index
    %get3A_1655 = tpu.vector_load %arg8[%get3A_1653, %get3A_1654] {strides = array<i32>} : memref<32x64xf32, #tpu.memory_space<vmem>>, vector<1x16xf32>,
    %get3A_1656 = vector.shape_cast %get3A_1655 : vector<1x16xf32> to vector<16xf32>
    %get3A_1657 = arith.constant 16 : i32
    %get3A_1658 = arith.index_cast %get3A_1657 : i32 to index
    %get3A_1659 = arith.constant 32 : index
    %get3A_1660 = tpu.vector_load %arg9[%get3A_1658, %get3A_1659] {strides = array<i32>} : memref<32x128xf32, #tpu.memory_space<vmem>>, vector<1x16xf32>,
    %get3A_1661 = vector.shape_cast %get3A_1660 : vector<1x16xf32> to vector<16xf32>
    %sub3A_1662 = arith.constant 1.000000e+00 : f32
    %sub3A_1663 = arith.subf %sub3A_1662, %squeeze3A_1603 : f32
    %mul3A_1664 = vector.broadcast %sub3A_1663 : f32 to vector<16xf32>
    %mul3A_1665 = arith.mulf %get3A_1661, %mul3A_1664 : vector<16xf32>
    %get3A_1666 = arith.constant 16 : i32
    %get3A_1667 = arith.index_cast %get3A_1666 : i32 to index
    %get3A_1668 = arith.constant 96 : index
    %get3A_1669 = tpu.vector_load %arg9[%get3A_1667, %get3A_1668] {strides = array<i32>} : memref<32x128xf32, #tpu.memory_space<vmem>>, vector<1x16xf32>,
    %get3A_1670 = vector.shape_cast %get3A_1669 : vector<1x16xf32> to vector<16xf32>
    %mul3A_1671 = vector.broadcast %squeeze3A_1603 : f32 to vector<16xf32>
    %mul3A_1672 = arith.mulf %get3A_1670, %mul3A_1671 : vector<16xf32>
    %add3A_1673 = arith.addf %mul3A_1665, %mul3A_1672 : vector<16xf32>
    %mul3A_1674 = arith.mulf %get3A_1656, %add3A_1673 : vector<16xf32>
    %add3A_1675 = arith.addf %add3A_1651, %mul3A_1674 : vector<16xf32>
    %get3A_1676 = arith.constant 16 : i32
    %get3A_1677 = arith.index_cast %get3A_1676 : i32 to index
    %get3A_1678 = arith.constant 48 : index
    %get3A_1679 = tpu.vector_load %arg8[%get3A_1677, %get3A_1678] {strides = array<i32>} : memref<32x64xf32, #tpu.memory_space<vmem>>, vector<1x16xf32>,
    %get3A_1680 = vector.shape_cast %get3A_1679 : vector<1x16xf32> to vector<16xf32>
    %get3A_1681 = arith.constant 16 : i32
    %get3A_1682 = arith.index_cast %get3A_1681 : i32 to index
    %get3A_1683 = arith.constant 48 : index
    %get3A_1684 = tpu.vector_load %arg9[%get3A_1682, %get3A_1683] {strides = array<i32>} : memref<32x128xf32, #tpu.memory_space<vmem>>, vector<1x16xf32>,
    %get3A_1685 = vector.shape_cast %get3A_1684 : vector<1x16xf32> to vector<16xf32>
    %sub3A_1686 = arith.constant 1.000000e+00 : f32
    %sub3A_1687 = arith.subf %sub3A_1686, %squeeze3A_1603 : f32
    %mul3A_1688 = vector.broadcast %sub3A_1687 : f32 to vector<16xf32>
    %mul3A_1689 = arith.mulf %get3A_1685, %mul3A_1688 : vector<16xf32>
    %get3A_1690 = arith.constant 16 : i32
    %get3A_1691 = arith.index_cast %get3A_1690 : i32 to index
    %get3A_1692 = arith.constant 112 : index
    %get3A_1693 = tpu.vector_load %arg9[%get3A_1691, %get3A_1692] {strides = array<i32>} : memref<32x128xf32, #tpu.memory_space<vmem>>, vector<1x16xf32>,
    %get3A_1694 = vector.shape_cast %get3A_1693 : vector<1x16xf32> to vector<16xf32>
    %mul3A_1695 = vector.broadcast %squeeze3A_1603 : f32 to vector<16xf32>
    %mul3A_1696 = arith.mulf %get3A_1694, %mul3A_1695 : vector<16xf32>
    %add3A_1697 = arith.addf %mul3A_1689, %mul3A_1696 : vector<16xf32>
    %mul3A_1698 = arith.mulf %get3A_1680, %add3A_1697 : vector<16xf32>
    %add3A_1699 = arith.addf %add3A_1675, %mul3A_1698 : vector<16xf32>
    %slice3A_1700 = vector.extract_strided_slice %convert_element_type3A_1601 {offsets = [1], sizes = [1], strides = [1]} : vector<16xf32> to vector<1xf32>
    %squeeze3A_1701 = vector.extract %slice3A_1700[0] : f32 from vector<1xf32>
    %get3A_1702 = arith.constant 17 : i32
    %get3A_1703 = arith.index_cast %get3A_1702 : i32 to index
    %get3A_1704 = arith.constant 0 : index
    %get3A_1705 = tpu.vector_load %arg8[%get3A_1703, %get3A_1704] {strides = array<i32>} : memref<32x64xf32, #tpu.memory_space<vmem>>, vector<1x16xf32>,
    %get3A_1706 = vector.shape_cast %get3A_1705 : vector<1x16xf32> to vector<16xf32>
    %get3A_1707 = arith.constant 17 : i32
    %get3A_1708 = arith.index_cast %get3A_1707 : i32 to index
    %get3A_1709 = arith.constant 0 : index
    %get3A_1710 = tpu.vector_load %arg9[%get3A_1708, %get3A_1709] {strides = array<i32>} : memref<32x128xf32, #tpu.memory_space<vmem>>, vector<1x16xf32>,
    %get3A_1711 = vector.shape_cast %get3A_1710 : vector<1x16xf32> to vector<16xf32>
    %sub3A_1712 = arith.constant 1.000000e+00 : f32
    %sub3A_1713 = arith.subf %sub3A_1712, %squeeze3A_1701 : f32
    %mul3A_1714 = vector.broadcast %sub3A_1713 : f32 to vector<16xf32>
    %mul3A_1715 = arith.mulf %get3A_1711, %mul3A_1714 : vector<16xf32>
    %get3A_1716 = arith.constant 17 : i32
    %get3A_1717 = arith.index_cast %get3A_1716 : i32 to index
    %get3A_1718 = arith.constant 64 : index
    %get3A_1719 = tpu.vector_load %arg9[%get3A_1717, %get3A_1718] {strides = array<i32>} : memref<32x128xf32, #tpu.memory_space<vmem>>, vector<1x16xf32>,
    %get3A_1720 = vector.shape_cast %get3A_1719 : vector<1x16xf32> to vector<16xf32>
    %mul3A_1721 = vector.broadcast %squeeze3A_1701 : f32 to vector<16xf32>
    %mul3A_1722 = arith.mulf %get3A_1720, %mul3A_1721 : vector<16xf32>
    %add3A_1723 = arith.addf %mul3A_1715, %mul3A_1722 : vector<16xf32>
    %mul3A_1724 = arith.mulf %get3A_1706, %add3A_1723 : vector<16xf32>
    %add3A_1725 = arith.addf %add3A_1699, %mul3A_1724 : vector<16xf32>
    %get3A_1726 = arith.constant 17 : i32
    %get3A_1727 = arith.index_cast %get3A_1726 : i32 to index
    %get3A_1728 = arith.constant 16 : index
    %get3A_1729 = tpu.vector_load %arg8[%get3A_1727, %get3A_1728] {strides = array<i32>} : memref<32x64xf32, #tpu.memory_space<vmem>>, vector<1x16xf32>,
    %get3A_1730 = vector.shape_cast %get3A_1729 : vector<1x16xf32> to vector<16xf32>
    %get3A_1731 = arith.constant 17 : i32
    %get3A_1732 = arith.index_cast %get3A_1731 : i32 to index
    %get3A_1733 = arith.constant 16 : index
    %get3A_1734 = tpu.vector_load %arg9[%get3A_1732, %get3A_1733] {strides = array<i32>} : memref<32x128xf32, #tpu.memory_space<vmem>>, vector<1x16xf32>,
    %get3A_1735 = vector.shape_cast %get3A_1734 : vector<1x16xf32> to vector<16xf32>
    %sub3A_1736 = arith.constant 1.000000e+00 : f32
    %sub3A_1737 = arith.subf %sub3A_1736, %squeeze3A_1701 : f32
    %mul3A_1738 = vector.broadcast %sub3A_1737 : f32 to vector<16xf32>
    %mul3A_1739 = arith.mulf %get3A_1735, %mul3A_1738 : vector<16xf32>
    %get3A_1740 = arith.constant 17 : i32
    %get3A_1741 = arith.index_cast %get3A_1740 : i32 to index
    %get3A_1742 = arith.constant 80 : index
    %get3A_1743 = tpu.vector_load %arg9[%get3A_1741, %get3A_1742] {strides = array<i32>} : memref<32x128xf32, #tpu.memory_space<vmem>>, vector<1x16xf32>,
    %get3A_1744 = vector.shape_cast %get3A_1743 : vector<1x16xf32> to vector<16xf32>
    %mul3A_1745 = vector.broadcast %squeeze3A_1701 : f32 to vector<16xf32>
    %mul3A_1746 = arith.mulf %get3A_1744, %mul3A_1745 : vector<16xf32>
    %add3A_1747 = arith.addf %mul3A_1739, %mul3A_1746 : vector<16xf32>
    %mul3A_1748 = arith.mulf %get3A_1730, %add3A_1747 : vector<16xf32>
    %add3A_1749 = arith.addf %add3A_1725, %mul3A_1748 : vector<16xf32>
    %get3A_1750 = arith.constant 17 : i32
    %get3A_1751 = arith.index_cast %get3A_1750 : i32 to index
    %get3A_1752 = arith.constant 32 : index
    %get3A_1753 = tpu.vector_load %arg8[%get3A_1751, %get3A_1752] {strides = array<i32>} : memref<32x64xf32, #tpu.memory_space<vmem>>, vector<1x16xf32>,
    %get3A_1754 = vector.shape_cast %get3A_1753 : vector<1x16xf32> to vector<16xf32>
    %get3A_1755 = arith.constant 17 : i32
    %get3A_1756 = arith.index_cast %get3A_1755 : i32 to index
    %get3A_1757 = arith.constant 32 : index
    %get3A_1758 = tpu.vector_load %arg9[%get3A_1756, %get3A_1757] {strides = array<i32>} : memref<32x128xf32, #tpu.memory_space<vmem>>, vector<1x16xf32>,
    %get3A_1759 = vector.shape_cast %get3A_1758 : vector<1x16xf32> to vector<16xf32>
    %sub3A_1760 = arith.constant 1.000000e+00 : f32
    %sub3A_1761 = arith.subf %sub3A_1760, %squeeze3A_1701 : f32
    %mul3A_1762 = vector.broadcast %sub3A_1761 : f32 to vector<16xf32>
    %mul3A_1763 = arith.mulf %get3A_1759, %mul3A_1762 : vector<16xf32>
    %get3A_1764 = arith.constant 17 : i32
    %get3A_1765 = arith.index_cast %get3A_1764 : i32 to index
    %get3A_1766 = arith.constant 96 : index
    %get3A_1767 = tpu.vector_load %arg9[%get3A_1765, %get3A_1766] {strides = array<i32>} : memref<32x128xf32, #tpu.memory_space<vmem>>, vector<1x16xf32>,
    %get3A_1768 = vector.shape_cast %get3A_1767 : vector<1x16xf32> to vector<16xf32>
    %mul3A_1769 = vector.broadcast %squeeze3A_1701 : f32 to vector<16xf32>
    %mul3A_1770 = arith.mulf %get3A_1768, %mul3A_1769 : vector<16xf32>
    %add3A_1771 = arith.addf %mul3A_1763, %mul3A_1770 : vector<16xf32>
    %mul3A_1772 = arith.mulf %get3A_1754, %add3A_1771 : vector<16xf32>
    %add3A_1773 = arith.addf %add3A_1749, %mul3A_1772 : vector<16xf32>
    %get3A_1774 = arith.constant 17 : i32
    %get3A_1775 = arith.index_cast %get3A_1774 : i32 to index
    %get3A_1776 = arith.constant 48 : index
    %get3A_1777 = tpu.vector_load %arg8[%get3A_1775, %get3A_1776] {strides = array<i32>} : memref<32x64xf32, #tpu.memory_space<vmem>>, vector<1x16xf32>,
    %get3A_1778 = vector.shape_cast %get3A_1777 : vector<1x16xf32> to vector<16xf32>
    %get3A_1779 = arith.constant 17 : i32
    %get3A_1780 = arith.index_cast %get3A_1779 : i32 to index
    %get3A_1781 = arith.constant 48 : index
    %get3A_1782 = tpu.vector_load %arg9[%get3A_1780, %get3A_1781] {strides = array<i32>} : memref<32x128xf32, #tpu.memory_space<vmem>>, vector<1x16xf32>,
    %get3A_1783 = vector.shape_cast %get3A_1782 : vector<1x16xf32> to vector<16xf32>
    %sub3A_1784 = arith.constant 1.000000e+00 : f32
    %sub3A_1785 = arith.subf %sub3A_1784, %squeeze3A_1701 : f32
    %mul3A_1786 = vector.broadcast %sub3A_1785 : f32 to vector<16xf32>
    %mul3A_1787 = arith.mulf %get3A_1783, %mul3A_1786 : vector<16xf32>
    %get3A_1788 = arith.constant 17 : i32
    %get3A_1789 = arith.index_cast %get3A_1788 : i32 to index
    %get3A_1790 = arith.constant 112 : index
    %get3A_1791 = tpu.vector_load %arg9[%get3A_1789, %get3A_1790] {strides = array<i32>} : memref<32x128xf32, #tpu.memory_space<vmem>>, vector<1x16xf32>,
    %get3A_1792 = vector.shape_cast %get3A_1791 : vector<1x16xf32> to vector<16xf32>
    %mul3A_1793 = vector.broadcast %squeeze3A_1701 : f32 to vector<16xf32>
    %mul3A_1794 = arith.mulf %get3A_1792, %mul3A_1793 : vector<16xf32>
    %add3A_1795 = arith.addf %mul3A_1787, %mul3A_1794 : vector<16xf32>
    %mul3A_1796 = arith.mulf %get3A_1778, %add3A_1795 : vector<16xf32>
    %add3A_1797 = arith.addf %add3A_1773, %mul3A_1796 : vector<16xf32>
    %slice3A_1798 = vector.extract_strided_slice %convert_element_type3A_1601 {offsets = [2], sizes = [1], strides = [1]} : vector<16xf32> to vector<1xf32>
    %squeeze3A_1799 = vector.extract %slice3A_1798[0] : f32 from vector<1xf32>
    %get3A_1800 = arith.constant 18 : i32
    %get3A_1801 = arith.index_cast %get3A_1800 : i32 to index
    %get3A_1802 = arith.constant 0 : index
    %get3A_1803 = tpu.vector_load %arg8[%get3A_1801, %get3A_1802] {strides = array<i32>} : memref<32x64xf32, #tpu.memory_space<vmem>>, vector<1x16xf32>,
    %get3A_1804 = vector.shape_cast %get3A_1803 : vector<1x16xf32> to vector<16xf32>
    %get3A_1805 = arith.constant 18 : i32
    %get3A_1806 = arith.index_cast %get3A_1805 : i32 to index
    %get3A_1807 = arith.constant 0 : index
    %get3A_1808 = tpu.vector_load %arg9[%get3A_1806, %get3A_1807] {strides = array<i32>} : memref<32x128xf32, #tpu.memory_space<vmem>>, vector<1x16xf32>,
    %get3A_1809 = vector.shape_cast %get3A_1808 : vector<1x16xf32> to vector<16xf32>
    %sub3A_1810 = arith.constant 1.000000e+00 : f32
    %sub3A_1811 = arith.subf %sub3A_1810, %squeeze3A_1799 : f32
    %mul3A_1812 = vector.broadcast %sub3A_1811 : f32 to vector<16xf32>
    %mul3A_1813 = arith.mulf %get3A_1809, %mul3A_1812 : vector<16xf32>
    %get3A_1814 = arith.constant 18 : i32
    %get3A_1815 = arith.index_cast %get3A_1814 : i32 to index
    %get3A_1816 = arith.constant 64 : index
    %get3A_1817 = tpu.vector_load %arg9[%get3A_1815, %get3A_1816] {strides = array<i32>} : memref<32x128xf32, #tpu.memory_space<vmem>>, vector<1x16xf32>,
    %get3A_1818 = vector.shape_cast %get3A_1817 : vector<1x16xf32> to vector<16xf32>
    %mul3A_1819 = vector.broadcast %squeeze3A_1799 : f32 to vector<16xf32>
    %mul3A_1820 = arith.mulf %get3A_1818, %mul3A_1819 : vector<16xf32>
    %add3A_1821 = arith.addf %mul3A_1813, %mul3A_1820 : vector<16xf32>
    %mul3A_1822 = arith.mulf %get3A_1804, %add3A_1821 : vector<16xf32>
    %add3A_1823 = arith.addf %add3A_1797, %mul3A_1822 : vector<16xf32>
    %get3A_1824 = arith.constant 18 : i32
    %get3A_1825 = arith.index_cast %get3A_1824 : i32 to index
    %get3A_1826 = arith.constant 16 : index
    %get3A_1827 = tpu.vector_load %arg8[%get3A_1825, %get3A_1826] {strides = array<i32>} : memref<32x64xf32, #tpu.memory_space<vmem>>, vector<1x16xf32>,
    %get3A_1828 = vector.shape_cast %get3A_1827 : vector<1x16xf32> to vector<16xf32>
    %get3A_1829 = arith.constant 18 : i32
    %get3A_1830 = arith.index_cast %get3A_1829 : i32 to index
    %get3A_1831 = arith.constant 16 : index
    %get3A_1832 = tpu.vector_load %arg9[%get3A_1830, %get3A_1831] {strides = array<i32>} : memref<32x128xf32, #tpu.memory_space<vmem>>, vector<1x16xf32>,
    %get3A_1833 = vector.shape_cast %get3A_1832 : vector<1x16xf32> to vector<16xf32>
    %sub3A_1834 = arith.constant 1.000000e+00 : f32
    %sub3A_1835 = arith.subf %sub3A_1834, %squeeze3A_1799 : f32
    %mul3A_1836 = vector.broadcast %sub3A_1835 : f32 to vector<16xf32>
    %mul3A_1837 = arith.mulf %get3A_1833, %mul3A_1836 : vector<16xf32>
    %get3A_1838 = arith.constant 18 : i32
    %get3A_1839 = arith.index_cast %get3A_1838 : i32 to index
    %get3A_1840 = arith.constant 80 : index
    %get3A_1841 = tpu.vector_load %arg9[%get3A_1839, %get3A_1840] {strides = array<i32>} : memref<32x128xf32, #tpu.memory_space<vmem>>, vector<1x16xf32>,
    %get3A_1842 = vector.shape_cast %get3A_1841 : vector<1x16xf32> to vector<16xf32>
    %mul3A_1843 = vector.broadcast %squeeze3A_1799 : f32 to vector<16xf32>
    %mul3A_1844 = arith.mulf %get3A_1842, %mul3A_1843 : vector<16xf32>
    %add3A_1845 = arith.addf %mul3A_1837, %mul3A_1844 : vector<16xf32>
    %mul3A_1846 = arith.mulf %get3A_1828, %add3A_1845 : vector<16xf32>
    %add3A_1847 = arith.addf %add3A_1823, %mul3A_1846 : vector<16xf32>
    %get3A_1848 = arith.constant 18 : i32
    %get3A_1849 = arith.index_cast %get3A_1848 : i32 to index
    %get3A_1850 = arith.constant 32 : index
    %get3A_1851 = tpu.vector_load %arg8[%get3A_1849, %get3A_1850] {strides = array<i32>} : memref<32x64xf32, #tpu.memory_space<vmem>>, vector<1x16xf32>,
    %get3A_1852 = vector.shape_cast %get3A_1851 : vector<1x16xf32> to vector<16xf32>
    %get3A_1853 = arith.constant 18 : i32
    %get3A_1854 = arith.index_cast %get3A_1853 : i32 to index
    %get3A_1855 = arith.constant 32 : index
    %get3A_1856 = tpu.vector_load %arg9[%get3A_1854, %get3A_1855] {strides = array<i32>} : memref<32x128xf32, #tpu.memory_space<vmem>>, vector<1x16xf32>,
    %get3A_1857 = vector.shape_cast %get3A_1856 : vector<1x16xf32> to vector<16xf32>
    %sub3A_1858 = arith.constant 1.000000e+00 : f32
    %sub3A_1859 = arith.subf %sub3A_1858, %squeeze3A_1799 : f32
    %mul3A_1860 = vector.broadcast %sub3A_1859 : f32 to vector<16xf32>
    %mul3A_1861 = arith.mulf %get3A_1857, %mul3A_1860 : vector<16xf32>
    %get3A_1862 = arith.constant 18 : i32
    %get3A_1863 = arith.index_cast %get3A_1862 : i32 to index
    %get3A_1864 = arith.constant 96 : index
    %get3A_1865 = tpu.vector_load %arg9[%get3A_1863, %get3A_1864] {strides = array<i32>} : memref<32x128xf32, #tpu.memory_space<vmem>>, vector<1x16xf32>,
    %get3A_1866 = vector.shape_cast %get3A_1865 : vector<1x16xf32> to vector<16xf32>
    %mul3A_1867 = vector.broadcast %squeeze3A_1799 : f32 to vector<16xf32>
    %mul3A_1868 = arith.mulf %get3A_1866, %mul3A_1867 : vector<16xf32>
    %add3A_1869 = arith.addf %mul3A_1861, %mul3A_1868 : vector<16xf32>
    %mul3A_1870 = arith.mulf %get3A_1852, %add3A_1869 : vector<16xf32>
    %add3A_1871 = arith.addf %add3A_1847, %mul3A_1870 : vector<16xf32>
    %get3A_1872 = arith.constant 18 : i32
    %get3A_1873 = arith.index_cast %get3A_1872 : i32 to index
    %get3A_1874 = arith.constant 48 : index
    %get3A_1875 = tpu.vector_load %arg8[%get3A_1873, %get3A_1874] {strides = array<i32>} : memref<32x64xf32, #tpu.memory_space<vmem>>, vector<1x16xf32>,
    %get3A_1876 = vector.shape_cast %get3A_1875 : vector<1x16xf32> to vector<16xf32>
    %get3A_1877 = arith.constant 18 : i32
    %get3A_1878 = arith.index_cast %get3A_1877 : i32 to index
    %get3A_1879 = arith.constant 48 : index
    %get3A_1880 = tpu.vector_load %arg9[%get3A_1878, %get3A_1879] {strides = array<i32>} : memref<32x128xf32, #tpu.memory_space<vmem>>, vector<1x16xf32>,
    %get3A_1881 = vector.shape_cast %get3A_1880 : vector<1x16xf32> to vector<16xf32>
    %sub3A_1882 = arith.constant 1.000000e+00 : f32
    %sub3A_1883 = arith.subf %sub3A_1882, %squeeze3A_1799 : f32
    %mul3A_1884 = vector.broadcast %sub3A_1883 : f32 to vector<16xf32>
    %mul3A_1885 = arith.mulf %get3A_1881, %mul3A_1884 : vector<16xf32>
    %get3A_1886 = arith.constant 18 : i32
    %get3A_1887 = arith.index_cast %get3A_1886 : i32 to index
    %get3A_1888 = arith.constant 112 : index
    %get3A_1889 = tpu.vector_load %arg9[%get3A_1887, %get3A_1888] {strides = array<i32>} : memref<32x128xf32, #tpu.memory_space<vmem>>, vector<1x16xf32>,
    %get3A_1890 = vector.shape_cast %get3A_1889 : vector<1x16xf32> to vector<16xf32>
    %mul3A_1891 = vector.broadcast %squeeze3A_1799 : f32 to vector<16xf32>
    %mul3A_1892 = arith.mulf %get3A_1890, %mul3A_1891 : vector<16xf32>
    %add3A_1893 = arith.addf %mul3A_1885, %mul3A_1892 : vector<16xf32>
    %mul3A_1894 = arith.mulf %get3A_1876, %add3A_1893 : vector<16xf32>
    %add3A_1895 = arith.addf %add3A_1871, %mul3A_1894 : vector<16xf32>
    %slice3A_1896 = vector.extract_strided_slice %convert_element_type3A_1601 {offsets = [3], sizes = [1], strides = [1]} : vector<16xf32> to vector<1xf32>
    %squeeze3A_1897 = vector.extract %slice3A_1896[0] : f32 from vector<1xf32>
    %get3A_1898 = arith.constant 19 : i32
    %get3A_1899 = arith.index_cast %get3A_1898 : i32 to index
    %get3A_1900 = arith.constant 0 : index
    %get3A_1901 = tpu.vector_load %arg8[%get3A_1899, %get3A_1900] {strides = array<i32>} : memref<32x64xf32, #tpu.memory_space<vmem>>, vector<1x16xf32>,
    %get3A_1902 = vector.shape_cast %get3A_1901 : vector<1x16xf32> to vector<16xf32>
    %get3A_1903 = arith.constant 19 : i32
    %get3A_1904 = arith.index_cast %get3A_1903 : i32 to index
    %get3A_1905 = arith.constant 0 : index
    %get3A_1906 = tpu.vector_load %arg9[%get3A_1904, %get3A_1905] {strides = array<i32>} : memref<32x128xf32, #tpu.memory_space<vmem>>, vector<1x16xf32>,
    %get3A_1907 = vector.shape_cast %get3A_1906 : vector<1x16xf32> to vector<16xf32>
    %sub3A_1908 = arith.constant 1.000000e+00 : f32
    %sub3A_1909 = arith.subf %sub3A_1908, %squeeze3A_1897 : f32
    %mul3A_1910 = vector.broadcast %sub3A_1909 : f32 to vector<16xf32>
    %mul3A_1911 = arith.mulf %get3A_1907, %mul3A_1910 : vector<16xf32>
    %get3A_1912 = arith.constant 19 : i32
    %get3A_1913 = arith.index_cast %get3A_1912 : i32 to index
    %get3A_1914 = arith.constant 64 : index
    %get3A_1915 = tpu.vector_load %arg9[%get3A_1913, %get3A_1914] {strides = array<i32>} : memref<32x128xf32, #tpu.memory_space<vmem>>, vector<1x16xf32>,
    %get3A_1916 = vector.shape_cast %get3A_1915 : vector<1x16xf32> to vector<16xf32>
    %mul3A_1917 = vector.broadcast %squeeze3A_1897 : f32 to vector<16xf32>
    %mul3A_1918 = arith.mulf %get3A_1916, %mul3A_1917 : vector<16xf32>
    %add3A_1919 = arith.addf %mul3A_1911, %mul3A_1918 : vector<16xf32>
    %mul3A_1920 = arith.mulf %get3A_1902, %add3A_1919 : vector<16xf32>
    %add3A_1921 = arith.addf %add3A_1895, %mul3A_1920 : vector<16xf32>
    %get3A_1922 = arith.constant 19 : i32
    %get3A_1923 = arith.index_cast %get3A_1922 : i32 to index
    %get3A_1924 = arith.constant 16 : index
    %get3A_1925 = tpu.vector_load %arg8[%get3A_1923, %get3A_1924] {strides = array<i32>} : memref<32x64xf32, #tpu.memory_space<vmem>>, vector<1x16xf32>,
    %get3A_1926 = vector.shape_cast %get3A_1925 : vector<1x16xf32> to vector<16xf32>
    %get3A_1927 = arith.constant 19 : i32
    %get3A_1928 = arith.index_cast %get3A_1927 : i32 to index
    %get3A_1929 = arith.constant 16 : index
    %get3A_1930 = tpu.vector_load %arg9[%get3A_1928, %get3A_1929] {strides = array<i32>} : memref<32x128xf32, #tpu.memory_space<vmem>>, vector<1x16xf32>,
    %get3A_1931 = vector.shape_cast %get3A_1930 : vector<1x16xf32> to vector<16xf32>
    %sub3A_1932 = arith.constant 1.000000e+00 : f32
    %sub3A_1933 = arith.subf %sub3A_1932, %squeeze3A_1897 : f32
    %mul3A_1934 = vector.broadcast %sub3A_1933 : f32 to vector<16xf32>
    %mul3A_1935 = arith.mulf %get3A_1931, %mul3A_1934 : vector<16xf32>
    %get3A_1936 = arith.constant 19 : i32
    %get3A_1937 = arith.index_cast %get3A_1936 : i32 to index
    %get3A_1938 = arith.constant 80 : index
    %get3A_1939 = tpu.vector_load %arg9[%get3A_1937, %get3A_1938] {strides = array<i32>} : memref<32x128xf32, #tpu.memory_space<vmem>>, vector<1x16xf32>,
    %get3A_1940 = vector.shape_cast %get3A_1939 : vector<1x16xf32> to vector<16xf32>
    %mul3A_1941 = vector.broadcast %squeeze3A_1897 : f32 to vector<16xf32>
    %mul3A_1942 = arith.mulf %get3A_1940, %mul3A_1941 : vector<16xf32>
    %add3A_1943 = arith.addf %mul3A_1935, %mul3A_1942 : vector<16xf32>
    %mul3A_1944 = arith.mulf %get3A_1926, %add3A_1943 : vector<16xf32>
    %add3A_1945 = arith.addf %add3A_1921, %mul3A_1944 : vector<16xf32>
    %get3A_1946 = arith.constant 19 : i32
    %get3A_1947 = arith.index_cast %get3A_1946 : i32 to index
    %get3A_1948 = arith.constant 32 : index
    %get3A_1949 = tpu.vector_load %arg8[%get3A_1947, %get3A_1948] {strides = array<i32>} : memref<32x64xf32, #tpu.memory_space<vmem>>, vector<1x16xf32>,
    %get3A_1950 = vector.shape_cast %get3A_1949 : vector<1x16xf32> to vector<16xf32>
    %get3A_1951 = arith.constant 19 : i32
    %get3A_1952 = arith.index_cast %get3A_1951 : i32 to index
    %get3A_1953 = arith.constant 32 : index
    %get3A_1954 = tpu.vector_load %arg9[%get3A_1952, %get3A_1953] {strides = array<i32>} : memref<32x128xf32, #tpu.memory_space<vmem>>, vector<1x16xf32>,
    %get3A_1955 = vector.shape_cast %get3A_1954 : vector<1x16xf32> to vector<16xf32>
    %sub3A_1956 = arith.constant 1.000000e+00 : f32
    %sub3A_1957 = arith.subf %sub3A_1956, %squeeze3A_1897 : f32
    %mul3A_1958 = vector.broadcast %sub3A_1957 : f32 to vector<16xf32>
    %mul3A_1959 = arith.mulf %get3A_1955, %mul3A_1958 : vector<16xf32>
    %get3A_1960 = arith.constant 19 : i32
    %get3A_1961 = arith.index_cast %get3A_1960 : i32 to index
    %get3A_1962 = arith.constant 96 : index
    %get3A_1963 = tpu.vector_load %arg9[%get3A_1961, %get3A_1962] {strides = array<i32>} : memref<32x128xf32, #tpu.memory_space<vmem>>, vector<1x16xf32>,
    %get3A_1964 = vector.shape_cast %get3A_1963 : vector<1x16xf32> to vector<16xf32>
    %mul3A_1965 = vector.broadcast %squeeze3A_1897 : f32 to vector<16xf32>
    %mul3A_1966 = arith.mulf %get3A_1964, %mul3A_1965 : vector<16xf32>
    %add3A_1967 = arith.addf %mul3A_1959, %mul3A_1966 : vector<16xf32>
    %mul3A_1968 = arith.mulf %get3A_1950, %add3A_1967 : vector<16xf32>
    %add3A_1969 = arith.addf %add3A_1945, %mul3A_1968 : vector<16xf32>
    %get3A_1970 = arith.constant 19 : i32
    %get3A_1971 = arith.index_cast %get3A_1970 : i32 to index
    %get3A_1972 = arith.constant 48 : index
    %get3A_1973 = tpu.vector_load %arg8[%get3A_1971, %get3A_1972] {strides = array<i32>} : memref<32x64xf32, #tpu.memory_space<vmem>>, vector<1x16xf32>,
    %get3A_1974 = vector.shape_cast %get3A_1973 : vector<1x16xf32> to vector<16xf32>
    %get3A_1975 = arith.constant 19 : i32
    %get3A_1976 = arith.index_cast %get3A_1975 : i32 to index
    %get3A_1977 = arith.constant 48 : index
    %get3A_1978 = tpu.vector_load %arg9[%get3A_1976, %get3A_1977] {strides = array<i32>} : memref<32x128xf32, #tpu.memory_space<vmem>>, vector<1x16xf32>,
    %get3A_1979 = vector.shape_cast %get3A_1978 : vector<1x16xf32> to vector<16xf32>
    %sub3A_1980 = arith.constant 1.000000e+00 : f32
    %sub3A_1981 = arith.subf %sub3A_1980, %squeeze3A_1897 : f32
    %mul3A_1982 = vector.broadcast %sub3A_1981 : f32 to vector<16xf32>
    %mul3A_1983 = arith.mulf %get3A_1979, %mul3A_1982 : vector<16xf32>
    %get3A_1984 = arith.constant 19 : i32
    %get3A_1985 = arith.index_cast %get3A_1984 : i32 to index
    %get3A_1986 = arith.constant 112 : index
    %get3A_1987 = tpu.vector_load %arg9[%get3A_1985, %get3A_1986] {strides = array<i32>} : memref<32x128xf32, #tpu.memory_space<vmem>>, vector<1x16xf32>,
    %get3A_1988 = vector.shape_cast %get3A_1987 : vector<1x16xf32> to vector<16xf32>
    %mul3A_1989 = vector.broadcast %squeeze3A_1897 : f32 to vector<16xf32>
    %mul3A_1990 = arith.mulf %get3A_1988, %mul3A_1989 : vector<16xf32>
    %add3A_1991 = arith.addf %mul3A_1983, %mul3A_1990 : vector<16xf32>
    %mul3A_1992 = arith.mulf %get3A_1974, %add3A_1991 : vector<16xf32>
    %add3A_1993 = arith.addf %add3A_1969, %mul3A_1992 : vector<16xf32>
    %slice3A_1994 = vector.extract_strided_slice %convert_element_type3A_1601 {offsets = [4], sizes = [1], strides = [1]} : vector<16xf32> to vector<1xf32>
    %squeeze3A_1995 = vector.extract %slice3A_1994[0] : f32 from vector<1xf32>
    %get3A_1996 = arith.constant 20 : i32
    %get3A_1997 = arith.index_cast %get3A_1996 : i32 to index
    %get3A_1998 = arith.constant 0 : index
    %get3A_1999 = tpu.vector_load %arg8[%get3A_1997, %get3A_1998] {strides = array<i32>} : memref<32x64xf32, #tpu.memory_space<vmem>>, vector<1x16xf32>,
    %get3A_2000 = vector.shape_cast %get3A_1999 : vector<1x16xf32> to vector<16xf32>
    %get3A_2001 = arith.constant 20 : i32
    %get3A_2002 = arith.index_cast %get3A_2001 : i32 to index
    %get3A_2003 = arith.constant 0 : index
    %get3A_2004 = tpu.vector_load %arg9[%get3A_2002, %get3A_2003] {strides = array<i32>} : memref<32x128xf32, #tpu.memory_space<vmem>>, vector<1x16xf32>,
    %get3A_2005 = vector.shape_cast %get3A_2004 : vector<1x16xf32> to vector<16xf32>
    %sub3A_2006 = arith.constant 1.000000e+00 : f32
    %sub3A_2007 = arith.subf %sub3A_2006, %squeeze3A_1995 : f32
    %mul3A_2008 = vector.broadcast %sub3A_2007 : f32 to vector<16xf32>
    %mul3A_2009 = arith.mulf %get3A_2005, %mul3A_2008 : vector<16xf32>
    %get3A_2010 = arith.constant 20 : i32
    %get3A_2011 = arith.index_cast %get3A_2010 : i32 to index
    %get3A_2012 = arith.constant 64 : index
    %get3A_2013 = tpu.vector_load %arg9[%get3A_2011, %get3A_2012] {strides = array<i32>} : memref<32x128xf32, #tpu.memory_space<vmem>>, vector<1x16xf32>,
    %get3A_2014 = vector.shape_cast %get3A_2013 : vector<1x16xf32> to vector<16xf32>
    %mul3A_2015 = vector.broadcast %squeeze3A_1995 : f32 to vector<16xf32>
    %mul3A_2016 = arith.mulf %get3A_2014, %mul3A_2015 : vector<16xf32>
    %add3A_2017 = arith.addf %mul3A_2009, %mul3A_2016 : vector<16xf32>
    %mul3A_2018 = arith.mulf %get3A_2000, %add3A_2017 : vector<16xf32>
    %add3A_2019 = arith.addf %add3A_1993, %mul3A_2018 : vector<16xf32>
    %get3A_2020 = arith.constant 20 : i32
    %get3A_2021 = arith.index_cast %get3A_2020 : i32 to index
    %get3A_2022 = arith.constant 16 : index
    %get3A_2023 = tpu.vector_load %arg8[%get3A_2021, %get3A_2022] {strides = array<i32>} : memref<32x64xf32, #tpu.memory_space<vmem>>, vector<1x16xf32>,
    %get3A_2024 = vector.shape_cast %get3A_2023 : vector<1x16xf32> to vector<16xf32>
    %get3A_2025 = arith.constant 20 : i32
    %get3A_2026 = arith.index_cast %get3A_2025 : i32 to index
    %get3A_2027 = arith.constant 16 : index
    %get3A_2028 = tpu.vector_load %arg9[%get3A_2026, %get3A_2027] {strides = array<i32>} : memref<32x128xf32, #tpu.memory_space<vmem>>, vector<1x16xf32>,
    %get3A_2029 = vector.shape_cast %get3A_2028 : vector<1x16xf32> to vector<16xf32>
    %sub3A_2030 = arith.constant 1.000000e+00 : f32
    %sub3A_2031 = arith.subf %sub3A_2030, %squeeze3A_1995 : f32
    %mul3A_2032 = vector.broadcast %sub3A_2031 : f32 to vector<16xf32>
    %mul3A_2033 = arith.mulf %get3A_2029, %mul3A_2032 : vector<16xf32>
    %get3A_2034 = arith.constant 20 : i32
    %get3A_2035 = arith.index_cast %get3A_2034 : i32 to index
    %get3A_2036 = arith.constant 80 : index
    %get3A_2037 = tpu.vector_load %arg9[%get3A_2035, %get3A_2036] {strides = array<i32>} : memref<32x128xf32, #tpu.memory_space<vmem>>, vector<1x16xf32>,
    %get3A_2038 = vector.shape_cast %get3A_2037 : vector<1x16xf32> to vector<16xf32>
    %mul3A_2039 = vector.broadcast %squeeze3A_1995 : f32 to vector<16xf32>
    %mul3A_2040 = arith.mulf %get3A_2038, %mul3A_2039 : vector<16xf32>
    %add3A_2041 = arith.addf %mul3A_2033, %mul3A_2040 : vector<16xf32>
    %mul3A_2042 = arith.mulf %get3A_2024, %add3A_2041 : vector<16xf32>
    %add3A_2043 = arith.addf %add3A_2019, %mul3A_2042 : vector<16xf32>
    %get3A_2044 = arith.constant 20 : i32
    %get3A_2045 = arith.index_cast %get3A_2044 : i32 to index
    %get3A_2046 = arith.constant 32 : index
    %get3A_2047 = tpu.vector_load %arg8[%get3A_2045, %get3A_2046] {strides = array<i32>} : memref<32x64xf32, #tpu.memory_space<vmem>>, vector<1x16xf32>,
    %get3A_2048 = vector.shape_cast %get3A_2047 : vector<1x16xf32> to vector<16xf32>
    %get3A_2049 = arith.constant 20 : i32
    %get3A_2050 = arith.index_cast %get3A_2049 : i32 to index
    %get3A_2051 = arith.constant 32 : index
    %get3A_2052 = tpu.vector_load %arg9[%get3A_2050, %get3A_2051] {strides = array<i32>} : memref<32x128xf32, #tpu.memory_space<vmem>>, vector<1x16xf32>,
    %get3A_2053 = vector.shape_cast %get3A_2052 : vector<1x16xf32> to vector<16xf32>
    %sub3A_2054 = arith.constant 1.000000e+00 : f32
    %sub3A_2055 = arith.subf %sub3A_2054, %squeeze3A_1995 : f32
    %mul3A_2056 = vector.broadcast %sub3A_2055 : f32 to vector<16xf32>
    %mul3A_2057 = arith.mulf %get3A_2053, %mul3A_2056 : vector<16xf32>
    %get3A_2058 = arith.constant 20 : i32
    %get3A_2059 = arith.index_cast %get3A_2058 : i32 to index
    %get3A_2060 = arith.constant 96 : index
    %get3A_2061 = tpu.vector_load %arg9[%get3A_2059, %get3A_2060] {strides = array<i32>} : memref<32x128xf32, #tpu.memory_space<vmem>>, vector<1x16xf32>,
    %get3A_2062 = vector.shape_cast %get3A_2061 : vector<1x16xf32> to vector<16xf32>
    %mul3A_2063 = vector.broadcast %squeeze3A_1995 : f32 to vector<16xf32>
    %mul3A_2064 = arith.mulf %get3A_2062, %mul3A_2063 : vector<16xf32>
    %add3A_2065 = arith.addf %mul3A_2057, %mul3A_2064 : vector<16xf32>
    %mul3A_2066 = arith.mulf %get3A_2048, %add3A_2065 : vector<16xf32>
    %add3A_2067 = arith.addf %add3A_2043, %mul3A_2066 : vector<16xf32>
    %get3A_2068 = arith.constant 20 : i32
    %get3A_2069 = arith.index_cast %get3A_2068 : i32 to index
    %get3A_2070 = arith.constant 48 : index
    %get3A_2071 = tpu.vector_load %arg8[%get3A_2069, %get3A_2070] {strides = array<i32>} : memref<32x64xf32, #tpu.memory_space<vmem>>, vector<1x16xf32>,
    %get3A_2072 = vector.shape_cast %get3A_2071 : vector<1x16xf32> to vector<16xf32>
    %get3A_2073 = arith.constant 20 : i32
    %get3A_2074 = arith.index_cast %get3A_2073 : i32 to index
    %get3A_2075 = arith.constant 48 : index
    %get3A_2076 = tpu.vector_load %arg9[%get3A_2074, %get3A_2075] {strides = array<i32>} : memref<32x128xf32, #tpu.memory_space<vmem>>, vector<1x16xf32>,
    %get3A_2077 = vector.shape_cast %get3A_2076 : vector<1x16xf32> to vector<16xf32>
    %sub3A_2078 = arith.constant 1.000000e+00 : f32
    %sub3A_2079 = arith.subf %sub3A_2078, %squeeze3A_1995 : f32
    %mul3A_2080 = vector.broadcast %sub3A_2079 : f32 to vector<16xf32>
    %mul3A_2081 = arith.mulf %get3A_2077, %mul3A_2080 : vector<16xf32>
    %get3A_2082 = arith.constant 20 : i32
    %get3A_2083 = arith.index_cast %get3A_2082 : i32 to index
    %get3A_2084 = arith.constant 112 : index
    %get3A_2085 = tpu.vector_load %arg9[%get3A_2083, %get3A_2084] {strides = array<i32>} : memref<32x128xf32, #tpu.memory_space<vmem>>, vector<1x16xf32>,
    %get3A_2086 = vector.shape_cast %get3A_2085 : vector<1x16xf32> to vector<16xf32>
    %mul3A_2087 = vector.broadcast %squeeze3A_1995 : f32 to vector<16xf32>
    %mul3A_2088 = arith.mulf %get3A_2086, %mul3A_2087 : vector<16xf32>
    %add3A_2089 = arith.addf %mul3A_2081, %mul3A_2088 : vector<16xf32>
    %mul3A_2090 = arith.mulf %get3A_2072, %add3A_2089 : vector<16xf32>
    %add3A_2091 = arith.addf %add3A_2067, %mul3A_2090 : vector<16xf32>
    %slice3A_2092 = vector.extract_strided_slice %convert_element_type3A_1601 {offsets = [5], sizes = [1], strides = [1]} : vector<16xf32> to vector<1xf32>
    %squeeze3A_2093 = vector.extract %slice3A_2092[0] : f32 from vector<1xf32>
    %get3A_2094 = arith.constant 21 : i32
    %get3A_2095 = arith.index_cast %get3A_2094 : i32 to index
    %get3A_2096 = arith.constant 0 : index
    %get3A_2097 = tpu.vector_load %arg8[%get3A_2095, %get3A_2096] {strides = array<i32>} : memref<32x64xf32, #tpu.memory_space<vmem>>, vector<1x16xf32>,
    %get3A_2098 = vector.shape_cast %get3A_2097 : vector<1x16xf32> to vector<16xf32>
    %get3A_2099 = arith.constant 21 : i32
    %get3A_2100 = arith.index_cast %get3A_2099 : i32 to index
    %get3A_2101 = arith.constant 0 : index
    %get3A_2102 = tpu.vector_load %arg9[%get3A_2100, %get3A_2101] {strides = array<i32>} : memref<32x128xf32, #tpu.memory_space<vmem>>, vector<1x16xf32>,
    %get3A_2103 = vector.shape_cast %get3A_2102 : vector<1x16xf32> to vector<16xf32>
    %sub3A_2104 = arith.constant 1.000000e+00 : f32
    %sub3A_2105 = arith.subf %sub3A_2104, %squeeze3A_2093 : f32
    %mul3A_2106 = vector.broadcast %sub3A_2105 : f32 to vector<16xf32>
    %mul3A_2107 = arith.mulf %get3A_2103, %mul3A_2106 : vector<16xf32>
    %get3A_2108 = arith.constant 21 : i32
    %get3A_2109 = arith.index_cast %get3A_2108 : i32 to index
    %get3A_2110 = arith.constant 64 : index
    %get3A_2111 = tpu.vector_load %arg9[%get3A_2109, %get3A_2110] {strides = array<i32>} : memref<32x128xf32, #tpu.memory_space<vmem>>, vector<1x16xf32>,
    %get3A_2112 = vector.shape_cast %get3A_2111 : vector<1x16xf32> to vector<16xf32>
    %mul3A_2113 = vector.broadcast %squeeze3A_2093 : f32 to vector<16xf32>
    %mul3A_2114 = arith.mulf %get3A_2112, %mul3A_2113 : vector<16xf32>
    %add3A_2115 = arith.addf %mul3A_2107, %mul3A_2114 : vector<16xf32>
    %mul3A_2116 = arith.mulf %get3A_2098, %add3A_2115 : vector<16xf32>
    %add3A_2117 = arith.addf %add3A_2091, %mul3A_2116 : vector<16xf32>
    %get3A_2118 = arith.constant 21 : i32
    %get3A_2119 = arith.index_cast %get3A_2118 : i32 to index
    %get3A_2120 = arith.constant 16 : index
    %get3A_2121 = tpu.vector_load %arg8[%get3A_2119, %get3A_2120] {strides = array<i32>} : memref<32x64xf32, #tpu.memory_space<vmem>>, vector<1x16xf32>,
    %get3A_2122 = vector.shape_cast %get3A_2121 : vector<1x16xf32> to vector<16xf32>
    %get3A_2123 = arith.constant 21 : i32
    %get3A_2124 = arith.index_cast %get3A_2123 : i32 to index
    %get3A_2125 = arith.constant 16 : index
    %get3A_2126 = tpu.vector_load %arg9[%get3A_2124, %get3A_2125] {strides = array<i32>} : memref<32x128xf32, #tpu.memory_space<vmem>>, vector<1x16xf32>,
    %get3A_2127 = vector.shape_cast %get3A_2126 : vector<1x16xf32> to vector<16xf32>
    %sub3A_2128 = arith.constant 1.000000e+00 : f32
    %sub3A_2129 = arith.subf %sub3A_2128, %squeeze3A_2093 : f32
    %mul3A_2130 = vector.broadcast %sub3A_2129 : f32 to vector<16xf32>
    %mul3A_2131 = arith.mulf %get3A_2127, %mul3A_2130 : vector<16xf32>
    %get3A_2132 = arith.constant 21 : i32
    %get3A_2133 = arith.index_cast %get3A_2132 : i32 to index
    %get3A_2134 = arith.constant 80 : index
    %get3A_2135 = tpu.vector_load %arg9[%get3A_2133, %get3A_2134] {strides = array<i32>} : memref<32x128xf32, #tpu.memory_space<vmem>>, vector<1x16xf32>,
    %get3A_2136 = vector.shape_cast %get3A_2135 : vector<1x16xf32> to vector<16xf32>
    %mul3A_2137 = vector.broadcast %squeeze3A_2093 : f32 to vector<16xf32>
    %mul3A_2138 = arith.mulf %get3A_2136, %mul3A_2137 : vector<16xf32>
    %add3A_2139 = arith.addf %mul3A_2131, %mul3A_2138 : vector<16xf32>
    %mul3A_2140 = arith.mulf %get3A_2122, %add3A_2139 : vector<16xf32>
    %add3A_2141 = arith.addf %add3A_2117, %mul3A_2140 : vector<16xf32>
    %get3A_2142 = arith.constant 21 : i32
    %get3A_2143 = arith.index_cast %get3A_2142 : i32 to index
    %get3A_2144 = arith.constant 32 : index
    %get3A_2145 = tpu.vector_load %arg8[%get3A_2143, %get3A_2144] {strides = array<i32>} : memref<32x64xf32, #tpu.memory_space<vmem>>, vector<1x16xf32>,
    %get3A_2146 = vector.shape_cast %get3A_2145 : vector<1x16xf32> to vector<16xf32>
    %get3A_2147 = arith.constant 21 : i32
    %get3A_2148 = arith.index_cast %get3A_2147 : i32 to index
    %get3A_2149 = arith.constant 32 : index
    %get3A_2150 = tpu.vector_load %arg9[%get3A_2148, %get3A_2149] {strides = array<i32>} : memref<32x128xf32, #tpu.memory_space<vmem>>, vector<1x16xf32>,
    %get3A_2151 = vector.shape_cast %get3A_2150 : vector<1x16xf32> to vector<16xf32>
    %sub3A_2152 = arith.constant 1.000000e+00 : f32
    %sub3A_2153 = arith.subf %sub3A_2152, %squeeze3A_2093 : f32
    %mul3A_2154 = vector.broadcast %sub3A_2153 : f32 to vector<16xf32>
    %mul3A_2155 = arith.mulf %get3A_2151, %mul3A_2154 : vector<16xf32>
    %get3A_2156 = arith.constant 21 : i32
    %get3A_2157 = arith.index_cast %get3A_2156 : i32 to index
    %get3A_2158 = arith.constant 96 : index
    %get3A_2159 = tpu.vector_load %arg9[%get3A_2157, %get3A_2158] {strides = array<i32>} : memref<32x128xf32, #tpu.memory_space<vmem>>, vector<1x16xf32>,
    %get3A_2160 = vector.shape_cast %get3A_2159 : vector<1x16xf32> to vector<16xf32>
    %mul3A_2161 = vector.broadcast %squeeze3A_2093 : f32 to vector<16xf32>
    %mul3A_2162 = arith.mulf %get3A_2160, %mul3A_2161 : vector<16xf32>
    %add3A_2163 = arith.addf %mul3A_2155, %mul3A_2162 : vector<16xf32>
    %mul3A_2164 = arith.mulf %get3A_2146, %add3A_2163 : vector<16xf32>
    %add3A_2165 = arith.addf %add3A_2141, %mul3A_2164 : vector<16xf32>
    %get3A_2166 = arith.constant 21 : i32
    %get3A_2167 = arith.index_cast %get3A_2166 : i32 to index
    %get3A_2168 = arith.constant 48 : index
    %get3A_2169 = tpu.vector_load %arg8[%get3A_2167, %get3A_2168] {strides = array<i32>} : memref<32x64xf32, #tpu.memory_space<vmem>>, vector<1x16xf32>,
    %get3A_2170 = vector.shape_cast %get3A_2169 : vector<1x16xf32> to vector<16xf32>
    %get3A_2171 = arith.constant 21 : i32
    %get3A_2172 = arith.index_cast %get3A_2171 : i32 to index
    %get3A_2173 = arith.constant 48 : index
    %get3A_2174 = tpu.vector_load %arg9[%get3A_2172, %get3A_2173] {strides = array<i32>} : memref<32x128xf32, #tpu.memory_space<vmem>>, vector<1x16xf32>,
    %get3A_2175 = vector.shape_cast %get3A_2174 : vector<1x16xf32> to vector<16xf32>
    %sub3A_2176 = arith.constant 1.000000e+00 : f32
    %sub3A_2177 = arith.subf %sub3A_2176, %squeeze3A_2093 : f32
    %mul3A_2178 = vector.broadcast %sub3A_2177 : f32 to vector<16xf32>
    %mul3A_2179 = arith.mulf %get3A_2175, %mul3A_2178 : vector<16xf32>
    %get3A_2180 = arith.constant 21 : i32
    %get3A_2181 = arith.index_cast %get3A_2180 : i32 to index
    %get3A_2182 = arith.constant 112 : index
    %get3A_2183 = tpu.vector_load %arg9[%get3A_2181, %get3A_2182] {strides = array<i32>} : memref<32x128xf32, #tpu.memory_space<vmem>>, vector<1x16xf32>,
    %get3A_2184 = vector.shape_cast %get3A_2183 : vector<1x16xf32> to vector<16xf32>
    %mul3A_2185 = vector.broadcast %squeeze3A_2093 : f32 to vector<16xf32>
    %mul3A_2186 = arith.mulf %get3A_2184, %mul3A_2185 : vector<16xf32>
    %add3A_2187 = arith.addf %mul3A_2179, %mul3A_2186 : vector<16xf32>
    %mul3A_2188 = arith.mulf %get3A_2170, %add3A_2187 : vector<16xf32>
    %add3A_2189 = arith.addf %add3A_2165, %mul3A_2188 : vector<16xf32>
    %slice3A_2190 = vector.extract_strided_slice %convert_element_type3A_1601 {offsets = [6], sizes = [1], strides = [1]} : vector<16xf32> to vector<1xf32>
    %squeeze3A_2191 = vector.extract %slice3A_2190[0] : f32 from vector<1xf32>
    %get3A_2192 = arith.constant 22 : i32
    %get3A_2193 = arith.index_cast %get3A_2192 : i32 to index
    %get3A_2194 = arith.constant 0 : index
    %get3A_2195 = tpu.vector_load %arg8[%get3A_2193, %get3A_2194] {strides = array<i32>} : memref<32x64xf32, #tpu.memory_space<vmem>>, vector<1x16xf32>,
    %get3A_2196 = vector.shape_cast %get3A_2195 : vector<1x16xf32> to vector<16xf32>
    %get3A_2197 = arith.constant 22 : i32
    %get3A_2198 = arith.index_cast %get3A_2197 : i32 to index
    %get3A_2199 = arith.constant 0 : index
    %get3A_2200 = tpu.vector_load %arg9[%get3A_2198, %get3A_2199] {strides = array<i32>} : memref<32x128xf32, #tpu.memory_space<vmem>>, vector<1x16xf32>,
    %get3A_2201 = vector.shape_cast %get3A_2200 : vector<1x16xf32> to vector<16xf32>
    %sub3A_2202 = arith.constant 1.000000e+00 : f32
    %sub3A_2203 = arith.subf %sub3A_2202, %squeeze3A_2191 : f32
    %mul3A_2204 = vector.broadcast %sub3A_2203 : f32 to vector<16xf32>
    %mul3A_2205 = arith.mulf %get3A_2201, %mul3A_2204 : vector<16xf32>
    %get3A_2206 = arith.constant 22 : i32
    %get3A_2207 = arith.index_cast %get3A_2206 : i32 to index
    %get3A_2208 = arith.constant 64 : index
    %get3A_2209 = tpu.vector_load %arg9[%get3A_2207, %get3A_2208] {strides = array<i32>} : memref<32x128xf32, #tpu.memory_space<vmem>>, vector<1x16xf32>,
    %get3A_2210 = vector.shape_cast %get3A_2209 : vector<1x16xf32> to vector<16xf32>
    %mul3A_2211 = vector.broadcast %squeeze3A_2191 : f32 to vector<16xf32>
    %mul3A_2212 = arith.mulf %get3A_2210, %mul3A_2211 : vector<16xf32>
    %add3A_2213 = arith.addf %mul3A_2205, %mul3A_2212 : vector<16xf32>
    %mul3A_2214 = arith.mulf %get3A_2196, %add3A_2213 : vector<16xf32>
    %add3A_2215 = arith.addf %add3A_2189, %mul3A_2214 : vector<16xf32>
    %get3A_2216 = arith.constant 22 : i32
    %get3A_2217 = arith.index_cast %get3A_2216 : i32 to index
    %get3A_2218 = arith.constant 16 : index
    %get3A_2219 = tpu.vector_load %arg8[%get3A_2217, %get3A_2218] {strides = array<i32>} : memref<32x64xf32, #tpu.memory_space<vmem>>, vector<1x16xf32>,
    %get3A_2220 = vector.shape_cast %get3A_2219 : vector<1x16xf32> to vector<16xf32>
    %get3A_2221 = arith.constant 22 : i32
    %get3A_2222 = arith.index_cast %get3A_2221 : i32 to index
    %get3A_2223 = arith.constant 16 : index
    %get3A_2224 = tpu.vector_load %arg9[%get3A_2222, %get3A_2223] {strides = array<i32>} : memref<32x128xf32, #tpu.memory_space<vmem>>, vector<1x16xf32>,
    %get3A_2225 = vector.shape_cast %get3A_2224 : vector<1x16xf32> to vector<16xf32>
    %sub3A_2226 = arith.constant 1.000000e+00 : f32
    %sub3A_2227 = arith.subf %sub3A_2226, %squeeze3A_2191 : f32
    %mul3A_2228 = vector.broadcast %sub3A_2227 : f32 to vector<16xf32>
    %mul3A_2229 = arith.mulf %get3A_2225, %mul3A_2228 : vector<16xf32>
    %get3A_2230 = arith.constant 22 : i32
    %get3A_2231 = arith.index_cast %get3A_2230 : i32 to index
    %get3A_2232 = arith.constant 80 : index
    %get3A_2233 = tpu.vector_load %arg9[%get3A_2231, %get3A_2232] {strides = array<i32>} : memref<32x128xf32, #tpu.memory_space<vmem>>, vector<1x16xf32>,
    %get3A_2234 = vector.shape_cast %get3A_2233 : vector<1x16xf32> to vector<16xf32>
    %mul3A_2235 = vector.broadcast %squeeze3A_2191 : f32 to vector<16xf32>
    %mul3A_2236 = arith.mulf %get3A_2234, %mul3A_2235 : vector<16xf32>
    %add3A_2237 = arith.addf %mul3A_2229, %mul3A_2236 : vector<16xf32>
    %mul3A_2238 = arith.mulf %get3A_2220, %add3A_2237 : vector<16xf32>
    %add3A_2239 = arith.addf %add3A_2215, %mul3A_2238 : vector<16xf32>
    %get3A_2240 = arith.constant 22 : i32
    %get3A_2241 = arith.index_cast %get3A_2240 : i32 to index
    %get3A_2242 = arith.constant 32 : index
    %get3A_2243 = tpu.vector_load %arg8[%get3A_2241, %get3A_2242] {strides = array<i32>} : memref<32x64xf32, #tpu.memory_space<vmem>>, vector<1x16xf32>,
    %get3A_2244 = vector.shape_cast %get3A_2243 : vector<1x16xf32> to vector<16xf32>
    %get3A_2245 = arith.constant 22 : i32
    %get3A_2246 = arith.index_cast %get3A_2245 : i32 to index
    %get3A_2247 = arith.constant 32 : index
    %get3A_2248 = tpu.vector_load %arg9[%get3A_2246, %get3A_2247] {strides = array<i32>} : memref<32x128xf32, #tpu.memory_space<vmem>>, vector<1x16xf32>,
    %get3A_2249 = vector.shape_cast %get3A_2248 : vector<1x16xf32> to vector<16xf32>
    %sub3A_2250 = arith.constant 1.000000e+00 : f32
    %sub3A_2251 = arith.subf %sub3A_2250, %squeeze3A_2191 : f32
    %mul3A_2252 = vector.broadcast %sub3A_2251 : f32 to vector<16xf32>
    %mul3A_2253 = arith.mulf %get3A_2249, %mul3A_2252 : vector<16xf32>
    %get3A_2254 = arith.constant 22 : i32
    %get3A_2255 = arith.index_cast %get3A_2254 : i32 to index
    %get3A_2256 = arith.constant 96 : index
    %get3A_2257 = tpu.vector_load %arg9[%get3A_2255, %get3A_2256] {strides = array<i32>} : memref<32x128xf32, #tpu.memory_space<vmem>>, vector<1x16xf32>,
    %get3A_2258 = vector.shape_cast %get3A_2257 : vector<1x16xf32> to vector<16xf32>
    %mul3A_2259 = vector.broadcast %squeeze3A_2191 : f32 to vector<16xf32>
    %mul3A_2260 = arith.mulf %get3A_2258, %mul3A_2259 : vector<16xf32>
    %add3A_2261 = arith.addf %mul3A_2253, %mul3A_2260 : vector<16xf32>
    %mul3A_2262 = arith.mulf %get3A_2244, %add3A_2261 : vector<16xf32>
    %add3A_2263 = arith.addf %add3A_2239, %mul3A_2262 : vector<16xf32>
    %get3A_2264 = arith.constant 22 : i32
    %get3A_2265 = arith.index_cast %get3A_2264 : i32 to index
    %get3A_2266 = arith.constant 48 : index
    %get3A_2267 = tpu.vector_load %arg8[%get3A_2265, %get3A_2266] {strides = array<i32>} : memref<32x64xf32, #tpu.memory_space<vmem>>, vector<1x16xf32>,
    %get3A_2268 = vector.shape_cast %get3A_2267 : vector<1x16xf32> to vector<16xf32>
    %get3A_2269 = arith.constant 22 : i32
    %get3A_2270 = arith.index_cast %get3A_2269 : i32 to index
    %get3A_2271 = arith.constant 48 : index
    %get3A_2272 = tpu.vector_load %arg9[%get3A_2270, %get3A_2271] {strides = array<i32>} : memref<32x128xf32, #tpu.memory_space<vmem>>, vector<1x16xf32>,
    %get3A_2273 = vector.shape_cast %get3A_2272 : vector<1x16xf32> to vector<16xf32>
    %sub3A_2274 = arith.constant 1.000000e+00 : f32
    %sub3A_2275 = arith.subf %sub3A_2274, %squeeze3A_2191 : f32
    %mul3A_2276 = vector.broadcast %sub3A_2275 : f32 to vector<16xf32>
    %mul3A_2277 = arith.mulf %get3A_2273, %mul3A_2276 : vector<16xf32>
    %get3A_2278 = arith.constant 22 : i32
    %get3A_2279 = arith.index_cast %get3A_2278 : i32 to index
    %get3A_2280 = arith.constant 112 : index
    %get3A_2281 = tpu.vector_load %arg9[%get3A_2279, %get3A_2280] {strides = array<i32>} : memref<32x128xf32, #tpu.memory_space<vmem>>, vector<1x16xf32>,
    %get3A_2282 = vector.shape_cast %get3A_2281 : vector<1x16xf32> to vector<16xf32>
    %mul3A_2283 = vector.broadcast %squeeze3A_2191 : f32 to vector<16xf32>
    %mul3A_2284 = arith.mulf %get3A_2282, %mul3A_2283 : vector<16xf32>
    %add3A_2285 = arith.addf %mul3A_2277, %mul3A_2284 : vector<16xf32>
    %mul3A_2286 = arith.mulf %get3A_2268, %add3A_2285 : vector<16xf32>
    %add3A_2287 = arith.addf %add3A_2263, %mul3A_2286 : vector<16xf32>
    %slice3A_2288 = vector.extract_strided_slice %convert_element_type3A_1601 {offsets = [7], sizes = [1], strides = [1]} : vector<16xf32> to vector<1xf32>
    %squeeze3A_2289 = vector.extract %slice3A_2288[0] : f32 from vector<1xf32>
    %get3A_2290 = arith.constant 23 : i32
    %get3A_2291 = arith.index_cast %get3A_2290 : i32 to index
    %get3A_2292 = arith.constant 0 : index
    %get3A_2293 = tpu.vector_load %arg8[%get3A_2291, %get3A_2292] {strides = array<i32>} : memref<32x64xf32, #tpu.memory_space<vmem>>, vector<1x16xf32>,
    %get3A_2294 = vector.shape_cast %get3A_2293 : vector<1x16xf32> to vector<16xf32>
    %get3A_2295 = arith.constant 23 : i32
    %get3A_2296 = arith.index_cast %get3A_2295 : i32 to index
    %get3A_2297 = arith.constant 0 : index
    %get3A_2298 = tpu.vector_load %arg9[%get3A_2296, %get3A_2297] {strides = array<i32>} : memref<32x128xf32, #tpu.memory_space<vmem>>, vector<1x16xf32>,
    %get3A_2299 = vector.shape_cast %get3A_2298 : vector<1x16xf32> to vector<16xf32>
    %sub3A_2300 = arith.constant 1.000000e+00 : f32
    %sub3A_2301 = arith.subf %sub3A_2300, %squeeze3A_2289 : f32
    %mul3A_2302 = vector.broadcast %sub3A_2301 : f32 to vector<16xf32>
    %mul3A_2303 = arith.mulf %get3A_2299, %mul3A_2302 : vector<16xf32>
    %get3A_2304 = arith.constant 23 : i32
    %get3A_2305 = arith.index_cast %get3A_2304 : i32 to index
    %get3A_2306 = arith.constant 64 : index
    %get3A_2307 = tpu.vector_load %arg9[%get3A_2305, %get3A_2306] {strides = array<i32>} : memref<32x128xf32, #tpu.memory_space<vmem>>, vector<1x16xf32>,
    %get3A_2308 = vector.shape_cast %get3A_2307 : vector<1x16xf32> to vector<16xf32>
    %mul3A_2309 = vector.broadcast %squeeze3A_2289 : f32 to vector<16xf32>
    %mul3A_2310 = arith.mulf %get3A_2308, %mul3A_2309 : vector<16xf32>
    %add3A_2311 = arith.addf %mul3A_2303, %mul3A_2310 : vector<16xf32>
    %mul3A_2312 = arith.mulf %get3A_2294, %add3A_2311 : vector<16xf32>
    %add3A_2313 = arith.addf %add3A_2287, %mul3A_2312 : vector<16xf32>
    %get3A_2314 = arith.constant 23 : i32
    %get3A_2315 = arith.index_cast %get3A_2314 : i32 to index
    %get3A_2316 = arith.constant 16 : index
    %get3A_2317 = tpu.vector_load %arg8[%get3A_2315, %get3A_2316] {strides = array<i32>} : memref<32x64xf32, #tpu.memory_space<vmem>>, vector<1x16xf32>,
    %get3A_2318 = vector.shape_cast %get3A_2317 : vector<1x16xf32> to vector<16xf32>
    %get3A_2319 = arith.constant 23 : i32
    %get3A_2320 = arith.index_cast %get3A_2319 : i32 to index
    %get3A_2321 = arith.constant 16 : index
    %get3A_2322 = tpu.vector_load %arg9[%get3A_2320, %get3A_2321] {strides = array<i32>} : memref<32x128xf32, #tpu.memory_space<vmem>>, vector<1x16xf32>,
    %get3A_2323 = vector.shape_cast %get3A_2322 : vector<1x16xf32> to vector<16xf32>
    %sub3A_2324 = arith.constant 1.000000e+00 : f32
    %sub3A_2325 = arith.subf %sub3A_2324, %squeeze3A_2289 : f32
    %mul3A_2326 = vector.broadcast %sub3A_2325 : f32 to vector<16xf32>
    %mul3A_2327 = arith.mulf %get3A_2323, %mul3A_2326 : vector<16xf32>
    %get3A_2328 = arith.constant 23 : i32
    %get3A_2329 = arith.index_cast %get3A_2328 : i32 to index
    %get3A_2330 = arith.constant 80 : index
    %get3A_2331 = tpu.vector_load %arg9[%get3A_2329, %get3A_2330] {strides = array<i32>} : memref<32x128xf32, #tpu.memory_space<vmem>>, vector<1x16xf32>,
    %get3A_2332 = vector.shape_cast %get3A_2331 : vector<1x16xf32> to vector<16xf32>
    %mul3A_2333 = vector.broadcast %squeeze3A_2289 : f32 to vector<16xf32>
    %mul3A_2334 = arith.mulf %get3A_2332, %mul3A_2333 : vector<16xf32>
    %add3A_2335 = arith.addf %mul3A_2327, %mul3A_2334 : vector<16xf32>
    %mul3A_2336 = arith.mulf %get3A_2318, %add3A_2335 : vector<16xf32>
    %add3A_2337 = arith.addf %add3A_2313, %mul3A_2336 : vector<16xf32>
    %get3A_2338 = arith.constant 23 : i32
    %get3A_2339 = arith.index_cast %get3A_2338 : i32 to index
    %get3A_2340 = arith.constant 32 : index
    %get3A_2341 = tpu.vector_load %arg8[%get3A_2339, %get3A_2340] {strides = array<i32>} : memref<32x64xf32, #tpu.memory_space<vmem>>, vector<1x16xf32>,
    %get3A_2342 = vector.shape_cast %get3A_2341 : vector<1x16xf32> to vector<16xf32>
    %get3A_2343 = arith.constant 23 : i32
    %get3A_2344 = arith.index_cast %get3A_2343 : i32 to index
    %get3A_2345 = arith.constant 32 : index
    %get3A_2346 = tpu.vector_load %arg9[%get3A_2344, %get3A_2345] {strides = array<i32>} : memref<32x128xf32, #tpu.memory_space<vmem>>, vector<1x16xf32>,
    %get3A_2347 = vector.shape_cast %get3A_2346 : vector<1x16xf32> to vector<16xf32>
    %sub3A_2348 = arith.constant 1.000000e+00 : f32
    %sub3A_2349 = arith.subf %sub3A_2348, %squeeze3A_2289 : f32
    %mul3A_2350 = vector.broadcast %sub3A_2349 : f32 to vector<16xf32>
    %mul3A_2351 = arith.mulf %get3A_2347, %mul3A_2350 : vector<16xf32>
    %get3A_2352 = arith.constant 23 : i32
    %get3A_2353 = arith.index_cast %get3A_2352 : i32 to index
    %get3A_2354 = arith.constant 96 : index
    %get3A_2355 = tpu.vector_load %arg9[%get3A_2353, %get3A_2354] {strides = array<i32>} : memref<32x128xf32, #tpu.memory_space<vmem>>, vector<1x16xf32>,
    %get3A_2356 = vector.shape_cast %get3A_2355 : vector<1x16xf32> to vector<16xf32>
    %mul3A_2357 = vector.broadcast %squeeze3A_2289 : f32 to vector<16xf32>
    %mul3A_2358 = arith.mulf %get3A_2356, %mul3A_2357 : vector<16xf32>
    %add3A_2359 = arith.addf %mul3A_2351, %mul3A_2358 : vector<16xf32>
    %mul3A_2360 = arith.mulf %get3A_2342, %add3A_2359 : vector<16xf32>
    %add3A_2361 = arith.addf %add3A_2337, %mul3A_2360 : vector<16xf32>
    %get3A_2362 = arith.constant 23 : i32
    %get3A_2363 = arith.index_cast %get3A_2362 : i32 to index
    %get3A_2364 = arith.constant 48 : index
    %get3A_2365 = tpu.vector_load %arg8[%get3A_2363, %get3A_2364] {strides = array<i32>} : memref<32x64xf32, #tpu.memory_space<vmem>>, vector<1x16xf32>,
    %get3A_2366 = vector.shape_cast %get3A_2365 : vector<1x16xf32> to vector<16xf32>
    %get3A_2367 = arith.constant 23 : i32
    %get3A_2368 = arith.index_cast %get3A_2367 : i32 to index
    %get3A_2369 = arith.constant 48 : index
    %get3A_2370 = tpu.vector_load %arg9[%get3A_2368, %get3A_2369] {strides = array<i32>} : memref<32x128xf32, #tpu.memory_space<vmem>>, vector<1x16xf32>,
    %get3A_2371 = vector.shape_cast %get3A_2370 : vector<1x16xf32> to vector<16xf32>
    %sub3A_2372 = arith.constant 1.000000e+00 : f32
    %sub3A_2373 = arith.subf %sub3A_2372, %squeeze3A_2289 : f32
    %mul3A_2374 = vector.broadcast %sub3A_2373 : f32 to vector<16xf32>
    %mul3A_2375 = arith.mulf %get3A_2371, %mul3A_2374 : vector<16xf32>
    %get3A_2376 = arith.constant 23 : i32
    %get3A_2377 = arith.index_cast %get3A_2376 : i32 to index
    %get3A_2378 = arith.constant 112 : index
    %get3A_2379 = tpu.vector_load %arg9[%get3A_2377, %get3A_2378] {strides = array<i32>} : memref<32x128xf32, #tpu.memory_space<vmem>>, vector<1x16xf32>,
    %get3A_2380 = vector.shape_cast %get3A_2379 : vector<1x16xf32> to vector<16xf32>
    %mul3A_2381 = vector.broadcast %squeeze3A_2289 : f32 to vector<16xf32>
    %mul3A_2382 = arith.mulf %get3A_2380, %mul3A_2381 : vector<16xf32>
    %add3A_2383 = arith.addf %mul3A_2375, %mul3A_2382 : vector<16xf32>
    %mul3A_2384 = arith.mulf %get3A_2366, %add3A_2383 : vector<16xf32>
    %add3A_2385 = arith.addf %add3A_2361, %mul3A_2384 : vector<16xf32>
    %slice3A_2386 = vector.extract_strided_slice %convert_element_type3A_1601 {offsets = [8], sizes = [1], strides = [1]} : vector<16xf32> to vector<1xf32>
    %squeeze3A_2387 = vector.extract %slice3A_2386[0] : f32 from vector<1xf32>
    %get3A_2388 = arith.constant 24 : i32
    %get3A_2389 = arith.index_cast %get3A_2388 : i32 to index
    %get3A_2390 = arith.constant 0 : index
    %get3A_2391 = tpu.vector_load %arg8[%get3A_2389, %get3A_2390] {strides = array<i32>} : memref<32x64xf32, #tpu.memory_space<vmem>>, vector<1x16xf32>,
    %get3A_2392 = vector.shape_cast %get3A_2391 : vector<1x16xf32> to vector<16xf32>
    %get3A_2393 = arith.constant 24 : i32
    %get3A_2394 = arith.index_cast %get3A_2393 : i32 to index
    %get3A_2395 = arith.constant 0 : index
    %get3A_2396 = tpu.vector_load %arg9[%get3A_2394, %get3A_2395] {strides = array<i32>} : memref<32x128xf32, #tpu.memory_space<vmem>>, vector<1x16xf32>,
    %get3A_2397 = vector.shape_cast %get3A_2396 : vector<1x16xf32> to vector<16xf32>
    %sub3A_2398 = arith.constant 1.000000e+00 : f32
    %sub3A_2399 = arith.subf %sub3A_2398, %squeeze3A_2387 : f32
    %mul3A_2400 = vector.broadcast %sub3A_2399 : f32 to vector<16xf32>
    %mul3A_2401 = arith.mulf %get3A_2397, %mul3A_2400 : vector<16xf32>
    %get3A_2402 = arith.constant 24 : i32
    %get3A_2403 = arith.index_cast %get3A_2402 : i32 to index
    %get3A_2404 = arith.constant 64 : index
    %get3A_2405 = tpu.vector_load %arg9[%get3A_2403, %get3A_2404] {strides = array<i32>} : memref<32x128xf32, #tpu.memory_space<vmem>>, vector<1x16xf32>,
    %get3A_2406 = vector.shape_cast %get3A_2405 : vector<1x16xf32> to vector<16xf32>
    %mul3A_2407 = vector.broadcast %squeeze3A_2387 : f32 to vector<16xf32>
    %mul3A_2408 = arith.mulf %get3A_2406, %mul3A_2407 : vector<16xf32>
    %add3A_2409 = arith.addf %mul3A_2401, %mul3A_2408 : vector<16xf32>
    %mul3A_2410 = arith.mulf %get3A_2392, %add3A_2409 : vector<16xf32>
    %add3A_2411 = arith.addf %add3A_2385, %mul3A_2410 : vector<16xf32>
    %get3A_2412 = arith.constant 24 : i32
    %get3A_2413 = arith.index_cast %get3A_2412 : i32 to index
    %get3A_2414 = arith.constant 16 : index
    %get3A_2415 = tpu.vector_load %arg8[%get3A_2413, %get3A_2414] {strides = array<i32>} : memref<32x64xf32, #tpu.memory_space<vmem>>, vector<1x16xf32>,
    %get3A_2416 = vector.shape_cast %get3A_2415 : vector<1x16xf32> to vector<16xf32>
    %get3A_2417 = arith.constant 24 : i32
    %get3A_2418 = arith.index_cast %get3A_2417 : i32 to index
    %get3A_2419 = arith.constant 16 : index
    %get3A_2420 = tpu.vector_load %arg9[%get3A_2418, %get3A_2419] {strides = array<i32>} : memref<32x128xf32, #tpu.memory_space<vmem>>, vector<1x16xf32>,
    %get3A_2421 = vector.shape_cast %get3A_2420 : vector<1x16xf32> to vector<16xf32>
    %sub3A_2422 = arith.constant 1.000000e+00 : f32
    %sub3A_2423 = arith.subf %sub3A_2422, %squeeze3A_2387 : f32
    %mul3A_2424 = vector.broadcast %sub3A_2423 : f32 to vector<16xf32>
    %mul3A_2425 = arith.mulf %get3A_2421, %mul3A_2424 : vector<16xf32>
    %get3A_2426 = arith.constant 24 : i32
    %get3A_2427 = arith.index_cast %get3A_2426 : i32 to index
    %get3A_2428 = arith.constant 80 : index
    %get3A_2429 = tpu.vector_load %arg9[%get3A_2427, %get3A_2428] {strides = array<i32>} : memref<32x128xf32, #tpu.memory_space<vmem>>, vector<1x16xf32>,
    %get3A_2430 = vector.shape_cast %get3A_2429 : vector<1x16xf32> to vector<16xf32>
    %mul3A_2431 = vector.broadcast %squeeze3A_2387 : f32 to vector<16xf32>
    %mul3A_2432 = arith.mulf %get3A_2430, %mul3A_2431 : vector<16xf32>
    %add3A_2433 = arith.addf %mul3A_2425, %mul3A_2432 : vector<16xf32>
    %mul3A_2434 = arith.mulf %get3A_2416, %add3A_2433 : vector<16xf32>
    %add3A_2435 = arith.addf %add3A_2411, %mul3A_2434 : vector<16xf32>
    %get3A_2436 = arith.constant 24 : i32
    %get3A_2437 = arith.index_cast %get3A_2436 : i32 to index
    %get3A_2438 = arith.constant 32 : index
    %get3A_2439 = tpu.vector_load %arg8[%get3A_2437, %get3A_2438] {strides = array<i32>} : memref<32x64xf32, #tpu.memory_space<vmem>>, vector<1x16xf32>,
    %get3A_2440 = vector.shape_cast %get3A_2439 : vector<1x16xf32> to vector<16xf32>
    %get3A_2441 = arith.constant 24 : i32
    %get3A_2442 = arith.index_cast %get3A_2441 : i32 to index
    %get3A_2443 = arith.constant 32 : index
    %get3A_2444 = tpu.vector_load %arg9[%get3A_2442, %get3A_2443] {strides = array<i32>} : memref<32x128xf32, #tpu.memory_space<vmem>>, vector<1x16xf32>,
    %get3A_2445 = vector.shape_cast %get3A_2444 : vector<1x16xf32> to vector<16xf32>
    %sub3A_2446 = arith.constant 1.000000e+00 : f32
    %sub3A_2447 = arith.subf %sub3A_2446, %squeeze3A_2387 : f32
    %mul3A_2448 = vector.broadcast %sub3A_2447 : f32 to vector<16xf32>
    %mul3A_2449 = arith.mulf %get3A_2445, %mul3A_2448 : vector<16xf32>
    %get3A_2450 = arith.constant 24 : i32
    %get3A_2451 = arith.index_cast %get3A_2450 : i32 to index
    %get3A_2452 = arith.constant 96 : index
    %get3A_2453 = tpu.vector_load %arg9[%get3A_2451, %get3A_2452] {strides = array<i32>} : memref<32x128xf32, #tpu.memory_space<vmem>>, vector<1x16xf32>,
    %get3A_2454 = vector.shape_cast %get3A_2453 : vector<1x16xf32> to vector<16xf32>
    %mul3A_2455 = vector.broadcast %squeeze3A_2387 : f32 to vector<16xf32>
    %mul3A_2456 = arith.mulf %get3A_2454, %mul3A_2455 : vector<16xf32>
    %add3A_2457 = arith.addf %mul3A_2449, %mul3A_2456 : vector<16xf32>
    %mul3A_2458 = arith.mulf %get3A_2440, %add3A_2457 : vector<16xf32>
    %add3A_2459 = arith.addf %add3A_2435, %mul3A_2458 : vector<16xf32>
    %get3A_2460 = arith.constant 24 : i32
    %get3A_2461 = arith.index_cast %get3A_2460 : i32 to index
    %get3A_2462 = arith.constant 48 : index
    %get3A_2463 = tpu.vector_load %arg8[%get3A_2461, %get3A_2462] {strides = array<i32>} : memref<32x64xf32, #tpu.memory_space<vmem>>, vector<1x16xf32>,
    %get3A_2464 = vector.shape_cast %get3A_2463 : vector<1x16xf32> to vector<16xf32>
    %get3A_2465 = arith.constant 24 : i32
    %get3A_2466 = arith.index_cast %get3A_2465 : i32 to index
    %get3A_2467 = arith.constant 48 : index
    %get3A_2468 = tpu.vector_load %arg9[%get3A_2466, %get3A_2467] {strides = array<i32>} : memref<32x128xf32, #tpu.memory_space<vmem>>, vector<1x16xf32>,
    %get3A_2469 = vector.shape_cast %get3A_2468 : vector<1x16xf32> to vector<16xf32>
    %sub3A_2470 = arith.constant 1.000000e+00 : f32
    %sub3A_2471 = arith.subf %sub3A_2470, %squeeze3A_2387 : f32
    %mul3A_2472 = vector.broadcast %sub3A_2471 : f32 to vector<16xf32>
    %mul3A_2473 = arith.mulf %get3A_2469, %mul3A_2472 : vector<16xf32>
    %get3A_2474 = arith.constant 24 : i32
    %get3A_2475 = arith.index_cast %get3A_2474 : i32 to index
    %get3A_2476 = arith.constant 112 : index
    %get3A_2477 = tpu.vector_load %arg9[%get3A_2475, %get3A_2476] {strides = array<i32>} : memref<32x128xf32, #tpu.memory_space<vmem>>, vector<1x16xf32>,
    %get3A_2478 = vector.shape_cast %get3A_2477 : vector<1x16xf32> to vector<16xf32>
    %mul3A_2479 = vector.broadcast %squeeze3A_2387 : f32 to vector<16xf32>
    %mul3A_2480 = arith.mulf %get3A_2478, %mul3A_2479 : vector<16xf32>
    %add3A_2481 = arith.addf %mul3A_2473, %mul3A_2480 : vector<16xf32>
    %mul3A_2482 = arith.mulf %get3A_2464, %add3A_2481 : vector<16xf32>
    %add3A_2483 = arith.addf %add3A_2459, %mul3A_2482 : vector<16xf32>
    %slice3A_2484 = vector.extract_strided_slice %convert_element_type3A_1601 {offsets = [9], sizes = [1], strides = [1]} : vector<16xf32> to vector<1xf32>
    %squeeze3A_2485 = vector.extract %slice3A_2484[0] : f32 from vector<1xf32>
    %get3A_2486 = arith.constant 25 : i32
    %get3A_2487 = arith.index_cast %get3A_2486 : i32 to index
    %get3A_2488 = arith.constant 0 : index
    %get3A_2489 = tpu.vector_load %arg8[%get3A_2487, %get3A_2488] {strides = array<i32>} : memref<32x64xf32, #tpu.memory_space<vmem>>, vector<1x16xf32>,
    %get3A_2490 = vector.shape_cast %get3A_2489 : vector<1x16xf32> to vector<16xf32>
    %get3A_2491 = arith.constant 25 : i32
    %get3A_2492 = arith.index_cast %get3A_2491 : i32 to index
    %get3A_2493 = arith.constant 0 : index
    %get3A_2494 = tpu.vector_load %arg9[%get3A_2492, %get3A_2493] {strides = array<i32>} : memref<32x128xf32, #tpu.memory_space<vmem>>, vector<1x16xf32>,
    %get3A_2495 = vector.shape_cast %get3A_2494 : vector<1x16xf32> to vector<16xf32>
    %sub3A_2496 = arith.constant 1.000000e+00 : f32
    %sub3A_2497 = arith.subf %sub3A_2496, %squeeze3A_2485 : f32
    %mul3A_2498 = vector.broadcast %sub3A_2497 : f32 to vector<16xf32>
    %mul3A_2499 = arith.mulf %get3A_2495, %mul3A_2498 : vector<16xf32>
    %get3A_2500 = arith.constant 25 : i32
    %get3A_2501 = arith.index_cast %get3A_2500 : i32 to index
    %get3A_2502 = arith.constant 64 : index
    %get3A_2503 = tpu.vector_load %arg9[%get3A_2501, %get3A_2502] {strides = array<i32>} : memref<32x128xf32, #tpu.memory_space<vmem>>, vector<1x16xf32>,
    %get3A_2504 = vector.shape_cast %get3A_2503 : vector<1x16xf32> to vector<16xf32>
    %mul3A_2505 = vector.broadcast %squeeze3A_2485 : f32 to vector<16xf32>
    %mul3A_2506 = arith.mulf %get3A_2504, %mul3A_2505 : vector<16xf32>
    %add3A_2507 = arith.addf %mul3A_2499, %mul3A_2506 : vector<16xf32>
    %mul3A_2508 = arith.mulf %get3A_2490, %add3A_2507 : vector<16xf32>
    %add3A_2509 = arith.addf %add3A_2483, %mul3A_2508 : vector<16xf32>
    %get3A_2510 = arith.constant 25 : i32
    %get3A_2511 = arith.index_cast %get3A_2510 : i32 to index
    %get3A_2512 = arith.constant 16 : index
    %get3A_2513 = tpu.vector_load %arg8[%get3A_2511, %get3A_2512] {strides = array<i32>} : memref<32x64xf32, #tpu.memory_space<vmem>>, vector<1x16xf32>,
    %get3A_2514 = vector.shape_cast %get3A_2513 : vector<1x16xf32> to vector<16xf32>
    %get3A_2515 = arith.constant 25 : i32
    %get3A_2516 = arith.index_cast %get3A_2515 : i32 to index
    %get3A_2517 = arith.constant 16 : index
    %get3A_2518 = tpu.vector_load %arg9[%get3A_2516, %get3A_2517] {strides = array<i32>} : memref<32x128xf32, #tpu.memory_space<vmem>>, vector<1x16xf32>,
    %get3A_2519 = vector.shape_cast %get3A_2518 : vector<1x16xf32> to vector<16xf32>
    %sub3A_2520 = arith.constant 1.000000e+00 : f32
    %sub3A_2521 = arith.subf %sub3A_2520, %squeeze3A_2485 : f32
    %mul3A_2522 = vector.broadcast %sub3A_2521 : f32 to vector<16xf32>
    %mul3A_2523 = arith.mulf %get3A_2519, %mul3A_2522 : vector<16xf32>
    %get3A_2524 = arith.constant 25 : i32
    %get3A_2525 = arith.index_cast %get3A_2524 : i32 to index
    %get3A_2526 = arith.constant 80 : index
    %get3A_2527 = tpu.vector_load %arg9[%get3A_2525, %get3A_2526] {strides = array<i32>} : memref<32x128xf32, #tpu.memory_space<vmem>>, vector<1x16xf32>,
    %get3A_2528 = vector.shape_cast %get3A_2527 : vector<1x16xf32> to vector<16xf32>
    %mul3A_2529 = vector.broadcast %squeeze3A_2485 : f32 to vector<16xf32>
    %mul3A_2530 = arith.mulf %get3A_2528, %mul3A_2529 : vector<16xf32>
    %add3A_2531 = arith.addf %mul3A_2523, %mul3A_2530 : vector<16xf32>
    %mul3A_2532 = arith.mulf %get3A_2514, %add3A_2531 : vector<16xf32>
    %add3A_2533 = arith.addf %add3A_2509, %mul3A_2532 : vector<16xf32>
    %get3A_2534 = arith.constant 25 : i32
    %get3A_2535 = arith.index_cast %get3A_2534 : i32 to index
    %get3A_2536 = arith.constant 32 : index
    %get3A_2537 = tpu.vector_load %arg8[%get3A_2535, %get3A_2536] {strides = array<i32>} : memref<32x64xf32, #tpu.memory_space<vmem>>, vector<1x16xf32>,
    %get3A_2538 = vector.shape_cast %get3A_2537 : vector<1x16xf32> to vector<16xf32>
    %get3A_2539 = arith.constant 25 : i32
    %get3A_2540 = arith.index_cast %get3A_2539 : i32 to index
    %get3A_2541 = arith.constant 32 : index
    %get3A_2542 = tpu.vector_load %arg9[%get3A_2540, %get3A_2541] {strides = array<i32>} : memref<32x128xf32, #tpu.memory_space<vmem>>, vector<1x16xf32>,
    %get3A_2543 = vector.shape_cast %get3A_2542 : vector<1x16xf32> to vector<16xf32>
    %sub3A_2544 = arith.constant 1.000000e+00 : f32
    %sub3A_2545 = arith.subf %sub3A_2544, %squeeze3A_2485 : f32
    %mul3A_2546 = vector.broadcast %sub3A_2545 : f32 to vector<16xf32>
    %mul3A_2547 = arith.mulf %get3A_2543, %mul3A_2546 : vector<16xf32>
    %get3A_2548 = arith.constant 25 : i32
    %get3A_2549 = arith.index_cast %get3A_2548 : i32 to index
    %get3A_2550 = arith.constant 96 : index
    %get3A_2551 = tpu.vector_load %arg9[%get3A_2549, %get3A_2550] {strides = array<i32>} : memref<32x128xf32, #tpu.memory_space<vmem>>, vector<1x16xf32>,
    %get3A_2552 = vector.shape_cast %get3A_2551 : vector<1x16xf32> to vector<16xf32>
    %mul3A_2553 = vector.broadcast %squeeze3A_2485 : f32 to vector<16xf32>
    %mul3A_2554 = arith.mulf %get3A_2552, %mul3A_2553 : vector<16xf32>
    %add3A_2555 = arith.addf %mul3A_2547, %mul3A_2554 : vector<16xf32>
    %mul3A_2556 = arith.mulf %get3A_2538, %add3A_2555 : vector<16xf32>
    %add3A_2557 = arith.addf %add3A_2533, %mul3A_2556 : vector<16xf32>
    %get3A_2558 = arith.constant 25 : i32
    %get3A_2559 = arith.index_cast %get3A_2558 : i32 to index
    %get3A_2560 = arith.constant 48 : index
    %get3A_2561 = tpu.vector_load %arg8[%get3A_2559, %get3A_2560] {strides = array<i32>} : memref<32x64xf32, #tpu.memory_space<vmem>>, vector<1x16xf32>,
    %get3A_2562 = vector.shape_cast %get3A_2561 : vector<1x16xf32> to vector<16xf32>
    %get3A_2563 = arith.constant 25 : i32
    %get3A_2564 = arith.index_cast %get3A_2563 : i32 to index
    %get3A_2565 = arith.constant 48 : index
    %get3A_2566 = tpu.vector_load %arg9[%get3A_2564, %get3A_2565] {strides = array<i32>} : memref<32x128xf32, #tpu.memory_space<vmem>>, vector<1x16xf32>,
    %get3A_2567 = vector.shape_cast %get3A_2566 : vector<1x16xf32> to vector<16xf32>
    %sub3A_2568 = arith.constant 1.000000e+00 : f32
    %sub3A_2569 = arith.subf %sub3A_2568, %squeeze3A_2485 : f32
    %mul3A_2570 = vector.broadcast %sub3A_2569 : f32 to vector<16xf32>
    %mul3A_2571 = arith.mulf %get3A_2567, %mul3A_2570 : vector<16xf32>
    %get3A_2572 = arith.constant 25 : i32
    %get3A_2573 = arith.index_cast %get3A_2572 : i32 to index
    %get3A_2574 = arith.constant 112 : index
    %get3A_2575 = tpu.vector_load %arg9[%get3A_2573, %get3A_2574] {strides = array<i32>} : memref<32x128xf32, #tpu.memory_space<vmem>>, vector<1x16xf32>,
    %get3A_2576 = vector.shape_cast %get3A_2575 : vector<1x16xf32> to vector<16xf32>
    %mul3A_2577 = vector.broadcast %squeeze3A_2485 : f32 to vector<16xf32>
    %mul3A_2578 = arith.mulf %get3A_2576, %mul3A_2577 : vector<16xf32>
    %add3A_2579 = arith.addf %mul3A_2571, %mul3A_2578 : vector<16xf32>
    %mul3A_2580 = arith.mulf %get3A_2562, %add3A_2579 : vector<16xf32>
    %add3A_2581 = arith.addf %add3A_2557, %mul3A_2580 : vector<16xf32>
    %slice3A_2582 = vector.extract_strided_slice %convert_element_type3A_1601 {offsets = [10], sizes = [1], strides = [1]} : vector<16xf32> to vector<1xf32>
    %squeeze3A_2583 = vector.extract %slice3A_2582[0] : f32 from vector<1xf32>
    %get3A_2584 = arith.constant 26 : i32
    %get3A_2585 = arith.index_cast %get3A_2584 : i32 to index
    %get3A_2586 = arith.constant 0 : index
    %get3A_2587 = tpu.vector_load %arg8[%get3A_2585, %get3A_2586] {strides = array<i32>} : memref<32x64xf32, #tpu.memory_space<vmem>>, vector<1x16xf32>,
    %get3A_2588 = vector.shape_cast %get3A_2587 : vector<1x16xf32> to vector<16xf32>
    %get3A_2589 = arith.constant 26 : i32
    %get3A_2590 = arith.index_cast %get3A_2589 : i32 to index
    %get3A_2591 = arith.constant 0 : index
    %get3A_2592 = tpu.vector_load %arg9[%get3A_2590, %get3A_2591] {strides = array<i32>} : memref<32x128xf32, #tpu.memory_space<vmem>>, vector<1x16xf32>,
    %get3A_2593 = vector.shape_cast %get3A_2592 : vector<1x16xf32> to vector<16xf32>
    %sub3A_2594 = arith.constant 1.000000e+00 : f32
    %sub3A_2595 = arith.subf %sub3A_2594, %squeeze3A_2583 : f32
    %mul3A_2596 = vector.broadcast %sub3A_2595 : f32 to vector<16xf32>
    %mul3A_2597 = arith.mulf %get3A_2593, %mul3A_2596 : vector<16xf32>
    %get3A_2598 = arith.constant 26 : i32
    %get3A_2599 = arith.index_cast %get3A_2598 : i32 to index
    %get3A_2600 = arith.constant 64 : index
    %get3A_2601 = tpu.vector_load %arg9[%get3A_2599, %get3A_2600] {strides = array<i32>} : memref<32x128xf32, #tpu.memory_space<vmem>>, vector<1x16xf32>,
    %get3A_2602 = vector.shape_cast %get3A_2601 : vector<1x16xf32> to vector<16xf32>
    %mul3A_2603 = vector.broadcast %squeeze3A_2583 : f32 to vector<16xf32>
    %mul3A_2604 = arith.mulf %get3A_2602, %mul3A_2603 : vector<16xf32>
    %add3A_2605 = arith.addf %mul3A_2597, %mul3A_2604 : vector<16xf32>
    %mul3A_2606 = arith.mulf %get3A_2588, %add3A_2605 : vector<16xf32>
    %add3A_2607 = arith.addf %add3A_2581, %mul3A_2606 : vector<16xf32>
    %get3A_2608 = arith.constant 26 : i32
    %get3A_2609 = arith.index_cast %get3A_2608 : i32 to index
    %get3A_2610 = arith.constant 16 : index
    %get3A_2611 = tpu.vector_load %arg8[%get3A_2609, %get3A_2610] {strides = array<i32>} : memref<32x64xf32, #tpu.memory_space<vmem>>, vector<1x16xf32>,
    %get3A_2612 = vector.shape_cast %get3A_2611 : vector<1x16xf32> to vector<16xf32>
    %get3A_2613 = arith.constant 26 : i32
    %get3A_2614 = arith.index_cast %get3A_2613 : i32 to index
    %get3A_2615 = arith.constant 16 : index
    %get3A_2616 = tpu.vector_load %arg9[%get3A_2614, %get3A_2615] {strides = array<i32>} : memref<32x128xf32, #tpu.memory_space<vmem>>, vector<1x16xf32>,
    %get3A_2617 = vector.shape_cast %get3A_2616 : vector<1x16xf32> to vector<16xf32>
    %sub3A_2618 = arith.constant 1.000000e+00 : f32
    %sub3A_2619 = arith.subf %sub3A_2618, %squeeze3A_2583 : f32
    %mul3A_2620 = vector.broadcast %sub3A_2619 : f32 to vector<16xf32>
    %mul3A_2621 = arith.mulf %get3A_2617, %mul3A_2620 : vector<16xf32>
    %get3A_2622 = arith.constant 26 : i32
    %get3A_2623 = arith.index_cast %get3A_2622 : i32 to index
    %get3A_2624 = arith.constant 80 : index
    %get3A_2625 = tpu.vector_load %arg9[%get3A_2623, %get3A_2624] {strides = array<i32>} : memref<32x128xf32, #tpu.memory_space<vmem>>, vector<1x16xf32>,
    %get3A_2626 = vector.shape_cast %get3A_2625 : vector<1x16xf32> to vector<16xf32>
    %mul3A_2627 = vector.broadcast %squeeze3A_2583 : f32 to vector<16xf32>
    %mul3A_2628 = arith.mulf %get3A_2626, %mul3A_2627 : vector<16xf32>
    %add3A_2629 = arith.addf %mul3A_2621, %mul3A_2628 : vector<16xf32>
    %mul3A_2630 = arith.mulf %get3A_2612, %add3A_2629 : vector<16xf32>
    %add3A_2631 = arith.addf %add3A_2607, %mul3A_2630 : vector<16xf32>
    %get3A_2632 = arith.constant 26 : i32
    %get3A_2633 = arith.index_cast %get3A_2632 : i32 to index
    %get3A_2634 = arith.constant 32 : index
    %get3A_2635 = tpu.vector_load %arg8[%get3A_2633, %get3A_2634] {strides = array<i32>} : memref<32x64xf32, #tpu.memory_space<vmem>>, vector<1x16xf32>,
    %get3A_2636 = vector.shape_cast %get3A_2635 : vector<1x16xf32> to vector<16xf32>
    %get3A_2637 = arith.constant 26 : i32
    %get3A_2638 = arith.index_cast %get3A_2637 : i32 to index
    %get3A_2639 = arith.constant 32 : index
    %get3A_2640 = tpu.vector_load %arg9[%get3A_2638, %get3A_2639] {strides = array<i32>} : memref<32x128xf32, #tpu.memory_space<vmem>>, vector<1x16xf32>,
    %get3A_2641 = vector.shape_cast %get3A_2640 : vector<1x16xf32> to vector<16xf32>
    %sub3A_2642 = arith.constant 1.000000e+00 : f32
    %sub3A_2643 = arith.subf %sub3A_2642, %squeeze3A_2583 : f32
    %mul3A_2644 = vector.broadcast %sub3A_2643 : f32 to vector<16xf32>
    %mul3A_2645 = arith.mulf %get3A_2641, %mul3A_2644 : vector<16xf32>
    %get3A_2646 = arith.constant 26 : i32
    %get3A_2647 = arith.index_cast %get3A_2646 : i32 to index
    %get3A_2648 = arith.constant 96 : index
    %get3A_2649 = tpu.vector_load %arg9[%get3A_2647, %get3A_2648] {strides = array<i32>} : memref<32x128xf32, #tpu.memory_space<vmem>>, vector<1x16xf32>,
    %get3A_2650 = vector.shape_cast %get3A_2649 : vector<1x16xf32> to vector<16xf32>
    %mul3A_2651 = vector.broadcast %squeeze3A_2583 : f32 to vector<16xf32>
    %mul3A_2652 = arith.mulf %get3A_2650, %mul3A_2651 : vector<16xf32>
    %add3A_2653 = arith.addf %mul3A_2645, %mul3A_2652 : vector<16xf32>
    %mul3A_2654 = arith.mulf %get3A_2636, %add3A_2653 : vector<16xf32>
    %add3A_2655 = arith.addf %add3A_2631, %mul3A_2654 : vector<16xf32>
    %get3A_2656 = arith.constant 26 : i32
    %get3A_2657 = arith.index_cast %get3A_2656 : i32 to index
    %get3A_2658 = arith.constant 48 : index
    %get3A_2659 = tpu.vector_load %arg8[%get3A_2657, %get3A_2658] {strides = array<i32>} : memref<32x64xf32, #tpu.memory_space<vmem>>, vector<1x16xf32>,
    %get3A_2660 = vector.shape_cast %get3A_2659 : vector<1x16xf32> to vector<16xf32>
    %get3A_2661 = arith.constant 26 : i32
    %get3A_2662 = arith.index_cast %get3A_2661 : i32 to index
    %get3A_2663 = arith.constant 48 : index
    %get3A_2664 = tpu.vector_load %arg9[%get3A_2662, %get3A_2663] {strides = array<i32>} : memref<32x128xf32, #tpu.memory_space<vmem>>, vector<1x16xf32>,
    %get3A_2665 = vector.shape_cast %get3A_2664 : vector<1x16xf32> to vector<16xf32>
    %sub3A_2666 = arith.constant 1.000000e+00 : f32
    %sub3A_2667 = arith.subf %sub3A_2666, %squeeze3A_2583 : f32
    %mul3A_2668 = vector.broadcast %sub3A_2667 : f32 to vector<16xf32>
    %mul3A_2669 = arith.mulf %get3A_2665, %mul3A_2668 : vector<16xf32>
    %get3A_2670 = arith.constant 26 : i32
    %get3A_2671 = arith.index_cast %get3A_2670 : i32 to index
    %get3A_2672 = arith.constant 112 : index
    %get3A_2673 = tpu.vector_load %arg9[%get3A_2671, %get3A_2672] {strides = array<i32>} : memref<32x128xf32, #tpu.memory_space<vmem>>, vector<1x16xf32>,
    %get3A_2674 = vector.shape_cast %get3A_2673 : vector<1x16xf32> to vector<16xf32>
    %mul3A_2675 = vector.broadcast %squeeze3A_2583 : f32 to vector<16xf32>
    %mul3A_2676 = arith.mulf %get3A_2674, %mul3A_2675 : vector<16xf32>
    %add3A_2677 = arith.addf %mul3A_2669, %mul3A_2676 : vector<16xf32>
    %mul3A_2678 = arith.mulf %get3A_2660, %add3A_2677 : vector<16xf32>
    %add3A_2679 = arith.addf %add3A_2655, %mul3A_2678 : vector<16xf32>
    %slice3A_2680 = vector.extract_strided_slice %convert_element_type3A_1601 {offsets = [11], sizes = [1], strides = [1]} : vector<16xf32> to vector<1xf32>
    %squeeze3A_2681 = vector.extract %slice3A_2680[0] : f32 from vector<1xf32>
    %get3A_2682 = arith.constant 27 : i32
    %get3A_2683 = arith.index_cast %get3A_2682 : i32 to index
    %get3A_2684 = arith.constant 0 : index
    %get3A_2685 = tpu.vector_load %arg8[%get3A_2683, %get3A_2684] {strides = array<i32>} : memref<32x64xf32, #tpu.memory_space<vmem>>, vector<1x16xf32>,
    %get3A_2686 = vector.shape_cast %get3A_2685 : vector<1x16xf32> to vector<16xf32>
    %get3A_2687 = arith.constant 27 : i32
    %get3A_2688 = arith.index_cast %get3A_2687 : i32 to index
    %get3A_2689 = arith.constant 0 : index
    %get3A_2690 = tpu.vector_load %arg9[%get3A_2688, %get3A_2689] {strides = array<i32>} : memref<32x128xf32, #tpu.memory_space<vmem>>, vector<1x16xf32>,
    %get3A_2691 = vector.shape_cast %get3A_2690 : vector<1x16xf32> to vector<16xf32>
    %sub3A_2692 = arith.constant 1.000000e+00 : f32
    %sub3A_2693 = arith.subf %sub3A_2692, %squeeze3A_2681 : f32
    %mul3A_2694 = vector.broadcast %sub3A_2693 : f32 to vector<16xf32>
    %mul3A_2695 = arith.mulf %get3A_2691, %mul3A_2694 : vector<16xf32>
    %get3A_2696 = arith.constant 27 : i32
    %get3A_2697 = arith.index_cast %get3A_2696 : i32 to index
    %get3A_2698 = arith.constant 64 : index
    %get3A_2699 = tpu.vector_load %arg9[%get3A_2697, %get3A_2698] {strides = array<i32>} : memref<32x128xf32, #tpu.memory_space<vmem>>, vector<1x16xf32>,
    %get3A_2700 = vector.shape_cast %get3A_2699 : vector<1x16xf32> to vector<16xf32>
    %mul3A_2701 = vector.broadcast %squeeze3A_2681 : f32 to vector<16xf32>
    %mul3A_2702 = arith.mulf %get3A_2700, %mul3A_2701 : vector<16xf32>
    %add3A_2703 = arith.addf %mul3A_2695, %mul3A_2702 : vector<16xf32>
    %mul3A_2704 = arith.mulf %get3A_2686, %add3A_2703 : vector<16xf32>
    %add3A_2705 = arith.addf %add3A_2679, %mul3A_2704 : vector<16xf32>
    %get3A_2706 = arith.constant 27 : i32
    %get3A_2707 = arith.index_cast %get3A_2706 : i32 to index
    %get3A_2708 = arith.constant 16 : index
    %get3A_2709 = tpu.vector_load %arg8[%get3A_2707, %get3A_2708] {strides = array<i32>} : memref<32x64xf32, #tpu.memory_space<vmem>>, vector<1x16xf32>,
    %get3A_2710 = vector.shape_cast %get3A_2709 : vector<1x16xf32> to vector<16xf32>
    %get3A_2711 = arith.constant 27 : i32
    %get3A_2712 = arith.index_cast %get3A_2711 : i32 to index
    %get3A_2713 = arith.constant 16 : index
    %get3A_2714 = tpu.vector_load %arg9[%get3A_2712, %get3A_2713] {strides = array<i32>} : memref<32x128xf32, #tpu.memory_space<vmem>>, vector<1x16xf32>,
    %get3A_2715 = vector.shape_cast %get3A_2714 : vector<1x16xf32> to vector<16xf32>
    %sub3A_2716 = arith.constant 1.000000e+00 : f32
    %sub3A_2717 = arith.subf %sub3A_2716, %squeeze3A_2681 : f32
    %mul3A_2718 = vector.broadcast %sub3A_2717 : f32 to vector<16xf32>
    %mul3A_2719 = arith.mulf %get3A_2715, %mul3A_2718 : vector<16xf32>
    %get3A_2720 = arith.constant 27 : i32
    %get3A_2721 = arith.index_cast %get3A_2720 : i32 to index
    %get3A_2722 = arith.constant 80 : index
    %get3A_2723 = tpu.vector_load %arg9[%get3A_2721, %get3A_2722] {strides = array<i32>} : memref<32x128xf32, #tpu.memory_space<vmem>>, vector<1x16xf32>,
    %get3A_2724 = vector.shape_cast %get3A_2723 : vector<1x16xf32> to vector<16xf32>
    %mul3A_2725 = vector.broadcast %squeeze3A_2681 : f32 to vector<16xf32>
    %mul3A_2726 = arith.mulf %get3A_2724, %mul3A_2725 : vector<16xf32>
    %add3A_2727 = arith.addf %mul3A_2719, %mul3A_2726 : vector<16xf32>
    %mul3A_2728 = arith.mulf %get3A_2710, %add3A_2727 : vector<16xf32>
    %add3A_2729 = arith.addf %add3A_2705, %mul3A_2728 : vector<16xf32>
    %get3A_2730 = arith.constant 27 : i32
    %get3A_2731 = arith.index_cast %get3A_2730 : i32 to index
    %get3A_2732 = arith.constant 32 : index
    %get3A_2733 = tpu.vector_load %arg8[%get3A_2731, %get3A_2732] {strides = array<i32>} : memref<32x64xf32, #tpu.memory_space<vmem>>, vector<1x16xf32>,
    %get3A_2734 = vector.shape_cast %get3A_2733 : vector<1x16xf32> to vector<16xf32>
    %get3A_2735 = arith.constant 27 : i32
    %get3A_2736 = arith.index_cast %get3A_2735 : i32 to index
    %get3A_2737 = arith.constant 32 : index
    %get3A_2738 = tpu.vector_load %arg9[%get3A_2736, %get3A_2737] {strides = array<i32>} : memref<32x128xf32, #tpu.memory_space<vmem>>, vector<1x16xf32>,
    %get3A_2739 = vector.shape_cast %get3A_2738 : vector<1x16xf32> to vector<16xf32>
    %sub3A_2740 = arith.constant 1.000000e+00 : f32
    %sub3A_2741 = arith.subf %sub3A_2740, %squeeze3A_2681 : f32
    %mul3A_2742 = vector.broadcast %sub3A_2741 : f32 to vector<16xf32>
    %mul3A_2743 = arith.mulf %get3A_2739, %mul3A_2742 : vector<16xf32>
    %get3A_2744 = arith.constant 27 : i32
    %get3A_2745 = arith.index_cast %get3A_2744 : i32 to index
    %get3A_2746 = arith.constant 96 : index
    %get3A_2747 = tpu.vector_load %arg9[%get3A_2745, %get3A_2746] {strides = array<i32>} : memref<32x128xf32, #tpu.memory_space<vmem>>, vector<1x16xf32>,
    %get3A_2748 = vector.shape_cast %get3A_2747 : vector<1x16xf32> to vector<16xf32>
    %mul3A_2749 = vector.broadcast %squeeze3A_2681 : f32 to vector<16xf32>
    %mul3A_2750 = arith.mulf %get3A_2748, %mul3A_2749 : vector<16xf32>
    %add3A_2751 = arith.addf %mul3A_2743, %mul3A_2750 : vector<16xf32>
    %mul3A_2752 = arith.mulf %get3A_2734, %add3A_2751 : vector<16xf32>
    %add3A_2753 = arith.addf %add3A_2729, %mul3A_2752 : vector<16xf32>
    %get3A_2754 = arith.constant 27 : i32
    %get3A_2755 = arith.index_cast %get3A_2754 : i32 to index
    %get3A_2756 = arith.constant 48 : index
    %get3A_2757 = tpu.vector_load %arg8[%get3A_2755, %get3A_2756] {strides = array<i32>} : memref<32x64xf32, #tpu.memory_space<vmem>>, vector<1x16xf32>,
    %get3A_2758 = vector.shape_cast %get3A_2757 : vector<1x16xf32> to vector<16xf32>
    %get3A_2759 = arith.constant 27 : i32
    %get3A_2760 = arith.index_cast %get3A_2759 : i32 to index
    %get3A_2761 = arith.constant 48 : index
    %get3A_2762 = tpu.vector_load %arg9[%get3A_2760, %get3A_2761] {strides = array<i32>} : memref<32x128xf32, #tpu.memory_space<vmem>>, vector<1x16xf32>,
    %get3A_2763 = vector.shape_cast %get3A_2762 : vector<1x16xf32> to vector<16xf32>
    %sub3A_2764 = arith.constant 1.000000e+00 : f32
    %sub3A_2765 = arith.subf %sub3A_2764, %squeeze3A_2681 : f32
    %mul3A_2766 = vector.broadcast %sub3A_2765 : f32 to vector<16xf32>
    %mul3A_2767 = arith.mulf %get3A_2763, %mul3A_2766 : vector<16xf32>
    %get3A_2768 = arith.constant 27 : i32
    %get3A_2769 = arith.index_cast %get3A_2768 : i32 to index
    %get3A_2770 = arith.constant 112 : index
    %get3A_2771 = tpu.vector_load %arg9[%get3A_2769, %get3A_2770] {strides = array<i32>} : memref<32x128xf32, #tpu.memory_space<vmem>>, vector<1x16xf32>,
    %get3A_2772 = vector.shape_cast %get3A_2771 : vector<1x16xf32> to vector<16xf32>
    %mul3A_2773 = vector.broadcast %squeeze3A_2681 : f32 to vector<16xf32>
    %mul3A_2774 = arith.mulf %get3A_2772, %mul3A_2773 : vector<16xf32>
    %add3A_2775 = arith.addf %mul3A_2767, %mul3A_2774 : vector<16xf32>
    %mul3A_2776 = arith.mulf %get3A_2758, %add3A_2775 : vector<16xf32>
    %add3A_2777 = arith.addf %add3A_2753, %mul3A_2776 : vector<16xf32>
    %slice3A_2778 = vector.extract_strided_slice %convert_element_type3A_1601 {offsets = [12], sizes = [1], strides = [1]} : vector<16xf32> to vector<1xf32>
    %squeeze3A_2779 = vector.extract %slice3A_2778[0] : f32 from vector<1xf32>
    %get3A_2780 = arith.constant 28 : i32
    %get3A_2781 = arith.index_cast %get3A_2780 : i32 to index
    %get3A_2782 = arith.constant 0 : index
    %get3A_2783 = tpu.vector_load %arg8[%get3A_2781, %get3A_2782] {strides = array<i32>} : memref<32x64xf32, #tpu.memory_space<vmem>>, vector<1x16xf32>,
    %get3A_2784 = vector.shape_cast %get3A_2783 : vector<1x16xf32> to vector<16xf32>
    %get3A_2785 = arith.constant 28 : i32
    %get3A_2786 = arith.index_cast %get3A_2785 : i32 to index
    %get3A_2787 = arith.constant 0 : index
    %get3A_2788 = tpu.vector_load %arg9[%get3A_2786, %get3A_2787] {strides = array<i32>} : memref<32x128xf32, #tpu.memory_space<vmem>>, vector<1x16xf32>,
    %get3A_2789 = vector.shape_cast %get3A_2788 : vector<1x16xf32> to vector<16xf32>
    %sub3A_2790 = arith.constant 1.000000e+00 : f32
    %sub3A_2791 = arith.subf %sub3A_2790, %squeeze3A_2779 : f32
    %mul3A_2792 = vector.broadcast %sub3A_2791 : f32 to vector<16xf32>
    %mul3A_2793 = arith.mulf %get3A_2789, %mul3A_2792 : vector<16xf32>
    %get3A_2794 = arith.constant 28 : i32
    %get3A_2795 = arith.index_cast %get3A_2794 : i32 to index
    %get3A_2796 = arith.constant 64 : index
    %get3A_2797 = tpu.vector_load %arg9[%get3A_2795, %get3A_2796] {strides = array<i32>} : memref<32x128xf32, #tpu.memory_space<vmem>>, vector<1x16xf32>,
    %get3A_2798 = vector.shape_cast %get3A_2797 : vector<1x16xf32> to vector<16xf32>
    %mul3A_2799 = vector.broadcast %squeeze3A_2779 : f32 to vector<16xf32>
    %mul3A_2800 = arith.mulf %get3A_2798, %mul3A_2799 : vector<16xf32>
    %add3A_2801 = arith.addf %mul3A_2793, %mul3A_2800 : vector<16xf32>
    %mul3A_2802 = arith.mulf %get3A_2784, %add3A_2801 : vector<16xf32>
    %add3A_2803 = arith.addf %add3A_2777, %mul3A_2802 : vector<16xf32>
    %get3A_2804 = arith.constant 28 : i32
    %get3A_2805 = arith.index_cast %get3A_2804 : i32 to index
    %get3A_2806 = arith.constant 16 : index
    %get3A_2807 = tpu.vector_load %arg8[%get3A_2805, %get3A_2806] {strides = array<i32>} : memref<32x64xf32, #tpu.memory_space<vmem>>, vector<1x16xf32>,
    %get3A_2808 = vector.shape_cast %get3A_2807 : vector<1x16xf32> to vector<16xf32>
    %get3A_2809 = arith.constant 28 : i32
    %get3A_2810 = arith.index_cast %get3A_2809 : i32 to index
    %get3A_2811 = arith.constant 16 : index
    %get3A_2812 = tpu.vector_load %arg9[%get3A_2810, %get3A_2811] {strides = array<i32>} : memref<32x128xf32, #tpu.memory_space<vmem>>, vector<1x16xf32>,
    %get3A_2813 = vector.shape_cast %get3A_2812 : vector<1x16xf32> to vector<16xf32>
    %sub3A_2814 = arith.constant 1.000000e+00 : f32
    %sub3A_2815 = arith.subf %sub3A_2814, %squeeze3A_2779 : f32
    %mul3A_2816 = vector.broadcast %sub3A_2815 : f32 to vector<16xf32>
    %mul3A_2817 = arith.mulf %get3A_2813, %mul3A_2816 : vector<16xf32>
    %get3A_2818 = arith.constant 28 : i32
    %get3A_2819 = arith.index_cast %get3A_2818 : i32 to index
    %get3A_2820 = arith.constant 80 : index
    %get3A_2821 = tpu.vector_load %arg9[%get3A_2819, %get3A_2820] {strides = array<i32>} : memref<32x128xf32, #tpu.memory_space<vmem>>, vector<1x16xf32>,
    %get3A_2822 = vector.shape_cast %get3A_2821 : vector<1x16xf32> to vector<16xf32>
    %mul3A_2823 = vector.broadcast %squeeze3A_2779 : f32 to vector<16xf32>
    %mul3A_2824 = arith.mulf %get3A_2822, %mul3A_2823 : vector<16xf32>
    %add3A_2825 = arith.addf %mul3A_2817, %mul3A_2824 : vector<16xf32>
    %mul3A_2826 = arith.mulf %get3A_2808, %add3A_2825 : vector<16xf32>
    %add3A_2827 = arith.addf %add3A_2803, %mul3A_2826 : vector<16xf32>
    %get3A_2828 = arith.constant 28 : i32
    %get3A_2829 = arith.index_cast %get3A_2828 : i32 to index
    %get3A_2830 = arith.constant 32 : index
    %get3A_2831 = tpu.vector_load %arg8[%get3A_2829, %get3A_2830] {strides = array<i32>} : memref<32x64xf32, #tpu.memory_space<vmem>>, vector<1x16xf32>,
    %get3A_2832 = vector.shape_cast %get3A_2831 : vector<1x16xf32> to vector<16xf32>
    %get3A_2833 = arith.constant 28 : i32
    %get3A_2834 = arith.index_cast %get3A_2833 : i32 to index
    %get3A_2835 = arith.constant 32 : index
    %get3A_2836 = tpu.vector_load %arg9[%get3A_2834, %get3A_2835] {strides = array<i32>} : memref<32x128xf32, #tpu.memory_space<vmem>>, vector<1x16xf32>,
    %get3A_2837 = vector.shape_cast %get3A_2836 : vector<1x16xf32> to vector<16xf32>
    %sub3A_2838 = arith.constant 1.000000e+00 : f32
    %sub3A_2839 = arith.subf %sub3A_2838, %squeeze3A_2779 : f32
    %mul3A_2840 = vector.broadcast %sub3A_2839 : f32 to vector<16xf32>
    %mul3A_2841 = arith.mulf %get3A_2837, %mul3A_2840 : vector<16xf32>
    %get3A_2842 = arith.constant 28 : i32
    %get3A_2843 = arith.index_cast %get3A_2842 : i32 to index
    %get3A_2844 = arith.constant 96 : index
    %get3A_2845 = tpu.vector_load %arg9[%get3A_2843, %get3A_2844] {strides = array<i32>} : memref<32x128xf32, #tpu.memory_space<vmem>>, vector<1x16xf32>,
    %get3A_2846 = vector.shape_cast %get3A_2845 : vector<1x16xf32> to vector<16xf32>
    %mul3A_2847 = vector.broadcast %squeeze3A_2779 : f32 to vector<16xf32>
    %mul3A_2848 = arith.mulf %get3A_2846, %mul3A_2847 : vector<16xf32>
    %add3A_2849 = arith.addf %mul3A_2841, %mul3A_2848 : vector<16xf32>
    %mul3A_2850 = arith.mulf %get3A_2832, %add3A_2849 : vector<16xf32>
    %add3A_2851 = arith.addf %add3A_2827, %mul3A_2850 : vector<16xf32>
    %get3A_2852 = arith.constant 28 : i32
    %get3A_2853 = arith.index_cast %get3A_2852 : i32 to index
    %get3A_2854 = arith.constant 48 : index
    %get3A_2855 = tpu.vector_load %arg8[%get3A_2853, %get3A_2854] {strides = array<i32>} : memref<32x64xf32, #tpu.memory_space<vmem>>, vector<1x16xf32>,
    %get3A_2856 = vector.shape_cast %get3A_2855 : vector<1x16xf32> to vector<16xf32>
    %get3A_2857 = arith.constant 28 : i32
    %get3A_2858 = arith.index_cast %get3A_2857 : i32 to index
    %get3A_2859 = arith.constant 48 : index
    %get3A_2860 = tpu.vector_load %arg9[%get3A_2858, %get3A_2859] {strides = array<i32>} : memref<32x128xf32, #tpu.memory_space<vmem>>, vector<1x16xf32>,
    %get3A_2861 = vector.shape_cast %get3A_2860 : vector<1x16xf32> to vector<16xf32>
    %sub3A_2862 = arith.constant 1.000000e+00 : f32
    %sub3A_2863 = arith.subf %sub3A_2862, %squeeze3A_2779 : f32
    %mul3A_2864 = vector.broadcast %sub3A_2863 : f32 to vector<16xf32>
    %mul3A_2865 = arith.mulf %get3A_2861, %mul3A_2864 : vector<16xf32>
    %get3A_2866 = arith.constant 28 : i32
    %get3A_2867 = arith.index_cast %get3A_2866 : i32 to index
    %get3A_2868 = arith.constant 112 : index
    %get3A_2869 = tpu.vector_load %arg9[%get3A_2867, %get3A_2868] {strides = array<i32>} : memref<32x128xf32, #tpu.memory_space<vmem>>, vector<1x16xf32>,
    %get3A_2870 = vector.shape_cast %get3A_2869 : vector<1x16xf32> to vector<16xf32>
    %mul3A_2871 = vector.broadcast %squeeze3A_2779 : f32 to vector<16xf32>
    %mul3A_2872 = arith.mulf %get3A_2870, %mul3A_2871 : vector<16xf32>
    %add3A_2873 = arith.addf %mul3A_2865, %mul3A_2872 : vector<16xf32>
    %mul3A_2874 = arith.mulf %get3A_2856, %add3A_2873 : vector<16xf32>
    %add3A_2875 = arith.addf %add3A_2851, %mul3A_2874 : vector<16xf32>
    %slice3A_2876 = vector.extract_strided_slice %convert_element_type3A_1601 {offsets = [13], sizes = [1], strides = [1]} : vector<16xf32> to vector<1xf32>
    %squeeze3A_2877 = vector.extract %slice3A_2876[0] : f32 from vector<1xf32>
    %get3A_2878 = arith.constant 29 : i32
    %get3A_2879 = arith.index_cast %get3A_2878 : i32 to index
    %get3A_2880 = arith.constant 0 : index
    %get3A_2881 = tpu.vector_load %arg8[%get3A_2879, %get3A_2880] {strides = array<i32>} : memref<32x64xf32, #tpu.memory_space<vmem>>, vector<1x16xf32>,
    %get3A_2882 = vector.shape_cast %get3A_2881 : vector<1x16xf32> to vector<16xf32>
    %get3A_2883 = arith.constant 29 : i32
    %get3A_2884 = arith.index_cast %get3A_2883 : i32 to index
    %get3A_2885 = arith.constant 0 : index
    %get3A_2886 = tpu.vector_load %arg9[%get3A_2884, %get3A_2885] {strides = array<i32>} : memref<32x128xf32, #tpu.memory_space<vmem>>, vector<1x16xf32>,
    %get3A_2887 = vector.shape_cast %get3A_2886 : vector<1x16xf32> to vector<16xf32>
    %sub3A_2888 = arith.constant 1.000000e+00 : f32
    %sub3A_2889 = arith.subf %sub3A_2888, %squeeze3A_2877 : f32
    %mul3A_2890 = vector.broadcast %sub3A_2889 : f32 to vector<16xf32>
    %mul3A_2891 = arith.mulf %get3A_2887, %mul3A_2890 : vector<16xf32>
    %get3A_2892 = arith.constant 29 : i32
    %get3A_2893 = arith.index_cast %get3A_2892 : i32 to index
    %get3A_2894 = arith.constant 64 : index
    %get3A_2895 = tpu.vector_load %arg9[%get3A_2893, %get3A_2894] {strides = array<i32>} : memref<32x128xf32, #tpu.memory_space<vmem>>, vector<1x16xf32>,
    %get3A_2896 = vector.shape_cast %get3A_2895 : vector<1x16xf32> to vector<16xf32>
    %mul3A_2897 = vector.broadcast %squeeze3A_2877 : f32 to vector<16xf32>
    %mul3A_2898 = arith.mulf %get3A_2896, %mul3A_2897 : vector<16xf32>
    %add3A_2899 = arith.addf %mul3A_2891, %mul3A_2898 : vector<16xf32>
    %mul3A_2900 = arith.mulf %get3A_2882, %add3A_2899 : vector<16xf32>
    %add3A_2901 = arith.addf %add3A_2875, %mul3A_2900 : vector<16xf32>
    %get3A_2902 = arith.constant 29 : i32
    %get3A_2903 = arith.index_cast %get3A_2902 : i32 to index
    %get3A_2904 = arith.constant 16 : index
    %get3A_2905 = tpu.vector_load %arg8[%get3A_2903, %get3A_2904] {strides = array<i32>} : memref<32x64xf32, #tpu.memory_space<vmem>>, vector<1x16xf32>,
    %get3A_2906 = vector.shape_cast %get3A_2905 : vector<1x16xf32> to vector<16xf32>
    %get3A_2907 = arith.constant 29 : i32
    %get3A_2908 = arith.index_cast %get3A_2907 : i32 to index
    %get3A_2909 = arith.constant 16 : index
    %get3A_2910 = tpu.vector_load %arg9[%get3A_2908, %get3A_2909] {strides = array<i32>} : memref<32x128xf32, #tpu.memory_space<vmem>>, vector<1x16xf32>,
    %get3A_2911 = vector.shape_cast %get3A_2910 : vector<1x16xf32> to vector<16xf32>
    %sub3A_2912 = arith.constant 1.000000e+00 : f32
    %sub3A_2913 = arith.subf %sub3A_2912, %squeeze3A_2877 : f32
    %mul3A_2914 = vector.broadcast %sub3A_2913 : f32 to vector<16xf32>
    %mul3A_2915 = arith.mulf %get3A_2911, %mul3A_2914 : vector<16xf32>
    %get3A_2916 = arith.constant 29 : i32
    %get3A_2917 = arith.index_cast %get3A_2916 : i32 to index
    %get3A_2918 = arith.constant 80 : index
    %get3A_2919 = tpu.vector_load %arg9[%get3A_2917, %get3A_2918] {strides = array<i32>} : memref<32x128xf32, #tpu.memory_space<vmem>>, vector<1x16xf32>,
    %get3A_2920 = vector.shape_cast %get3A_2919 : vector<1x16xf32> to vector<16xf32>
    %mul3A_2921 = vector.broadcast %squeeze3A_2877 : f32 to vector<16xf32>
    %mul3A_2922 = arith.mulf %get3A_2920, %mul3A_2921 : vector<16xf32>
    %add3A_2923 = arith.addf %mul3A_2915, %mul3A_2922 : vector<16xf32>
    %mul3A_2924 = arith.mulf %get3A_2906, %add3A_2923 : vector<16xf32>
    %add3A_2925 = arith.addf %add3A_2901, %mul3A_2924 : vector<16xf32>
    %get3A_2926 = arith.constant 29 : i32
    %get3A_2927 = arith.index_cast %get3A_2926 : i32 to index
    %get3A_2928 = arith.constant 32 : index
    %get3A_2929 = tpu.vector_load %arg8[%get3A_2927, %get3A_2928] {strides = array<i32>} : memref<32x64xf32, #tpu.memory_space<vmem>>, vector<1x16xf32>,
    %get3A_2930 = vector.shape_cast %get3A_2929 : vector<1x16xf32> to vector<16xf32>
    %get3A_2931 = arith.constant 29 : i32
    %get3A_2932 = arith.index_cast %get3A_2931 : i32 to index
    %get3A_2933 = arith.constant 32 : index
    %get3A_2934 = tpu.vector_load %arg9[%get3A_2932, %get3A_2933] {strides = array<i32>} : memref<32x128xf32, #tpu.memory_space<vmem>>, vector<1x16xf32>,
    %get3A_2935 = vector.shape_cast %get3A_2934 : vector<1x16xf32> to vector<16xf32>
    %sub3A_2936 = arith.constant 1.000000e+00 : f32
    %sub3A_2937 = arith.subf %sub3A_2936, %squeeze3A_2877 : f32
    %mul3A_2938 = vector.broadcast %sub3A_2937 : f32 to vector<16xf32>
    %mul3A_2939 = arith.mulf %get3A_2935, %mul3A_2938 : vector<16xf32>
    %get3A_2940 = arith.constant 29 : i32
    %get3A_2941 = arith.index_cast %get3A_2940 : i32 to index
    %get3A_2942 = arith.constant 96 : index
    %get3A_2943 = tpu.vector_load %arg9[%get3A_2941, %get3A_2942] {strides = array<i32>} : memref<32x128xf32, #tpu.memory_space<vmem>>, vector<1x16xf32>,
    %get3A_2944 = vector.shape_cast %get3A_2943 : vector<1x16xf32> to vector<16xf32>
    %mul3A_2945 = vector.broadcast %squeeze3A_2877 : f32 to vector<16xf32>
    %mul3A_2946 = arith.mulf %get3A_2944, %mul3A_2945 : vector<16xf32>
    %add3A_2947 = arith.addf %mul3A_2939, %mul3A_2946 : vector<16xf32>
    %mul3A_2948 = arith.mulf %get3A_2930, %add3A_2947 : vector<16xf32>
    %add3A_2949 = arith.addf %add3A_2925, %mul3A_2948 : vector<16xf32>
    %get3A_2950 = arith.constant 29 : i32
    %get3A_2951 = arith.index_cast %get3A_2950 : i32 to index
    %get3A_2952 = arith.constant 48 : index
    %get3A_2953 = tpu.vector_load %arg8[%get3A_2951, %get3A_2952] {strides = array<i32>} : memref<32x64xf32, #tpu.memory_space<vmem>>, vector<1x16xf32>,
    %get3A_2954 = vector.shape_cast %get3A_2953 : vector<1x16xf32> to vector<16xf32>
    %get3A_2955 = arith.constant 29 : i32
    %get3A_2956 = arith.index_cast %get3A_2955 : i32 to index
    %get3A_2957 = arith.constant 48 : index
    %get3A_2958 = tpu.vector_load %arg9[%get3A_2956, %get3A_2957] {strides = array<i32>} : memref<32x128xf32, #tpu.memory_space<vmem>>, vector<1x16xf32>,
    %get3A_2959 = vector.shape_cast %get3A_2958 : vector<1x16xf32> to vector<16xf32>
    %sub3A_2960 = arith.constant 1.000000e+00 : f32
    %sub3A_2961 = arith.subf %sub3A_2960, %squeeze3A_2877 : f32
    %mul3A_2962 = vector.broadcast %sub3A_2961 : f32 to vector<16xf32>
    %mul3A_2963 = arith.mulf %get3A_2959, %mul3A_2962 : vector<16xf32>
    %get3A_2964 = arith.constant 29 : i32
    %get3A_2965 = arith.index_cast %get3A_2964 : i32 to index
    %get3A_2966 = arith.constant 112 : index
    %get3A_2967 = tpu.vector_load %arg9[%get3A_2965, %get3A_2966] {strides = array<i32>} : memref<32x128xf32, #tpu.memory_space<vmem>>, vector<1x16xf32>,
    %get3A_2968 = vector.shape_cast %get3A_2967 : vector<1x16xf32> to vector<16xf32>
    %mul3A_2969 = vector.broadcast %squeeze3A_2877 : f32 to vector<16xf32>
    %mul3A_2970 = arith.mulf %get3A_2968, %mul3A_2969 : vector<16xf32>
    %add3A_2971 = arith.addf %mul3A_2963, %mul3A_2970 : vector<16xf32>
    %mul3A_2972 = arith.mulf %get3A_2954, %add3A_2971 : vector<16xf32>
    %add3A_2973 = arith.addf %add3A_2949, %mul3A_2972 : vector<16xf32>
    %slice3A_2974 = vector.extract_strided_slice %convert_element_type3A_1601 {offsets = [14], sizes = [1], strides = [1]} : vector<16xf32> to vector<1xf32>
    %squeeze3A_2975 = vector.extract %slice3A_2974[0] : f32 from vector<1xf32>
    %get3A_2976 = arith.constant 30 : i32
    %get3A_2977 = arith.index_cast %get3A_2976 : i32 to index
    %get3A_2978 = arith.constant 0 : index
    %get3A_2979 = tpu.vector_load %arg8[%get3A_2977, %get3A_2978] {strides = array<i32>} : memref<32x64xf32, #tpu.memory_space<vmem>>, vector<1x16xf32>,
    %get3A_2980 = vector.shape_cast %get3A_2979 : vector<1x16xf32> to vector<16xf32>
    %get3A_2981 = arith.constant 30 : i32
    %get3A_2982 = arith.index_cast %get3A_2981 : i32 to index
    %get3A_2983 = arith.constant 0 : index
    %get3A_2984 = tpu.vector_load %arg9[%get3A_2982, %get3A_2983] {strides = array<i32>} : memref<32x128xf32, #tpu.memory_space<vmem>>, vector<1x16xf32>,
    %get3A_2985 = vector.shape_cast %get3A_2984 : vector<1x16xf32> to vector<16xf32>
    %sub3A_2986 = arith.constant 1.000000e+00 : f32
    %sub3A_2987 = arith.subf %sub3A_2986, %squeeze3A_2975 : f32
    %mul3A_2988 = vector.broadcast %sub3A_2987 : f32 to vector<16xf32>
    %mul3A_2989 = arith.mulf %get3A_2985, %mul3A_2988 : vector<16xf32>
    %get3A_2990 = arith.constant 30 : i32
    %get3A_2991 = arith.index_cast %get3A_2990 : i32 to index
    %get3A_2992 = arith.constant 64 : index
    %get3A_2993 = tpu.vector_load %arg9[%get3A_2991, %get3A_2992] {strides = array<i32>} : memref<32x128xf32, #tpu.memory_space<vmem>>, vector<1x16xf32>,
    %get3A_2994 = vector.shape_cast %get3A_2993 : vector<1x16xf32> to vector<16xf32>
    %mul3A_2995 = vector.broadcast %squeeze3A_2975 : f32 to vector<16xf32>
    %mul3A_2996 = arith.mulf %get3A_2994, %mul3A_2995 : vector<16xf32>
    %add3A_2997 = arith.addf %mul3A_2989, %mul3A_2996 : vector<16xf32>
    %mul3A_2998 = arith.mulf %get3A_2980, %add3A_2997 : vector<16xf32>
    %add3A_2999 = arith.addf %add3A_2973, %mul3A_2998 : vector<16xf32>
    %get3A_3000 = arith.constant 30 : i32
    %get3A_3001 = arith.index_cast %get3A_3000 : i32 to index
    %get3A_3002 = arith.constant 16 : index
    %get3A_3003 = tpu.vector_load %arg8[%get3A_3001, %get3A_3002] {strides = array<i32>} : memref<32x64xf32, #tpu.memory_space<vmem>>, vector<1x16xf32>,
    %get3A_3004 = vector.shape_cast %get3A_3003 : vector<1x16xf32> to vector<16xf32>
    %get3A_3005 = arith.constant 30 : i32
    %get3A_3006 = arith.index_cast %get3A_3005 : i32 to index
    %get3A_3007 = arith.constant 16 : index
    %get3A_3008 = tpu.vector_load %arg9[%get3A_3006, %get3A_3007] {strides = array<i32>} : memref<32x128xf32, #tpu.memory_space<vmem>>, vector<1x16xf32>,
    %get3A_3009 = vector.shape_cast %get3A_3008 : vector<1x16xf32> to vector<16xf32>
    %sub3A_3010 = arith.constant 1.000000e+00 : f32
    %sub3A_3011 = arith.subf %sub3A_3010, %squeeze3A_2975 : f32
    %mul3A_3012 = vector.broadcast %sub3A_3011 : f32 to vector<16xf32>
    %mul3A_3013 = arith.mulf %get3A_3009, %mul3A_3012 : vector<16xf32>
    %get3A_3014 = arith.constant 30 : i32
    %get3A_3015 = arith.index_cast %get3A_3014 : i32 to index
    %get3A_3016 = arith.constant 80 : index
    %get3A_3017 = tpu.vector_load %arg9[%get3A_3015, %get3A_3016] {strides = array<i32>} : memref<32x128xf32, #tpu.memory_space<vmem>>, vector<1x16xf32>,
    %get3A_3018 = vector.shape_cast %get3A_3017 : vector<1x16xf32> to vector<16xf32>
    %mul3A_3019 = vector.broadcast %squeeze3A_2975 : f32 to vector<16xf32>
    %mul3A_3020 = arith.mulf %get3A_3018, %mul3A_3019 : vector<16xf32>
    %add3A_3021 = arith.addf %mul3A_3013, %mul3A_3020 : vector<16xf32>
    %mul3A_3022 = arith.mulf %get3A_3004, %add3A_3021 : vector<16xf32>
    %add3A_3023 = arith.addf %add3A_2999, %mul3A_3022 : vector<16xf32>
    %get3A_3024 = arith.constant 30 : i32
    %get3A_3025 = arith.index_cast %get3A_3024 : i32 to index
    %get3A_3026 = arith.constant 32 : index
    %get3A_3027 = tpu.vector_load %arg8[%get3A_3025, %get3A_3026] {strides = array<i32>} : memref<32x64xf32, #tpu.memory_space<vmem>>, vector<1x16xf32>,
    %get3A_3028 = vector.shape_cast %get3A_3027 : vector<1x16xf32> to vector<16xf32>
    %get3A_3029 = arith.constant 30 : i32
    %get3A_3030 = arith.index_cast %get3A_3029 : i32 to index
    %get3A_3031 = arith.constant 32 : index
    %get3A_3032 = tpu.vector_load %arg9[%get3A_3030, %get3A_3031] {strides = array<i32>} : memref<32x128xf32, #tpu.memory_space<vmem>>, vector<1x16xf32>,
    %get3A_3033 = vector.shape_cast %get3A_3032 : vector<1x16xf32> to vector<16xf32>
    %sub3A_3034 = arith.constant 1.000000e+00 : f32
    %sub3A_3035 = arith.subf %sub3A_3034, %squeeze3A_2975 : f32
    %mul3A_3036 = vector.broadcast %sub3A_3035 : f32 to vector<16xf32>
    %mul3A_3037 = arith.mulf %get3A_3033, %mul3A_3036 : vector<16xf32>
    %get3A_3038 = arith.constant 30 : i32
    %get3A_3039 = arith.index_cast %get3A_3038 : i32 to index
    %get3A_3040 = arith.constant 96 : index
    %get3A_3041 = tpu.vector_load %arg9[%get3A_3039, %get3A_3040] {strides = array<i32>} : memref<32x128xf32, #tpu.memory_space<vmem>>, vector<1x16xf32>,
    %get3A_3042 = vector.shape_cast %get3A_3041 : vector<1x16xf32> to vector<16xf32>
    %mul3A_3043 = vector.broadcast %squeeze3A_2975 : f32 to vector<16xf32>
    %mul3A_3044 = arith.mulf %get3A_3042, %mul3A_3043 : vector<16xf32>
    %add3A_3045 = arith.addf %mul3A_3037, %mul3A_3044 : vector<16xf32>
    %mul3A_3046 = arith.mulf %get3A_3028, %add3A_3045 : vector<16xf32>
    %add3A_3047 = arith.addf %add3A_3023, %mul3A_3046 : vector<16xf32>
    %get3A_3048 = arith.constant 30 : i32
    %get3A_3049 = arith.index_cast %get3A_3048 : i32 to index
    %get3A_3050 = arith.constant 48 : index
    %get3A_3051 = tpu.vector_load %arg8[%get3A_3049, %get3A_3050] {strides = array<i32>} : memref<32x64xf32, #tpu.memory_space<vmem>>, vector<1x16xf32>,
    %get3A_3052 = vector.shape_cast %get3A_3051 : vector<1x16xf32> to vector<16xf32>
    %get3A_3053 = arith.constant 30 : i32
    %get3A_3054 = arith.index_cast %get3A_3053 : i32 to index
    %get3A_3055 = arith.constant 48 : index
    %get3A_3056 = tpu.vector_load %arg9[%get3A_3054, %get3A_3055] {strides = array<i32>} : memref<32x128xf32, #tpu.memory_space<vmem>>, vector<1x16xf32>,
    %get3A_3057 = vector.shape_cast %get3A_3056 : vector<1x16xf32> to vector<16xf32>
    %sub3A_3058 = arith.constant 1.000000e+00 : f32
    %sub3A_3059 = arith.subf %sub3A_3058, %squeeze3A_2975 : f32
    %mul3A_3060 = vector.broadcast %sub3A_3059 : f32 to vector<16xf32>
    %mul3A_3061 = arith.mulf %get3A_3057, %mul3A_3060 : vector<16xf32>
    %get3A_3062 = arith.constant 30 : i32
    %get3A_3063 = arith.index_cast %get3A_3062 : i32 to index
    %get3A_3064 = arith.constant 112 : index
    %get3A_3065 = tpu.vector_load %arg9[%get3A_3063, %get3A_3064] {strides = array<i32>} : memref<32x128xf32, #tpu.memory_space<vmem>>, vector<1x16xf32>,
    %get3A_3066 = vector.shape_cast %get3A_3065 : vector<1x16xf32> to vector<16xf32>
    %mul3A_3067 = vector.broadcast %squeeze3A_2975 : f32 to vector<16xf32>
    %mul3A_3068 = arith.mulf %get3A_3066, %mul3A_3067 : vector<16xf32>
    %add3A_3069 = arith.addf %mul3A_3061, %mul3A_3068 : vector<16xf32>
    %mul3A_3070 = arith.mulf %get3A_3052, %add3A_3069 : vector<16xf32>
    %add3A_3071 = arith.addf %add3A_3047, %mul3A_3070 : vector<16xf32>
    %slice3A_3072 = vector.extract_strided_slice %convert_element_type3A_1601 {offsets = [15], sizes = [1], strides = [1]} : vector<16xf32> to vector<1xf32>
    %squeeze3A_3073 = vector.extract %slice3A_3072[0] : f32 from vector<1xf32>
    %get3A_3074 = arith.constant 31 : i32
    %get3A_3075 = arith.index_cast %get3A_3074 : i32 to index
    %get3A_3076 = arith.constant 0 : index
    %get3A_3077 = tpu.vector_load %arg8[%get3A_3075, %get3A_3076] {strides = array<i32>} : memref<32x64xf32, #tpu.memory_space<vmem>>, vector<1x16xf32>,
    %get3A_3078 = vector.shape_cast %get3A_3077 : vector<1x16xf32> to vector<16xf32>
    %get3A_3079 = arith.constant 31 : i32
    %get3A_3080 = arith.index_cast %get3A_3079 : i32 to index
    %get3A_3081 = arith.constant 0 : index
    %get3A_3082 = tpu.vector_load %arg9[%get3A_3080, %get3A_3081] {strides = array<i32>} : memref<32x128xf32, #tpu.memory_space<vmem>>, vector<1x16xf32>,
    %get3A_3083 = vector.shape_cast %get3A_3082 : vector<1x16xf32> to vector<16xf32>
    %sub3A_3084 = arith.constant 1.000000e+00 : f32
    %sub3A_3085 = arith.subf %sub3A_3084, %squeeze3A_3073 : f32
    %mul3A_3086 = vector.broadcast %sub3A_3085 : f32 to vector<16xf32>
    %mul3A_3087 = arith.mulf %get3A_3083, %mul3A_3086 : vector<16xf32>
    %get3A_3088 = arith.constant 31 : i32
    %get3A_3089 = arith.index_cast %get3A_3088 : i32 to index
    %get3A_3090 = arith.constant 64 : index
    %get3A_3091 = tpu.vector_load %arg9[%get3A_3089, %get3A_3090] {strides = array<i32>} : memref<32x128xf32, #tpu.memory_space<vmem>>, vector<1x16xf32>,
    %get3A_3092 = vector.shape_cast %get3A_3091 : vector<1x16xf32> to vector<16xf32>
    %mul3A_3093 = vector.broadcast %squeeze3A_3073 : f32 to vector<16xf32>
    %mul3A_3094 = arith.mulf %get3A_3092, %mul3A_3093 : vector<16xf32>
    %add3A_3095 = arith.addf %mul3A_3087, %mul3A_3094 : vector<16xf32>
    %mul3A_3096 = arith.mulf %get3A_3078, %add3A_3095 : vector<16xf32>
    %add3A_3097 = arith.addf %add3A_3071, %mul3A_3096 : vector<16xf32>
    %get3A_3098 = arith.constant 31 : i32
    %get3A_3099 = arith.index_cast %get3A_3098 : i32 to index
    %get3A_3100 = arith.constant 16 : index
    %get3A_3101 = tpu.vector_load %arg8[%get3A_3099, %get3A_3100] {strides = array<i32>} : memref<32x64xf32, #tpu.memory_space<vmem>>, vector<1x16xf32>,
    %get3A_3102 = vector.shape_cast %get3A_3101 : vector<1x16xf32> to vector<16xf32>
    %get3A_3103 = arith.constant 31 : i32
    %get3A_3104 = arith.index_cast %get3A_3103 : i32 to index
    %get3A_3105 = arith.constant 16 : index
    %get3A_3106 = tpu.vector_load %arg9[%get3A_3104, %get3A_3105] {strides = array<i32>} : memref<32x128xf32, #tpu.memory_space<vmem>>, vector<1x16xf32>,
    %get3A_3107 = vector.shape_cast %get3A_3106 : vector<1x16xf32> to vector<16xf32>
    %sub3A_3108 = arith.constant 1.000000e+00 : f32
    %sub3A_3109 = arith.subf %sub3A_3108, %squeeze3A_3073 : f32
    %mul3A_3110 = vector.broadcast %sub3A_3109 : f32 to vector<16xf32>
    %mul3A_3111 = arith.mulf %get3A_3107, %mul3A_3110 : vector<16xf32>
    %get3A_3112 = arith.constant 31 : i32
    %get3A_3113 = arith.index_cast %get3A_3112 : i32 to index
    %get3A_3114 = arith.constant 80 : index
    %get3A_3115 = tpu.vector_load %arg9[%get3A_3113, %get3A_3114] {strides = array<i32>} : memref<32x128xf32, #tpu.memory_space<vmem>>, vector<1x16xf32>,
    %get3A_3116 = vector.shape_cast %get3A_3115 : vector<1x16xf32> to vector<16xf32>
    %mul3A_3117 = vector.broadcast %squeeze3A_3073 : f32 to vector<16xf32>
    %mul3A_3118 = arith.mulf %get3A_3116, %mul3A_3117 : vector<16xf32>
    %add3A_3119 = arith.addf %mul3A_3111, %mul3A_3118 : vector<16xf32>
    %mul3A_3120 = arith.mulf %get3A_3102, %add3A_3119 : vector<16xf32>
    %add3A_3121 = arith.addf %add3A_3097, %mul3A_3120 : vector<16xf32>
    %get3A_3122 = arith.constant 31 : i32
    %get3A_3123 = arith.index_cast %get3A_3122 : i32 to index
    %get3A_3124 = arith.constant 32 : index
    %get3A_3125 = tpu.vector_load %arg8[%get3A_3123, %get3A_3124] {strides = array<i32>} : memref<32x64xf32, #tpu.memory_space<vmem>>, vector<1x16xf32>,
    %get3A_3126 = vector.shape_cast %get3A_3125 : vector<1x16xf32> to vector<16xf32>
    %get3A_3127 = arith.constant 31 : i32
    %get3A_3128 = arith.index_cast %get3A_3127 : i32 to index
    %get3A_3129 = arith.constant 32 : index
    %get3A_3130 = tpu.vector_load %arg9[%get3A_3128, %get3A_3129] {strides = array<i32>} : memref<32x128xf32, #tpu.memory_space<vmem>>, vector<1x16xf32>,
    %get3A_3131 = vector.shape_cast %get3A_3130 : vector<1x16xf32> to vector<16xf32>
    %sub3A_3132 = arith.constant 1.000000e+00 : f32
    %sub3A_3133 = arith.subf %sub3A_3132, %squeeze3A_3073 : f32
    %mul3A_3134 = vector.broadcast %sub3A_3133 : f32 to vector<16xf32>
    %mul3A_3135 = arith.mulf %get3A_3131, %mul3A_3134 : vector<16xf32>
    %get3A_3136 = arith.constant 31 : i32
    %get3A_3137 = arith.index_cast %get3A_3136 : i32 to index
    %get3A_3138 = arith.constant 96 : index
    %get3A_3139 = tpu.vector_load %arg9[%get3A_3137, %get3A_3138] {strides = array<i32>} : memref<32x128xf32, #tpu.memory_space<vmem>>, vector<1x16xf32>,
    %get3A_3140 = vector.shape_cast %get3A_3139 : vector<1x16xf32> to vector<16xf32>
    %mul3A_3141 = vector.broadcast %squeeze3A_3073 : f32 to vector<16xf32>
    %mul3A_3142 = arith.mulf %get3A_3140, %mul3A_3141 : vector<16xf32>
    %add3A_3143 = arith.addf %mul3A_3135, %mul3A_3142 : vector<16xf32>
    %mul3A_3144 = arith.mulf %get3A_3126, %add3A_3143 : vector<16xf32>
    %add3A_3145 = arith.addf %add3A_3121, %mul3A_3144 : vector<16xf32>
    %get3A_3146 = arith.constant 31 : i32
    %get3A_3147 = arith.index_cast %get3A_3146 : i32 to index
    %get3A_3148 = arith.constant 48 : index
    %get3A_3149 = tpu.vector_load %arg8[%get3A_3147, %get3A_3148] {strides = array<i32>} : memref<32x64xf32, #tpu.memory_space<vmem>>, vector<1x16xf32>,
    %get3A_3150 = vector.shape_cast %get3A_3149 : vector<1x16xf32> to vector<16xf32>
    %get3A_3151 = arith.constant 31 : i32
    %get3A_3152 = arith.index_cast %get3A_3151 : i32 to index
    %get3A_3153 = arith.constant 48 : index
    %get3A_3154 = tpu.vector_load %arg9[%get3A_3152, %get3A_3153] {strides = array<i32>} : memref<32x128xf32, #tpu.memory_space<vmem>>, vector<1x16xf32>,
    %get3A_3155 = vector.shape_cast %get3A_3154 : vector<1x16xf32> to vector<16xf32>
    %sub3A_3156 = arith.constant 1.000000e+00 : f32
    %sub3A_3157 = arith.subf %sub3A_3156, %squeeze3A_3073 : f32
    %mul3A_3158 = vector.broadcast %sub3A_3157 : f32 to vector<16xf32>
    %mul3A_3159 = arith.mulf %get3A_3155, %mul3A_3158 : vector<16xf32>
    %get3A_3160 = arith.constant 31 : i32
    %get3A_3161 = arith.index_cast %get3A_3160 : i32 to index
    %get3A_3162 = arith.constant 112 : index
    %get3A_3163 = tpu.vector_load %arg9[%get3A_3161, %get3A_3162] {strides = array<i32>} : memref<32x128xf32, #tpu.memory_space<vmem>>, vector<1x16xf32>,
    %get3A_3164 = vector.shape_cast %get3A_3163 : vector<1x16xf32> to vector<16xf32>
    %mul3A_3165 = vector.broadcast %squeeze3A_3073 : f32 to vector<16xf32>
    %mul3A_3166 = arith.mulf %get3A_3164, %mul3A_3165 : vector<16xf32>
    %add3A_3167 = arith.addf %mul3A_3159, %mul3A_3166 : vector<16xf32>
    %mul3A_3168 = arith.mulf %get3A_3150, %add3A_3167 : vector<16xf32>
    %add3A_3169 = arith.addf %add3A_3145, %mul3A_3168 : vector<16xf32>
    %swap3A_3170 = arith.constant 0 : index
    %swap3A_3171 = tpu.vector_load %arg10[%swap3A_3170] {strides = array<i32>} : memref<16xf32, #tpu.memory_space<vmem>>, vector<16xf32>,
    %swap3A_3172 = vector.shape_cast %swap3A_3171 : vector<16xf32> to vector<16xf32>
    %swap3A_3173 = vector.shape_cast %add3A_3169 : vector<16xf32> to vector<16xf32>
    tpu.vector_store %arg10[%swap3A_3170], %swap3A_3173 {strides = array<i32>} : memref<16xf32, #tpu.memory_space<vmem>>, vector<16xf32>,
    "tpu.region"() ({
      %run_scoped3A = tpu.sem_alloc : memref<!tpu.dma_semaphore, #tpu.memory_space<semaphore_mem>>
      %dma_start3A_3174 = arith.constant 0 : i32
      %dma_start3A_3175 = tpu.memref_slice %arg5[%add3A, %dma_start3A_3174] : memref<32x16xf32, #tpu.memory_space<hbm>> -> memref<1x16xf32, #tpu.memory_space<hbm>>
      %dma_start3A_3176 = tpu.memref_squeeze %dma_start3A_3175 : memref<1x16xf32, #tpu.memory_space<hbm>> -> memref<16xf32, #tpu.memory_space<hbm>>
      %dma_start3A_3177 = arith.constant 0 : i32
      %dma_start3A_3178 = tpu.memref_slice %arg5[%add3A, %dma_start3A_3177] : memref<32x16xf32, #tpu.memory_space<hbm>> -> memref<1x16xf32, #tpu.memory_space<hbm>>
      %dma_start3A_3179 = tpu.memref_squeeze %dma_start3A_3178 : memref<1x16xf32, #tpu.memory_space<hbm>> -> memref<16xf32, #tpu.memory_space<hbm>>
      tpu.enqueue_dma source(%arg10 : memref<16xf32, #tpu.memory_space<vmem>>) target(%dma_start3A_3179 : memref<16xf32, #tpu.memory_space<hbm>>) target_semaphore(%run_scoped3A : memref<!tpu.dma_semaphore, #tpu.memory_space<semaphore_mem>>)
      %dma_wait3A_3180 = arith.constant 0 : i32
      %dma_wait3A_3181 = tpu.memref_slice %arg5[%add3A, %dma_wait3A_3180] : memref<32x16xf32, #tpu.memory_space<hbm>> -> memref<1x16xf32, #tpu.memory_space<hbm>>
      %dma_wait3A_3182 = tpu.memref_squeeze %dma_wait3A_3181 : memref<1x16xf32, #tpu.memory_space<hbm>> -> memref<16xf32, #tpu.memory_space<hbm>>
      %dma_wait3A_3183 = arith.constant 0 : i32
      %dma_wait3A_3184 = tpu.memref_slice %arg5[%add3A, %dma_wait3A_3183] : memref<32x16xf32, #tpu.memory_space<hbm>> -> memref<1x16xf32, #tpu.memory_space<hbm>>
      %dma_wait3A_3185 = tpu.memref_squeeze %dma_wait3A_3184 : memref<1x16xf32, #tpu.memory_space<hbm>> -> memref<16xf32, #tpu.memory_space<hbm>>
      tpu.wait_dma2 semaphore(%run_scoped3A : memref<!tpu.dma_semaphore, #tpu.memory_space<semaphore_mem>>) src(%arg10 : memref<16xf32, #tpu.memory_space<vmem>>) dst(%dma_wait3A_3185 : memref<16xf32, #tpu.memory_space<hbm>>)
      tpu.yield
    }) : () -> ()
    return
  }
}

module attributes {stable_mosaic.version = 14 : i64} {
  func.func @_fused_body(%arg0: i32, %arg1: memref<1024x64xbf16, #tpu.memory_space<vmem>>, %arg2: memref<2048x64xbf16, #tpu.memory_space<vmem>>, %arg3: memref<1024x2048xbf16, #tpu.memory_space<vmem>>, %arg4: memref<1x1xf32, #tpu.memory_space<smem>>, %arg5: memref<1024x1xf32, #tpu.memory_space<vmem>>, %arg6: memref<1024x1xf32, #tpu.memory_space<vmem>>) attributes {dimension_semantics = [#tpu.dimension_semantics<arbitrary>], iteration_bounds = array<i64: 49>, scalar_prefetch = 0 : i64, scratch_operands = 2 : i64, tpu.core_type = #tpu.core_type<tc>, window_params = [{pipeline_mode = #tpu.pipeline_mode<synchronous>, transform_indices = @transform_0, window_bounds = array<i64: 1024, 64>}, {transform_indices = @transform_1, window_bounds = array<i64: 2048, 64>}, {transform_indices = @transform_2, window_bounds = array<i64: 1024, 2048>}, {transform_indices = @transform_3, window_bounds = array<i64: 1, 1>}]} {
    %get3A = arith.constant 0 : index
    %get3A_0 = arith.constant 0 : index
    %get3A_1 = vector.load %arg1[%get3A, %get3A_0] : memref<1024x64xbf16, #tpu.memory_space<vmem>>, vector<1024x64xbf16>
    %get3A_2 = arith.constant 0 : index
    %get3A_3 = arith.constant 0 : index
    %get3A_4 = vector.load %arg2[%get3A_2, %get3A_3] : memref<2048x64xbf16, #tpu.memory_space<vmem>>, vector<2048x64xbf16>
    %eq3A = arith.constant 0 : i32
    %eq3A_5 = arith.cmpi eq, %arg0, %eq3A : i32
    %convert_element_type3A = arith.extui %eq3A_5 : i1 to i32
    %cond3A = arith.constant 0 : i32
    %cond3A_6 = arith.cmpi ne, %convert_element_type3A, %cond3A : i32
    scf.if %cond3A_6 {
      %convert_element_type3A_27 = arith.extf %get3A_1 : vector<1024x64xbf16> to vector<1024x64xf32>
      %mul3A = arith.mulf %convert_element_type3A_27, %convert_element_type3A_27 : vector<1024x64xf32>
      %reduce_sum3A_28 = arith.constant dense<0.000000e+00> : vector<1024xf32>
      %reduce_sum3A_29 = vector.multi_reduction <add>, %mul3A, %reduce_sum3A_28 [1] : vector<1024x64xf32> to vector<1024xf32>
      %broadcast_in_dim3A_30 = vector.shape_cast %reduce_sum3A_29 : vector<1024xf32> to vector<1024x1xf32>
      %sqrt3A = math.sqrt %broadcast_in_dim3A_30 : vector<1024x1xf32>
      %swap3A_31 = arith.constant 0 : index
      %swap3A_32 = arith.constant 0 : index
      %swap3A_33 = vector.load %arg5[%swap3A_31, %swap3A_32] : memref<1024x1xf32, #tpu.memory_space<vmem>>, vector<1024x1xf32>
      tpu.vector_store %arg5[%swap3A_31, %swap3A_32], %sqrt3A {strides = array<i32>} : memref<1024x1xf32, #tpu.memory_space<vmem>>, vector<1024x1xf32>,
      %broadcast_in_dim3A_34 = arith.constant 0.000000e+00 : f32
      %broadcast_in_dim3A_35 = vector.broadcast %broadcast_in_dim3A_34 : f32 to vector<1024x1xf32>
      %swap3A_36 = arith.constant 0 : index
      %swap3A_37 = arith.constant 0 : index
      %swap3A_38 = vector.load %arg6[%swap3A_36, %swap3A_37] : memref<1024x1xf32, #tpu.memory_space<vmem>>, vector<1024x1xf32>
      tpu.vector_store %arg6[%swap3A_36, %swap3A_37], %broadcast_in_dim3A_35 {strides = array<i32>} : memref<1024x1xf32, #tpu.memory_space<vmem>>, vector<1024x1xf32>,
    } else {
    }
    %dot_general3A = arith.constant dense<0.000000e+00> : vector<1024x2048xf32>
    %dot_general3A_7 = tpu.matmul %get3A_1, %get3A_4, %dot_general3A {dimension_numbers = #tpu.dot_dimension_numbers<[1], [1], [0], [0], [0, 0, 1, 0], [], []>, transpose_lhs_hint = false} : vector<1024x64xbf16>, vector<2048x64xbf16>, vector<1024x2048xf32> -> vector<1024x2048xf32>
    %convert_element_type3A_8 = arith.truncf %dot_general3A_7 : vector<1024x2048xf32> to vector<1024x2048xbf16>
    %swap3A = arith.constant 0 : index
    %swap3A_9 = arith.constant 0 : index
    %swap3A_10 = vector.load %arg3[%swap3A, %swap3A_9] : memref<1024x2048xbf16, #tpu.memory_space<vmem>>, vector<1024x2048xbf16>
    tpu.vector_store %arg3[%swap3A, %swap3A_9], %convert_element_type3A_8 {strides = array<i32>} : memref<1024x2048xbf16, #tpu.memory_space<vmem>>, vector<1024x2048xbf16>,
    %get3A_11 = arith.constant 0 : index
    %get3A_12 = arith.constant 0 : index
    %get3A_13 = vector.load %arg5[%get3A_11, %get3A_12] : memref<1024x1xf32, #tpu.memory_space<vmem>>, vector<1024x1xf32>
    %sub3A = vector.broadcast %get3A_13 : vector<1024x1xf32> to vector<1024x2048xf32>
    %sub3A_14 = arith.subf %dot_general3A_7, %sub3A : vector<1024x2048xf32>
    %exp3A = math.exp %sub3A_14 : vector<1024x2048xf32>
    %get3A_15 = arith.constant 0 : index
    %get3A_16 = arith.constant 0 : index
    %get3A_17 = vector.load %arg6[%get3A_15, %get3A_16] : memref<1024x1xf32, #tpu.memory_space<vmem>>, vector<1024x1xf32>
    %reduce_sum3A = arith.constant dense<0.000000e+00> : vector<1024xf32>
    %reduce_sum3A_18 = vector.multi_reduction <add>, %exp3A, %reduce_sum3A [1] : vector<1024x2048xf32> to vector<1024xf32>
    %broadcast_in_dim3A = vector.shape_cast %reduce_sum3A_18 : vector<1024xf32> to vector<1024x1xf32>
    %add3A = arith.addf %get3A_17, %broadcast_in_dim3A : vector<1024x1xf32>
    %swap3A_19 = arith.constant 0 : index
    %swap3A_20 = arith.constant 0 : index
    %swap3A_21 = vector.load %arg6[%swap3A_19, %swap3A_20] : memref<1024x1xf32, #tpu.memory_space<vmem>>, vector<1024x1xf32>
    tpu.vector_store %arg6[%swap3A_19, %swap3A_20], %add3A {strides = array<i32>} : memref<1024x1xf32, #tpu.memory_space<vmem>>, vector<1024x1xf32>,
    %eq3A_22 = arith.constant 48 : i32
    %eq3A_23 = arith.cmpi eq, %arg0, %eq3A_22 : i32
    %convert_element_type3A_24 = arith.extui %eq3A_23 : i1 to i32
    %cond3A_25 = arith.constant 0 : i32
    %cond3A_26 = arith.cmpi ne, %convert_element_type3A_24, %cond3A_25 : i32
    scf.if %cond3A_26 {
      %get3A_27 = arith.constant 0 : index
      %get3A_28 = arith.constant 0 : index
      %get3A_29 = vector.load %arg6[%get3A_27, %get3A_28] : memref<1024x1xf32, #tpu.memory_space<vmem>>, vector<1024x1xf32>
      %neg3A = arith.constant 0.000000e+00 : f32
      %neg3A_30 = vector.broadcast %neg3A : f32 to vector<1024x1xf32>
      %neg3A_31 = arith.subf %neg3A_30, %get3A_13 : vector<1024x1xf32>
      %exp3A_32 = math.exp %neg3A_31 : vector<1024x1xf32>
      %mul3A = arith.constant 3.520000e+02 : f32
      %mul3A_33 = vector.broadcast %mul3A : f32 to vector<1024x1xf32>
      %mul3A_34 = arith.mulf %mul3A_33, %exp3A_32 : vector<1024x1xf32>
      %sub3A_35 = arith.subf %get3A_29, %mul3A_34 : vector<1024x1xf32>
      %log3A = math.log %sub3A_35 : vector<1024x1xf32>
      %add3A_36 = arith.addf %get3A_13, %log3A : vector<1024x1xf32>
      %reduce_sum3A_37 = vector.shape_cast %add3A_36 : vector<1024x1xf32> to vector<1x1024x1xf32>
      %reduce_sum3A_38 = arith.constant dense<0.000000e+00> : vector<1xf32>
      %reduce_sum3A_39 = vector.multi_reduction <add>, %reduce_sum3A_37, %reduce_sum3A_38 [1, 2] : vector<1x1024x1xf32> to vector<1xf32>
      %reduce_sum3A_40 = vector.shape_cast %reduce_sum3A_39 : vector<1xf32> to vector<1x1x1xf32>
      %reduce_sum3A_41 = vector.extract %reduce_sum3A_40[0, 0, 0] : f32 from vector<1x1x1xf32>
      %swap3A_42 = arith.constant 0 : index
      %swap3A_43 = arith.constant 0 : index
      %swap3A_44 = memref.load %arg4[%swap3A_42, %swap3A_43] : memref<1x1xf32, #tpu.memory_space<smem>>
      memref.store %reduce_sum3A_41, %arg4[%swap3A_42, %swap3A_43] : memref<1x1xf32, #tpu.memory_space<smem>>
    } else {
    }
    return
  }
  func.func @transform_0(%arg0: i32) -> (i32, i32) {
    %c0_i32 = arith.constant 0 : i32
    %c0_i32_0 = arith.constant 0 : i32
    %c0_i32_1 = arith.constant 0 : i32
    return %c0_i32, %c0_i32_0 : i32, i32
  }
  func.func @transform_1(%arg0: i32) -> (i32, i32) {
    %c0_i32 = arith.constant 0 : i32
    %c0_i32_0 = arith.constant 0 : i32
    return %arg0, %c0_i32 : i32, i32
  }
  func.func @transform_2(%arg0: i32) -> (i32, i32) {
    %c0_i32 = arith.constant 0 : i32
    %c0_i32_0 = arith.constant 0 : i32
    return %c0_i32, %arg0 : i32, i32
  }
  func.func @transform_3(%arg0: i32) -> (i32, i32) {
    %c0_i32 = arith.constant 0 : i32
    %c0_i32_0 = arith.constant 0 : i32
    %c0_i32_1 = arith.constant 0 : i32
    return %c0_i32, %c0_i32_0 : i32, i32
  }
}

</mosaic_0001>

<sc_bundles>
// kernel: kernel.4.cloned.1.call-start
scs
__scs_entry_jumppad:
0x0: {  	(pc) =	sbr.rel $0x88, $3  }
0x1: {  	(tag) =	ssettag $0x0;
	lr =	simm.s32 $0x1  }
0x2: {  	[smem:$0x3F9E] =	sst lr;
	_ =	strace $0xD0000000  }
0x3: {  	_ = 	snop  }
0x4: {  	_ = 	snop  }
0x5: {  	_ = 	snop  }
0x6: {  	_ = 	snop  }
0x7: {  	_ = 	snop  }
__scs_overlays_trampoline_lowered:
0x8: {  	[smem:$0x3FAD] =	sst s0  }
0x9: {  	[smem:$0x3FAE] =	sst s1  }
0xa: {  	[smem:$0x3FAF] =	sst s2  }
0xb: {  	[smem:$0x3FB0] =	sst s3  }
0xc: {  	[smem:$0x3FB1] =	sst s4  }
0xd: {  	[smem:$0x3FB2] =	sst s5  }
0xe: {  	[smem:$0x3FB3] =	sst s6  }
0xf: {  	[smem:$0x3FB4] =	sst s7  }
0x10: {  	[smem:$0x3FB5] =	sst s8  }
0x11: {  	[smem:$0x3FB6] =	sst s9;
	s0 =	simm.s32 @!p0 $0x0  }
0x12: {  	s1 =	sld [smem:$0x3F9C];
	s0 =	simm.s32 @p0 $0x1  }
0x13: {  	[smem:$0x3FB7] =	sst s0;
	s0 =	simm.s32 @!p1 $0x0  }
0x14: {  	s2 =	sld [smem:$0x3F9B];
	s0 =	simm.s32 @p1 $0x1  }
0x15: {  	[smem:$0x3FB8] =	sst s0;
	s0 =	simm.s32 @!p2 $0x0  }
0x16: {  	s3 =	sld [smem:$0x3FDB];
	s0 =	simm.s32 @p2 $0x1  }
0x17: {  	s4 =	simm.s32 $0x1BF5;
	[smem:$0x3FBA] =	sst s0  }
0x18: {  	s0 =	sld [smem:$0x3F9D];
	_ =	swait.ge [sflag:s4], $0x0  }
0x19: {  	s7 =	sld [smem:$0x3F9E]  }
0x1a: {  	s8 =	sadd.s32 $0xFFFFE003, lr  }
0x1b: {  	s9 =	sadd.s32 $0xFFFFFEF7, lr;
	s5 =	simm.s32 $0xFFFFFFFF;
	p2 =	slt.u32 s8, $0xFFFFF086  }
0x1c: {  	p1 =	slt.u32 s9, $0xF7A;
	s5 =	simm.s32 @!p2 $0x0  }
0x1d: {  	s5 =	simm.s32 @p1 $0x1;
	p0 =	seq.s32 s7, s2  }
0x1e: {  	s7 =	smul.u32 @!p0 $0xF7A, s2;
	p2 =	seq.s32 @!p0 s5, $0x0  }
0x1f: {  	s9 =	smul.u32 $0xF7A, s1;
	s8 =	simm.s32 @!p0 $0x1BF5;
	p2 =	por !p2, p0  }
0x20: {  	[sflag:s8] =	ssyncset.s32 @!p0 $0xFFFFF086;
	s6 =	sadd.s32 @!p0 s3, s7;
	s7 =	simm.s32 @!p0 $0x108  }
0x21: {  	s3 =	sadd.s32 s3, s9;
	s6 =	sadd.s32 @!p0 $0x88, s6;
	s7 =	simm.s32 @p2 $0x1082  }
0x22: {  	[simem:s7], [sflag:s8] =	dma.local @!p0 [hbm:s6], $0xF7A  }
0x23: {  	s9 =	sor.u32 $0xD0000000, s2;
	s6 =	simm.s32 $0x108;
	_ =	swait.ge @!p0 [sflag:s8], $0x0  }
0x24: {  	s3 =	sadd.s32 $0x88, s3;
	s6 =	simm.s32 @!p1 $0x1082;
	[sflag:s4] =	ssyncset.s32 $0xFFFFF086  }
0x25: {  	[simem:s6], [sflag:s4] =	dma.local [hbm:s3], $0xF7A  }
0x26: {  	[smem:$0x3F9E] =	sst s1;
	(tag) =	ssettag s2;
	_ =	strace s9  }
0x27: {  	s1 =	sld [smem:$0x3FAE]  }
0x28: {  	s2 =	sld [smem:$0x3FAF]  }
0x29: {  	s4 =	sld [smem:$0x3FB1]  }
0x2a: {  	p0 =	seq.s32 s5, $0x0;
	s5 =	sld [smem:$0x3FB2]  }
0x2b: {  	s6 =	sld [smem:$0x3FB3]  }
0x2c: {  	s7 =	sld [smem:$0x3FB4]  }
0x2d: {  	s3 =	simm.s32 $0x108;
	s8 =	sld [smem:$0x3FB5]  }
0x2e: {  	s3 =	simm.s32 @!p0 $0x1082;
	s9 =	sld [smem:$0x3FB6]  }
0x2f: {  	lr =	sadd.s32 s0, s3;
	s0 =	sld [smem:$0x3FAD]  }
0x30: {  	s3 =	sld [smem:$0x3FB0]  }
0x31: {  	[smem:$0x3FB9] =	sst s10  }
0x32: {  	s10 =	sld [smem:$0x3FB7];
	_ =	sdelay $0x3  }
0x33: {  	p0 =	seq.s32 s10, $0x1;
	s10 =	sld [smem:$0x3FB9];
	_ =	sdelay $0x3  }
0x34: {  	[smem:$0x3FB9] =	sst s10  }
0x35: {  	s10 =	sld [smem:$0x3FB8];
	_ =	sdelay $0x3  }
0x36: {  	p1 =	seq.s32 s10, $0x1;
	s10 =	sld [smem:$0x3FB9];
	_ =	sdelay $0x3  }
0x37: {  	[smem:$0x3FB9] =	sst s10  }
0x38: {  	s10 =	sld [smem:$0x3FBA]  }
0x39: {  	_ = 	snop;
	(pc) =	sbr.ind lr, $3  }
0x3a: {  	_ = 	snop  }
0x3b: {  	_ = 	snop  }
0x3c: {  	p2 =	seq.s32 s10, $0x1;
	s10 =	sld [smem:$0x3FB9]  }
0x3d: {  	_ =	shalt  }
0x3e: {  	_ =	shalt  }
0x3f: {  	_ =	shalt  }
0x40: {  	_ =	shalt  }
0x41: {  	_ =	shalt  }
0x42: {  	_ =	shalt  }
0x43: {  	_ =	shalt  }
0x44: {  	_ =	shalt  }
0x45: {  	_ =	shalt  }
0x46: {  	_ =	shalt  }
0x47: {  	_ =	shalt  }
0x48: {  	_ =	shalt  }
0x49: {  	_ =	shalt  }
0x4a: {  	_ =	shalt  }
0x4b: {  	_ =	shalt  }
0x4c: {  	_ =	shalt  }
0x4d: {  	_ =	shalt  }
0x4e: {  	_ =	shalt  }
0x4f: {  	_ =	shalt  }
0x50: {  	_ =	shalt  }
0x51: {  	_ =	shalt  }
0x52: {  	_ =	shalt  }
0x53: {  	_ =	shalt  }
0x54: {  	_ =	shalt  }
0x55: {  	_ =	shalt  }
0x56: {  	_ =	shalt  }
0x57: {  	_ =	shalt  }
0x58: {  	_ =	shalt  }
0x59: {  	_ =	shalt  }
0x5a: {  	_ =	shalt  }
0x5b: {  	_ =	shalt  }
0x5c: {  	_ =	shalt  }
0x5d: {  	_ =	shalt  }
0x5e: {  	_ =	shalt  }
0x5f: {  	_ =	shalt  }
0x60: {  	_ =	shalt  }
0x61: {  	_ =	shalt  }
0x62: {  	_ =	shalt  }
0x63: {  	_ =	shalt  }
0x64: {  	_ =	shalt  }
0x65: {  	_ =	shalt  }
0x66: {  	_ =	shalt  }
0x67: {  	_ =	shalt  }
0x68: {  	_ =	shalt  }
0x69: {  	_ =	shalt  }
0x6a: {  	_ =	shalt  }
0x6b: {  	_ =	shalt  }
0x6c: {  	_ =	shalt  }
0x6d: {  	_ =	shalt  }
0x6e: {  	_ =	shalt  }
0x6f: {  	_ =	shalt  }
0x70: {  	_ =	shalt  }
0x71: {  	_ =	shalt  }
0x72: {  	_ =	shalt  }
0x73: {  	_ =	shalt  }
0x74: {  	_ =	shalt  }
0x75: {  	_ =	shalt  }
0x76: {  	_ =	shalt  }
0x77: {  	_ =	shalt  }
0x78: {  	_ =	shalt  }
0x79: {  	_ =	shalt  }
0x7a: {  	_ =	shalt  }
0x7b: {  	_ =	shalt  }
0x7c: {  	_ =	shalt  }
0x7d: {  	_ =	shalt  }
0x7e: {  	_ =	shalt  }
0x7f: {  	_ =	shalt  }
0x80: {  	_ =	shalt  }
0x81: {  	_ =	shalt  }
0x82: {  	_ =	shalt  }
0x83: {  	_ =	shalt  }
0x84: {  	_ =	shalt  }
0x85: {  	_ =	shalt  }
0x86: {  	_ =	shalt  }
0x87: {  	_ =	shalt  }
.Lfunc_end0:
.L_simem_size_0:
called_computation_lowered:
.L_overlay_start_0:
0x88: {  	s2 =	sld [smem:$0x3FD9]  }
0x89: {  	s3 =	sld [smem:$0x3FFE];
	_ =	sdelay $0x1  }
0x8a: {  	s1 =	srdreg.scid  }
0x8b: {  	s0 =	sand.u32 $0x1, s1  }
0x8c: {  	s17 =	sshll.u32 s0, $0xA;
	s2 =	sadd.s32 s3, s2  }
0x8d: {  	s2 =	sadd.s32 s2, s17  }
0x8e: {  	[smem:$0x3FC5] =	sst s2  }
0x8f: {  	_ = 	snop  }
0x90: {  	s2 =	sld [smem:$0x3FC8];
	(tm) =	ssettm $0x1  }
0x91: {  	s18 =	sld [smem:$0x3FFB];
	_ =	sdelay $0x3  }
0x92: {  	_ =	strace s18  }
0x93: {  	s3 =	sld [smem:$0x3FFC];
	_ =	sdelay $0x3  }
0x94: {  	_ =	strace s3  }
0x95: {  	s3 =	sld [smem:$0x3FFD];
	_ =	sdelay $0x3  }
0x96: {  	_ =	strace s3  }
0x97: {  	_ =	strace $0x8FFFFFFF  }
0x98: {  	s19 =	sld [smem:$0x3FDB];
	_ =	sdelay $0x1  }
0x99: {  	s4 =	simm.s32 $_scs_section_size  }
0x9a: {  	s5 =	simm.s32 $_size__tile_overlayer_lowered;
	s6 =	simm.s32 $_tile_overlayer_lowered  }
0x9b: {  	s22 =	simm.s32 $0x1BFF;
	s21 =	sshll.u32 s6, $0x1;
	s3 =	sadd.s32 s4, s19  }
0x9c: {  	s7 =	simm.s32 $0x0;
	s20 =	sshll.u32 s5, $0x1;
	s5 =	sadd.s32 s21, s3  }
0x9d: {  	[timem:s7], [sflag:s22] =	dma.local [hbm:s5], s20  }
0x9e: {  	_ =	swait.ge [sflag:s22], s20  }
0x9f: {  	s4 =	ssub.s32 $0x0, s20;
	[sflag:s22] =	ssyncset.done $0x0  }
0xa0: {  	[sflag:s22] =	ssyncadd.s32 s4;
	_ =	sdelay $0x1  }
0xa1: {  	s23 =	simm.s32 $0x1B8B  }
0xa2: {  	_ =	swait.ge [sflag:s23], $0x1  }
0xa3: {  	[sflag:s23] =	ssyncset.done $0x0  }
0xa4: {  	s25 =	simm.s32 $0x1B8E;
	s24 =	sld [smem:$0x3FFE];
	[sflag:s23] =	ssyncadd.s32 $0xFFFFFFFF  }
0xa5: {  	s26 =	simm.s32 $execute0_lowered;
	[smem:$0x3FD2] =	sst s25  }
0xa6: {  	s5 =	sshll.u32 s26, $0x1;
	_ =	strace $0x80000046;
	[dreg:$0x1] =	wrdreg $0xFFFFFFFF  }
0xa7: {  	s28 =	simm.s32 $_size_execute0_lowered;
	s3 =	sadd.s32 s3, s5;
	[dreg:$0x0] =	wrdreg $0x0  }
0xa8: {  	s5 =	sshll.u32 s28, $0x1;
	[dreg:$0x2] =	wrdreg s3  }
0xa9: {  	[dreg:$0x3] =	wrdreg s5  }
0xaa: {  	[dreg:$0x4] =	wrdreg $0xC0  }
0xab: {  	_ =	task [dreg:s7], $0x5FFFF  }
0xac: {  	[dreg:$0x1] =	wrdreg $0xFFFFFFFF  }
0xad: {  	[dreg:$0x0] =	wrdreg $0x60  }
0xae: {  	[dreg:$0x2] =	wrdreg s24  }
0xaf: {  	[dreg:$0x3] =	wrdreg s2  }
0xb0: {  	[dreg:$0x4] =	wrdreg $0x9  }
0xb1: {  	_ =	task.clear_ibuf [dreg:s7], $0x5FFFF;
	_ =	strace $0x90000046  }
0xb2: {  	s29 =	simm.s32 $0x9;
	_ =	strace $0x80000048  }
0xb3: {  	_ =	swait.ge [sflag:s29], $0x1  }
0xb4: {  	[sflag:s29] =	ssyncadd.s32 $0xFFFFFFFF  }
0xb5: {  	_ =	strace $0x90000048  }
0xb6: {  	_ =	sfence  }
0xb7: {  	s30 =	sld [smem:$0x0];
	_ =	sdelay $0x2  }
0xb8: {  	s31 =	sshll.u32 s1, $0xD;
	s1 =	sshrl.u32 s1, $0x2  }
0xb9: {  	s3 =	sand.u32 $0x4000, s31;
	s1 =	sadd.s32 s1, s30  }
0xba: {  	s0 =	sor.u32 s3, s0;
	s1 =	sshll.u32 s1, $0x11  }
0xbb: {  	s0 =	sor.u32 s1, s0  }
0xbc: {  	s0 =	sadd.s32 $0x8F2B, s0  }
0xbd: {  	[sflag:s0] =	ssyncadd.remote.s32 $0x1  }
0xbe: {  	_ =	sfence.sel $0xFFFF  }
0xbf: {  	[dreg:$0x0] =	wrdreg $0xFFFFFFFF;
	(pc) =	sbr.abs _section_cstart, $3  }
0xc0: {  	[dreg:$0x1] =	wrdreg $0xFFFFFFFF  }
0xc1: {  	_ =	task.clear_ibuf [dreg:s7], $0x2FFFF;
	_ =	strace $0x9FFFFFFF  }
0xc2: {  	(tm) =	ssettm $0x7FFFFFFF  }
0xc3: {  	_ =	shalt  }
tec
execute0_lowered:
.L_overlay_start_1:
0x0: {  	(tag) =	ssettag $0x1  }
0x1: {  	s3 =	rddreg [dreg:$0x0]  }
0x2: {  	s4 =	rddreg [dreg:$0x1]  }
0x3: {  	s0 =	rddreg [dreg:$0x2];
	s2 =	simm.s32 $0x0  }
0x4: {  	s5 =	srdreg.scid;
	[smem:$0x7FF] =	sst s2;
	s7 =	sadd.s32 $0x6000, s3  }
0x5: {  	s25 =	simm.s32 $0x100;
	_ =	strace $0x80000047;
	[dreg:$0x7] =	wrdreg s7  }
0x6: {  	s1 =	stileid.u32;
	s28 =	simm.s32 $0x20;
	[dreg:$0x4] =	wrdreg s25  }
0x7: {  	s29 =	simm.s32 $0x80;
	s30 =	simm.s32 $0x1100;
	[dreg:$0x9] =	wrdreg s28  }
0x8: {  	s5 =	sand.u32 $0x1, s5;
	s6 =	sshll.u32 s1, $0x1;
	[dreg:$0x8] =	wrdreg s29  }
0x9: {  	s31 =	simm.s32 $0x2100;
	s6 =	sor.u32 s5, s6;
	[dreg:$0x6] =	wrdreg s30  }
0xa: {  	s26 =	ssub.s32 $0x2, s5;
	[dreg:$0xb] =	wrdreg s31;
	s8 =	sshll.u32 s6, $0x9  }
0xb: {  	s23 =	sshll.u32 s6, $0x2;
	s6 =	sshll.u32 s6, $0x4;
	s5 =	sshrl.u32 s26, $0x1  }
0xc: {  	s8 =	sadd.s32 s8, s3;
	s4 =	sadd.s32 s4, s23;
	s3 =	sadd.s32 s6, s3  }
0xd: {  	[dreg:$0x3] =	wrdreg s4;
	s24 =	sadd.s32 $0x2000, s8;
	s3 =	sadd.s32 $0xC9600, s3  }
0xe: {  	s4 =	ssub.s32 s26, s5;
	s5 =	simm.s32 $0x1;
	[dreg:$0x5] =	wrdreg s24  }
0xf: {  	[dreg:$0xa] =	wrdreg s3;
	s3 =	smax.u32 s4, $0x1;
	s4 =	simm.s32 $0x2  }
.LBB2_1:
0x10: {  	s6 =	rddreg [dreg:$0x3]  }
0x11: {  	[tilespmem:s2], [sflag:$0x2] =	stream.linear.gather [hbm4b:s6+s2], $0x20, $0x38;
	[tilespmem:$0x2180] =	vst v63  }
0x12: {  	_ =	swait.ge [sflag:s4], $0x20  }
0x13: {  	s11 =	rddreg [dreg:$0x4];
	[sflag:s4] =	ssyncset.done $0x0  }
0x14: {  	s7 =	rddreg [dreg:$0x5];
	[sflag:s4] =	ssyncadd.s32 $0xFFFFFFE0  }
0x15: {  	[tilespmem:s11], [sflag:$0x2] =	stream.linear.gather [hbm4b:s7+s2], $0x1000, $0x38;
	[tilespmem:$0x2180] =	vst v63  }
0x16: {  	_ =	swait.ge [sflag:s4], $0x1000  }
0x17: {  	[sflag:s4] =	ssyncset.done $0x0  }
0x18: {  	[sflag:s4] =	ssyncadd.s32 $0xFFFFF000  }
0x19: {  	v0 =	vld [tilespmem:$0x0]  }
0x1a: {  	v1 =	vld [tilespmem:$0x10];
	_ =	sdelay $0x2  }
0x1b: {  	s12 =	rddreg [dreg:$0x6]  }
0x1c: {  	s13 =	rddreg [dreg:$0x7];
	v0 =	vshrl.u32 v0, $0x1  }
0x1d: {  	s8 =	rddreg [dreg:$0x8];
	v58 =	vshrl.u32 v1, $0x1;
	[tilespmem:$0x80] =	vst v0  }
0x1e: {  	s9 =	rddreg [dreg:$0x9];
	[tilespmem:$0x90] =	vst v58  }
0x1f: {  	[tilespmem:s12], [sflag:$0x1] =	stream.indirect.gather [hbm4b:s13+s9], $0x80, s8, s9, $0xb8;
	[tilespmem:$0x2180] =	vst v63  }
0x20: {  	_ =	swait.ge [sflag:s5], $0x1000  }
0x21: {  	[sflag:s5] =	ssyncset.done $0x0  }
0x22: {  	[sflag:s5] =	ssyncadd.s32 $0xFFFFF000  }
0x23: {  	v59 =	vld [tilespmem:$0x0]  }
0x24: {  	v6 =	vld [tilespmem:$0x100]  }
0x25: {  	v4 =	vld [tilespmem:$0x1100]  }
0x26: {  	v5 =	vld [tilespmem:$0x1140]  }
0x27: {  	v8 =	vld [tilespmem:$0x110]  }
0x28: {  	v7 =	vld [tilespmem:$0x1110]  }
0x29: {  	v9 =	vld [tilespmem:$0x1150]  }
0x2a: {  	v10 =	vld [tilespmem:$0x120]  }
0x2b: {  	v17 =	vld [tilespmem:$0x1120]  }
0x2c: {  	v18 =	vld [tilespmem:$0x1160]  }
0x2d: {  	v33 =	vld [tilespmem:$0x130]  }
0x2e: {  	v20 =	vld [tilespmem:$0x1130]  }
0x2f: {  	v27 =	vld [tilespmem:$0x1170]  }
0x30: {  	v34 =	vld [tilespmem:$0x180]  }
0x31: {  	v28 =	vld [tilespmem:$0x1180]  }
0x32: {  	v35 =	vld [tilespmem:$0x11C0]  }
0x33: {  	v39 =	vld [tilespmem:$0x190]  }
0x34: {  	v36 =	vld [tilespmem:$0x1190]  }
0x35: {  	v40 =	vld [tilespmem:$0x11D0]  }
0x36: {  	v41 =	vld [tilespmem:$0x1A0]  }
0x37: {  	v43 =	vld [tilespmem:$0x11A0]  }
0x38: {  	v45 =	vld [tilespmem:$0x11E0]  }
0x39: {  	v46 =	vld [tilespmem:$0x1B0]  }
0x3a: {  	v48 =	vld [tilespmem:$0x11B0]  }
0x3b: {  	v11 =	vld [tilespmem:$0x11F0]  }
0x3c: {  	v22 =	vld [tilespmem:$0x200]  }
0x3d: {  	v13 =	vld [tilespmem:$0x1200]  }
0x3e: {  	v12 =	vld [tilespmem:$0x1240]  }
0x3f: {  	v23 =	vld [tilespmem:$0x210]  }
0x40: {  	v15 =	vld [tilespmem:$0x1210]  }
0x41: {  	v14 =	vld [tilespmem:$0x1250]  }
0x42: {  	v25 =	vld [tilespmem:$0x220]  }
0x43: {  	v19 =	vld [tilespmem:$0x1220]  }
0x44: {  	v16 =	vld [tilespmem:$0x1260]  }
0x45: {  	v49 =	vld [tilespmem:$0x230]  }
0x46: {  	v47 =	vld [tilespmem:$0x1230]  }
0x47: {  	v21 =	vld [tilespmem:$0x1270]  }
0x48: {  	v29 =	vld [tilespmem:$0x280]  }
0x49: {  	v51 =	vld [tilespmem:$0x1280]  }
0x4a: {  	v24 =	vld [tilespmem:$0x12C0]  }
0x4b: {  	v30 =	vld [tilespmem:$0x290]  }
0x4c: {  	v52 =	vld [tilespmem:$0x1290]  }
0x4d: {  	v26 =	vld [tilespmem:$0x380]  }
0x4e: {  	v63 =	vld [tilespmem:$0x12D0]  }
0x4f: {  	v31 =	vld [tilespmem:$0x2A0]  }
0x50: {  	v53 =	vld [tilespmem:$0x12A0]  }
0x51: {  	v54 =	vld [tilespmem:$0x12E0];
	v1 =	vand.u32 $0x1, v59  }
0x52: {  	[tilespmem:$0x1FF80] =	vst v26;
	v26 =	vld [tilespmem:$0x390];
	v3 =	vcvt.s32.f32 v1  }
0x53: {  	v32 =	vld [tilespmem:$0x2B0]  }
0x54: {  	v60 =	vld [tilespmem:$0x12F0];
	(v2sf) =	vpush v3, $0x0  }
0x55: {  	v37 =	vld [tilespmem:$0x300]  }
0x56: {  	v57 =	vld [tilespmem:$0x1300]  }
0x57: {  	[tilespmem:$0x1FF90] =	vst v26;
	v26 =	vld [tilespmem:$0x1390]  }
0x58: {  	v61 =	vld [tilespmem:$0x1340]  }
0x59: {  	v42 =	vld [tilespmem:$0x310]  }
0x5a: {  	v58 =	vld [tilespmem:$0x1310]  }
0x5b: {  	v62 =	vld [tilespmem:$0x1350]  }
0x5c: {  	[tilespmem:$0x1FF60] =	vst v26;
	v26 =	vld [tilespmem:$0x13D0]  }
0x5d: {  	v44 =	vld [tilespmem:$0x320];
	(v2sf) =	vpush v3, $0x1  }
0x5e: {  	v55 =	vld [tilespmem:$0x1320]  }
0x5f: {  	v50 =	vld [tilespmem:$0x330]  }
0x60: {  	v38 =	vld [tilespmem:$0x1380]  }
0x61: {  	[tilespmem:$0x1FF70] =	vst v26;
	v26 =	vld [tilespmem:$0x3A0]  }
0x62: {  	v56 =	vld [tilespmem:$0x1360]  }
0x63: {  	v59 =	vld [tilespmem:$0x12B0];
	[tilespmem:$0x1FF30] =	vst v44;
	s14 =	spop (v2sf)  }
0x64: {  	[tilespmem:$0x1FF50] =	vst v50;
	v44 =	vld [tilespmem:$0x1330];
	v0 =	vbroadcast v3, $0x0;
	s6 =	ssub.f32 $1.000000000e+00, s14  }
0x65: {  	v50 =	vld [tilespmem:$0x1370];
	[tilespmem:$0x1FF40] =	vst v38  }
0x66: {  	v38 =	vld [tilespmem:$0x13C0];
	v1 =	vmul.f32 v0, v5;
	[tilespmem:$0x1FFA0] =	vst v26;
	v26 =	vmul.f32 s6, v4  }
0x67: {  	v5 =	vld [tilespmem:$0x13E0]  }
0x68: {  	v9 =	vmul.f32 v9, v0;
	v4 =	vld [tilespmem:$0x13A0];
	v2 =	vadd.f32 v26, v1;
	v1 =	vmul.f32 s6, v7  }
0x69: {  	v26 =	vld [tilespmem:$0x3B0]  }
0x6a: {  	v1 =	vadd.f32 v9, v1;
	v9 =	vld [tilespmem:$0x400]  }
0x6b: {  	(v2sf) =	vpush v3, $0x2;
	v7 =	vld [tilespmem:$0x13F0];
	v2 =	vmul.f32 v2, v6  }
0x6c: {  	s15 =	spop (v2sf);
	v6 =	vmul.f32 s6, v17;
	v17 =	vld [tilespmem:$0x1400]  }
0x6d: {  	s16 =	ssub.f32 $1.000000000e+00, s15;
	v8 =	vmul.f32 v1, v8;
	v1 =	vmul.f32 v27, v0;
	v2 =	vadd.f32 $0.0e+00, v2;
	v27 =	vld [tilespmem:$0x410]  }
0x6e: {  	[tilespmem:$0x1FFB0] =	vst v26;
	v26 =	vld [tilespmem:$0x13B0]  }
0x6f: {  	v2 =	vadd.f32 v2, v8;
	v8 =	vmul.f32 s16, v28;
	v28 =	vld [tilespmem:$0x1420];
	[tilespmem:$0x1FFC0] =	vst v9;
	v9 =	vmul.f32 v18, v0  }
0x70: {  	v18 =	vld [tilespmem:$0x1440]  }
0x71: {  	v0 =	vbroadcast v3, $0x1;
	v6 =	vadd.f32 v9, v6;
	v9 =	vmul.f32 s6, v20;
	v20 =	vld [tilespmem:$0x1410]  }
0x72: {  	[tilespmem:$0x1FFD0] =	vst v27;
	v27 =	vld [tilespmem:$0x1450]  }
0x73: {  	v1 =	vadd.f32 v1, v9;
	v9 =	vmul.f32 v35, v0;
	v35 =	vld [tilespmem:$0x420]  }
0x74: {  	v6 =	vmul.f32 v6, v10;
	v10 =	vld [tilespmem:$0x4A0]  }
0x75: {  	(v2sf) =	vpush v3, $0x3;
	v1 =	vmul.f32 v1, v33;
	v33 =	vld [tilespmem:$0x1460]  }
0x76: {  	v2 =	vadd.f32 v6, v2;
	v6 =	vadd.f32 v9, v8;
	v8 =	vmul.f32 s16, v36;
	v36 =	vld [tilespmem:$0x430]  }
0x77: {  	v40 =	vmul.f32 v40, v0;
	v9 =	vld [tilespmem:$0x490]  }
0x78: {  	v1 =	vadd.f32 v1, v2;
	v2 =	vmul.f32 v6, v34;
	v34 =	vld [tilespmem:$0x1430]  }
0x79: {  	v8 =	vadd.f32 v40, v8;
	v40 =	vmul.f32 s16, v43;
	v43 =	vmul.f32 v45, v0;
	v6 =	vld [tilespmem:$0x480]  }
0x7a: {  	s17 =	spop (v2sf);
	v0 =	vmul.f32 v11, v0;
	v45 =	vmul.f32 s16, v48;
	[tilespmem:$0x1FFE0] =	vst v35;
	v35 =	vld [tilespmem:$0x1480]  }
0x7b: {  	s18 =	ssub.f32 $1.000000000e+00, s17;
	v1 =	vadd.f32 v2, v1;
	v2 =	vmul.f32 v8, v39;
	v8 =	vadd.f32 v43, v40;
	v40 =	vld [tilespmem:$0x14C0]  }
0x7c: {  	v11 =	vbroadcast v3, $0x2;
	v39 =	vld [tilespmem:$0x1490]  }
0x7d: {  	v13 =	vmul.f32 s18, v13;
	v0 =	vadd.f32 v0, v45;
	v43 =	vld [tilespmem:$0x14A0]  }
0x7e: {  	v45 =	vmul.f32 v12, v11;
	v12 =	vld [tilespmem:$0x4B0];
	v1 =	vadd.f32 v2, v1;
	v48 =	vmul.f32 v8, v41  }
0x7f: {  	[tilespmem:$0x1FFF0] =	vst v36;
	v36 =	vld [tilespmem:$0x1470]  }
0x80: {  	v41 =	vld [tilespmem:$0x14D0];
	v0 =	vmul.f32 v0, v46;
	v46 =	vadd.f32 v45, v13;
	v1 =	vadd.f32 v48, v1  }
0x81: {  	(v2sf) =	vpush v3, $0x4;
	v8 =	vmul.f32 s18, v15;
	v45 =	vld [tilespmem:$0x14E0];
	v48 =	vmul.f32 v14, v11  }
0x82: {  	v13 =	vld [tilespmem:$0x500];
	v0 =	vadd.f32 v0, v1;
	v1 =	vmul.f32 v46, v22  }
0x83: {  	v15 =	vld [tilespmem:$0x510];
	v22 =	vadd.f32 v48, v8;
	v48 =	vmul.f32 s18, v19;
	v19 =	vmul.f32 v16, v11  }
0x84: {  	v2 =	vld [tilespmem:$0x630];
	v16 =	vmul.f32 v21, v11;
	v0 =	vadd.f32 v1, v0  }
0x85: {  	s19 =	spop (v2sf);
	v46 =	vld [tilespmem:$0x14B0];
	v22 =	vmul.f32 v22, v23;
	v23 =	vadd.f32 v19, v48;
	v19 =	vmul.f32 s18, v47  }
0x86: {  	s20 =	ssub.f32 $1.000000000e+00, s19;
	v48 =	vld [tilespmem:$0x14F0]  }
0x87: {  	v14 =	vbroadcast v3, $0x3;
	v47 =	vld [tilespmem:$0x1500];
	v0 =	vadd.f32 v22, v0;
	v22 =	vadd.f32 v16, v19  }
0x88: {  	v21 =	vmul.f32 v23, v25;
	v23 =	vmul.f32 s20, v51;
	v51 =	vld [tilespmem:$0x1540]  }
0x89: {  	v25 =	vmul.f32 v24, v14;
	v16 =	vmul.f32 v22, v49;
	v49 =	vld [tilespmem:$0x1510]  }
0x8a: {  	v0 =	vadd.f32 v21, v0;
	v21 =	vmul.f32 s20, v52;
	v52 =	vld [tilespmem:$0x1550]  }
0x8b: {  	v19 =	vadd.f32 v25, v23;
	v25 =	vmul.f32 s20, v53;
	v53 =	vld [tilespmem:$0x1520]  }
0x8c: {  	v22 =	vmul.f32 v63, v14;
	v0 =	vadd.f32 v16, v0;
	v16 =	vld [tilespmem:$0x520]  }
0x8d: {  	v23 =	vmul.f32 v19, v29;
	v29 =	vmul.f32 v54, v14;
	v54 =	vld [tilespmem:$0x1560]  }
0x8e: {  	v24 =	vadd.f32 v22, v21;
	v21 =	vld [tilespmem:$0x530]  }
0x8f: {  	(v2sf) =	vpush v3, $0x5;
	v19 =	vmul.f32 v60, v14;
	v14 =	vbroadcast v3, $0x4;
	v60 =	vld [tilespmem:$0x1570]  }
0x90: {  	s21 =	spop (v2sf);
	v0 =	vadd.f32 v23, v0;
	v30 =	vmul.f32 v24, v30;
	v24 =	vmul.f32 s20, v59;
	v59 =	vld [tilespmem:$0x1530]  }
0x91: {  	s22 =	ssub.f32 $1.000000000e+00, s21;
	v63 =	vadd.f32 v29, v25;
	v29 =	vld [tilespmem:$0x580]  }
0x92: {  	v22 =	vmul.f32 v61, v14;
	v61 =	vld [tilespmem:$0x15C0];
	v0 =	vadd.f32 v30, v0  }
0x93: {  	v25 =	vmul.f32 v63, v31;
	v63 =	vadd.f32 v19, v24;
	v19 =	vmul.f32 s22, v57;
	v57 =	vld [tilespmem:$0x1580]  }
0x94: {  	v30 =	vld [tilespmem:$0x5A0]  }
0x95: {  	v0 =	vadd.f32 v25, v0;
	v23 =	vmul.f32 v63, v32;
	v24 =	vadd.f32 v22, v19;
	v32 =	vld [tilespmem:$0x590]  }
0x96: {  	v25 =	vmul.f32 s22, v58;
	v63 =	vmul.f32 v62, v14;
	v58 =	vld [tilespmem:$0x1590]  }
0x97: {  	v0 =	vadd.f32 v23, v0;
	v19 =	vmul.f32 v24, v37;
	v23 =	vmul.f32 s22, v55;
	v55 =	vld [tilespmem:$0x15D0]  }
0x98: {  	v37 =	vmul.f32 v50, v14;
	v50 =	vmul.f32 s22, v44;
	v44 =	vld [tilespmem:$0x15E0]  }
0x99: {  	v22 =	vadd.f32 v63, v25;
	v24 =	vmul.f32 v56, v14;
	v56 =	vld [tilespmem:$0x1FF30]  }
0x9a: {  	(v2sf) =	vpush v3, $0x6;
	v63 =	vld [tilespmem:$0x1FF40]  }
0x9b: {  	v25 =	vmul.f32 v22, v42;
	v42 =	vld [tilespmem:$0x15A0]  }
0x9c: {  	v22 =	vld [tilespmem:$0x5B0]  }
0x9d: {  	v62 =	vadd.f32 v37, v50;
	v37 =	vld [tilespmem:$0x15F0]  }
0x9e: {  	s23 =	spop (v2sf);
	v0 =	vadd.f32 v19, v0;
	v31 =	vadd.f32 v24, v23;
	v19 =	vbroadcast v3, $0x5;
	v23 =	vld [tilespmem:$0x1FF50]  }
0x9f: {  	s24 =	ssub.f32 $1.000000000e+00, s23;
	v50 =	vld [tilespmem:$0x1FF80]  }
0xa0: {  	v0 =	vadd.f32 v25, v0;
	v14 =	vmul.f32 v38, v19;
	v25 =	vld [tilespmem:$0x1FF60]  }
0xa1: {  	v1 =	vmul.f32 v31, v56;
	v8 =	vmul.f32 s24, v63;
	v31 =	vld [tilespmem:$0x1FF70]  }
0xa2: {  	v38 =	vld [tilespmem:$0x15B0]  }
0xa3: {  	v24 =	vadd.f32 v14, v8;
	v14 =	vld [tilespmem:$0x600]  }
0xa4: {  	v0 =	vadd.f32 v1, v0;
	v1 =	vmul.f32 v62, v23;
	v23 =	vld [tilespmem:$0x1600]  }
0xa5: {  	v62 =	vld [tilespmem:$0x1FF90];
	v8 =	vmul.f32 s24, v25  }
0xa6: {  	v0 =	vadd.f32 v1, v0;
	v1 =	vmul.f32 v24, v50;
	v24 =	vld [tilespmem:$0x1610];
	v11 =	vmul.f32 v31, v19  }
0xa7: {  	v25 =	vld [tilespmem:$0x1650]  }
0xa8: {  	(v2sf) =	vpush v3, $0x7;
	v31 =	vld [tilespmem:$0x1640];
	v56 =	vadd.f32 v11, v8  }
0xa9: {  	v4 =	vmul.f32 s24, v4;
	s25 =	spop (v2sf);
	v11 =	vld [tilespmem:$0x610]  }
0xaa: {  	s6 =	ssub.f32 $1.000000000e+00, s25;
	v5 =	vmul.f32 v5, v19;
	v0 =	vadd.f32 v1, v0;
	v1 =	vmul.f32 v56, v62;
	v62 =	vld [tilespmem:$0x1FFA0]  }
0xab: {  	v8 =	vld [tilespmem:$0x620];
	v56 =	vmul.f32 v7, v19;
	v7 =	vbroadcast v3, $0x6  }
0xac: {  	v28 =	vmul.f32 s6, v28;
	v50 =	vmul.f32 s24, v26;
	v19 =	vld [tilespmem:$0x1620]  }
0xad: {  	v63 =	vadd.f32 v5, v4;
	v26 =	vmul.f32 v18, v7;
	v18 =	vld [tilespmem:$0x1660];
	v33 =	vmul.f32 v33, v7  }
0xae: {  	v4 =	vadd.f32 v56, v50;
	v50 =	vld [tilespmem:$0x1FFB0]  }
0xaf: {  	v0 =	vadd.f32 v1, v0;
	v33 =	vadd.f32 v33, v28;
	v28 =	vld [tilespmem:$0x1690];
	v1 =	vmul.f32 v63, v62  }
0xb0: {  	v63 =	vmul.f32 s6, v17;
	v62 =	vmul.f32 s6, v20;
	v20 =	vld [tilespmem:$0x1670]  }
0xb1: {  	v17 =	vld [tilespmem:$0x1680]  }
0xb2: {  	v56 =	vadd.f32 v26, v63;
	v63 =	vmul.f32 v27, v7;
	v27 =	vld [tilespmem:$0x1FFC0]  }
0xb3: {  	v0 =	vadd.f32 v1, v0;
	v1 =	vmul.f32 v4, v50;
	v50 =	vld [tilespmem:$0x1FFD0]  }
0xb4: {  	(v2sf) =	vpush v3, $0x8;
	v34 =	vmul.f32 s6, v34;
	v26 =	vld [tilespmem:$0x1630];
	v7 =	vmul.f32 v36, v7  }
0xb5: {  	v1 =	vadd.f32 v1, v0;
	v0 =	vld [tilespmem:$0x680]  }
0xb6: {  	v5 =	vadd.f32 v63, v62;
	v7 =	vadd.f32 v7, v34;
	v34 =	vld [tilespmem:$0x16A0]  }
0xb7: {  	s26 =	spop (v2sf);
	v63 =	vld [tilespmem:$0x1FFF0];
	v4 =	vmul.f32 v56, v27  }
0xb8: {  	s6 =	ssub.f32 $1.000000000e+00, s26;
	v5 =	vmul.f32 v5, v50;
	v50 =	vbroadcast v3, $0x7;
	v56 =	vld [tilespmem:$0x1FFE0]  }
0xb9: {  	(v2sf) =	vpush v3, $0x9;
	v27 =	vld [tilespmem:$0x16C0];
	v4 =	vadd.f32 v4, v1  }
0xba: {  	v35 =	vmul.f32 s6, v35;
	v1 =	vld [tilespmem:$0x690];
	v40 =	vmul.f32 v40, v50  }
0xbb: {  	v5 =	vadd.f32 v5, v4;
	v4 =	vld [tilespmem:$0x6A0]  }
0xbc: {  	v39 =	vmul.f32 s6, v39;
	v41 =	vmul.f32 v41, v50;
	v40 =	vadd.f32 v40, v35;
	v35 =	vld [tilespmem:$0x16E0]  }
0xbd: {  	v62 =	vmul.f32 v33, v56;
	v33 =	vld [tilespmem:$0x16D0]  }
0xbe: {  	v39 =	vadd.f32 v41, v39;
	v56 =	vmul.f32 s6, v43;
	v43 =	vld [tilespmem:$0x1740]  }
0xbf: {  	v6 =	vmul.f32 v40, v6;
	v40 =	vld [tilespmem:$0x16F0]  }
0xc0: {  	v9 =	vmul.f32 v39, v9;
	v39 =	vld [tilespmem:$0x1700]  }
0xc1: {  	v36 =	vadd.f32 v62, v5;
	v5 =	vld [tilespmem:$0x6B0]  }
0xc2: {  	v7 =	vmul.f32 v7, v63;
	v62 =	vmul.f32 v45, v50;
	v45 =	vld [tilespmem:$0x1750]  }
0xc3: {  	s28 =	spop (v2sf);
	v63 =	vmul.f32 s6, v46;
	v50 =	vmul.f32 v48, v50;
	v48 =	vld [tilespmem:$0x1730]  }
0xc4: {  	s6 =	ssub.f32 $1.000000000e+00, s28;
	v7 =	vadd.f32 v7, v36;
	v36 =	vld [tilespmem:$0x16B0]  }
0xc5: {  	v41 =	vadd.f32 v62, v56;
	v56 =	vbroadcast v3, $0x8;
	v46 =	vadd.f32 v50, v63;
	v50 =	vld [tilespmem:$0x1770]  }
0xc6: {  	v47 =	vmul.f32 s6, v47;
	v7 =	vadd.f32 v6, v7;
	v6 =	vld [tilespmem:$0x700]  }
0xc7: {  	(v2sf) =	vpush v3, $0xA;
	v10 =	vmul.f32 v41, v10;
	v62 =	vmul.f32 v51, v56;
	v41 =	vld [tilespmem:$0x1710]  }
0xc8: {  	s29 =	spop (v2sf);
	(v2sf) =	vpush v3, $0xB;
	v63 =	vmul.f32 s6, v49;
	v12 =	vmul.f32 v46, v12;
	v46 =	vld [tilespmem:$0x1720]  }
0xc9: {  	v51 =	vld [tilespmem:$0x1790];
	v9 =	vadd.f32 v9, v7;
	v47 =	vadd.f32 v62, v47;
	v62 =	vmul.f32 v52, v56  }
0xca: {  	v7 =	vld [tilespmem:$0x710]  }
0xcb: {  	v54 =	vmul.f32 v54, v56;
	v52 =	vld [tilespmem:$0x17C0];
	v10 =	vadd.f32 v10, v9;
	v49 =	vadd.f32 v62, v63  }
0xcc: {  	v9 =	vld [tilespmem:$0x720];
	v13 =	vmul.f32 v47, v13;
	v63 =	vmul.f32 s6, v53  }
0xcd: {  	v47 =	vld [tilespmem:$0x1760];
	v62 =	vmul.f32 s6, v59;
	s6 =	ssub.f32 $1.000000000e+00, s29;
	v12 =	vadd.f32 v12, v10;
	v15 =	vmul.f32 v49, v15  }
0xce: {  	v53 =	vld [tilespmem:$0x17D0];
	v49 =	vadd.f32 v54, v63;
	v63 =	vmul.f32 v60, v56;
	v54 =	vbroadcast v3, $0x9  }
0xcf: {  	v10 =	vld [tilespmem:$0x730];
	v60 =	vmul.f32 s6, v57;
	v38 =	vmul.f32 s6, v38  }
0xd0: {  	v13 =	vadd.f32 v13, v12;
	v12 =	vld [tilespmem:$0x780];
	v56 =	vmul.f32 v49, v16;
	v61 =	vmul.f32 v61, v54  }
0xd1: {  	v49 =	vld [tilespmem:$0x1780];
	v59 =	vadd.f32 v63, v62;
	v63 =	vmul.f32 s6, v58;
	v55 =	vmul.f32 v55, v54  }
0xd2: {  	v37 =	vmul.f32 v37, v54;
	v13 =	vadd.f32 v15, v13;
	v15 =	vld [tilespmem:$0x790];
	v62 =	vadd.f32 v61, v60  }
0xd3: {  	v16 =	vmul.f32 v59, v21;
	v55 =	vadd.f32 v55, v63;
	v60 =	vmul.f32 s6, v42;
	v42 =	vld [tilespmem:$0x17E0]  }
0xd4: {  	v61 =	vbroadcast v3, $0xA;
	v21 =	vmul.f32 v62, v29;
	v29 =	vld [tilespmem:$0x17A0]  }
0xd5: {  	v37 =	vadd.f32 v37, v38;
	v55 =	vmul.f32 v55, v32;
	v32 =	vld [tilespmem:$0x17B0]  }
0xd6: {  	s30 =	spop (v2sf);
	v62 =	vmul.f32 v31, v61;
	v31 =	vld [tilespmem:$0x1800]  }
0xd7: {  	(v2sf) =	vpush v3, $0xC;
	v44 =	vmul.f32 v44, v54;
	s6 =	ssub.f32 $1.000000000e+00, s30;
	v63 =	vmul.f32 v37, v22;
	v37 =	vld [tilespmem:$0x1840]  }
0xd8: {  	s31 =	spop (v2sf);
	(v2sf) =	vpush v3, $0xD;
	v13 =	vadd.f32 v56, v13;
	v22 =	vld [tilespmem:$0x810]  }
0xd9: {  	v44 =	vadd.f32 v44, v60;
	v23 =	vmul.f32 s6, v23;
	v57 =	vmul.f32 v18, v61;
	v18 =	vld [tilespmem:$0x1850]  }
0xda: {  	v24 =	vmul.f32 s6, v24;
	v19 =	vmul.f32 s6, v19;
	v16 =	vadd.f32 v16, v13;
	v13 =	vld [tilespmem:$0x7A0]  }
0xdb: {  	v60 =	vbroadcast v3, $0xB;
	v44 =	vmul.f32 v44, v30;
	v30 =	vld [tilespmem:$0x17F0]  }
0xdc: {  	v25 =	vmul.f32 v25, v61;
	v59 =	vmul.f32 s6, v26;
	s6 =	ssub.f32 $1.000000000e+00, s31;
	v58 =	vadd.f32 v57, v19;
	v19 =	vld [tilespmem:$0x1820]  }
0xdd: {  	v20 =	vmul.f32 v20, v61;
	v61 =	vmul.f32 v27, v60;
	v27 =	vld [tilespmem:$0x1830]  }
0xde: {  	v57 =	vmul.f32 s6, v36;
	v36 =	vld [tilespmem:$0x18E0]  }
0xdf: {  	v26 =	vmul.f32 v40, v60;
	v40 =	vld [tilespmem:$0x18F0]  }
0xe0: {  	v23 =	vadd.f32 v62, v23;
	v62 =	vmul.f32 s6, v28;
	v28 =	vld [tilespmem:$0x1920]  }
0xe1: {  	v24 =	vadd.f32 v25, v24;
	v21 =	vadd.f32 v21, v16;
	v16 =	vld [tilespmem:$0x7B0]  }
0xe2: {  	v20 =	vadd.f32 v20, v59;
	v14 =	vmul.f32 v23, v14;
	v23 =	vld [tilespmem:$0x1810]  }
0xe3: {  	v11 =	vmul.f32 v24, v11;
	v24 =	vmul.f32 v58, v8;
	v8 =	vld [tilespmem:$0x830]  }
0xe4: {  	v20 =	vmul.f32 v20, v2;
	v2 =	vld [tilespmem:$0x880];
	v55 =	vadd.f32 v55, v21  }
0xe5: {  	v58 =	vadd.f32 v26, v57;
	v26 =	vld [tilespmem:$0x18B0]  }
0xe6: {  	v21 =	vld [tilespmem:$0x800];
	v44 =	vadd.f32 v44, v55  }
0xe7: {  	s7 =	spop (v2sf);
	v55 =	vmul.f32 s6, v34;
	v34 =	vld [tilespmem:$0x18D0]  }
0xe8: {  	(v2sf) =	vpush v3, $0xE;
	v17 =	vmul.f32 s6, v17;
	s6 =	ssub.f32 $1.000000000e+00, s7;
	v56 =	vadd.f32 v63, v44;
	v44 =	vld [tilespmem:$0x1860]  }
0xe9: {  	s8 =	spop (v2sf);
	(v2sf) =	vpush v3, $0xF;
	v63 =	vmul.f32 v33, v60;
	v33 =	vld [tilespmem:$0x1880]  }
0xea: {  	v17 =	vadd.f32 v61, v17;
	v59 =	vmul.f32 s6, v39;
	v39 =	vld [tilespmem:$0x1940]  }
0xeb: {  	v38 =	vadd.f32 v14, v56;
	v14 =	vld [tilespmem:$0x820]  }
0xec: {  	v0 =	vmul.f32 v17, v0;
	v54 =	vadd.f32 v63, v62;
	v62 =	vmul.f32 s6, v41;
	v41 =	vld [tilespmem:$0x10]  }
0xed: {  	v56 =	vmul.f32 v35, v60;
	v35 =	vbroadcast v3, $0xC;
	v11 =	vadd.f32 v11, v38;
	v38 =	vld [tilespmem:$0x18C0]  }
0xee: {  	v5 =	vmul.f32 v58, v5;
	v17 =	vmul.f32 v54, v1;
	v1 =	vld [tilespmem:$0x8A0]  }
0xef: {  	v58 =	vmul.f32 s6, v48;
	v60 =	vmul.f32 v43, v35;
	v43 =	vld [tilespmem:$0x1900]  }
0xf0: {  	v25 =	vadd.f32 v56, v55;
	v63 =	vmul.f32 v45, v35;
	v54 =	vmul.f32 s6, v46;
	v46 =	vld [tilespmem:$0x1910]  }
0xf1: {  	v55 =	vmul.f32 v47, v35;
	v35 =	vmul.f32 v50, v35;
	v47 =	vld [tilespmem:$0x1950]  }
0xf2: {  	s6 =	ssub.f32 $1.000000000e+00, s8;
	v11 =	vadd.f32 v24, v11;
	v24 =	vld [tilespmem:$0x1870];
	v4 =	vmul.f32 v25, v4;
	v61 =	vadd.f32 v60, v59  }
0xf3: {  	v25 =	vld [tilespmem:$0x18A0];
	v45 =	vadd.f32 v63, v62;
	v57 =	vadd.f32 v55, v54;
	v59 =	vbroadcast v3, $0xD  }
0xf4: {  	v60 =	vadd.f32 v35, v58;
	v29 =	vmul.f32 s6, v29;
	v58 =	vmul.f32 s6, v32;
	v32 =	vld [tilespmem:$0x1980]  }
0xf5: {  	v35 =	vld [tilespmem:$0x19C0];
	v6 =	vmul.f32 v61, v6;
	v56 =	vmul.f32 v45, v7  }
0xf6: {  	v20 =	vadd.f32 v20, v11;
	v11 =	vld [tilespmem:$0x890];
	v7 =	vmul.f32 v57, v9;
	v61 =	vmul.f32 s6, v49  }
0xf7: {  	s9 =	spop (v2sf);
	v62 =	vmul.f32 v52, v59;
	v9 =	vmul.f32 v60, v10;
	v49 =	vld [tilespmem:$0x1960]  }
0xf8: {  	s10 =	ssub.f32 $1.000000000e+00, s9;
	s11 =	spop (v2sf);
	v52 =	vmul.f32 s6, v51;
	v53 =	vmul.f32 v53, v59;
	v0 =	vadd.f32 v0, v20;
	v20 =	vld [tilespmem:$0x1890]  }
0xf9: {  	v60 =	vbroadcast v3, $0xE;
	s6 =	ssub.f32 $1.000000000e+00, s11;
	v63 =	vadd.f32 v62, v61;
	v62 =	vand.u32 $0x1, v41;
	v41 =	vld [tilespmem:$0x990]  }
0xfa: {  	v3 =	vbroadcast v3, $0xF;
	v61 =	vmul.f32 s10, v31;
	v31 =	vld [tilespmem:$0x1990]  }
0xfb: {  	v48 =	vmul.f32 s6, v33;
	v33 =	vld [tilespmem:$0x1A50];
	v0 =	vadd.f32 v17, v0  }
0xfc: {  	v55 =	vadd.f32 v53, v52;
	v52 =	vmul.f32 v34, v3;
	v34 =	vld [tilespmem:$0x1A30]  }
0xfd: {  	v50 =	vmul.f32 v38, v3;
	v38 =	vld [tilespmem:$0x1AD0];
	v0 =	vadd.f32 v4, v0  }
0xfe: {  	v23 =	vmul.f32 s10, v23;
	v37 =	vmul.f32 v37, v60;
	v17 =	vld [tilespmem:$0x910]  }
0xff: {  	v18 =	vmul.f32 v18, v60;
	v54 =	vmul.f32 v63, v12;
	v12 =	vld [tilespmem:$0x1930];
	v0 =	vadd.f32 v5, v0  }
0x100: {  	v10 =	vmul.f32 v55, v15;
	v15 =	vadd.f32 v37, v61;
	v37 =	vld [tilespmem:$0x19A0]  }
0x101: {  	v18 =	vadd.f32 v18, v23;
	v23 =	vld [tilespmem:$0x9B0];
	v0 =	vadd.f32 v6, v0  }
0x102: {  	v63 =	vmul.f32 v44, v60;
	v44 =	vmul.f32 s10, v27;
	v27 =	vld [tilespmem:$0xA00]  }
0x103: {  	v55 =	vmul.f32 v36, v3;
	v36 =	vld [tilespmem:$0xA80];
	v0 =	vadd.f32 v56, v0  }
0x104: {  	v4 =	vld [tilespmem:$0x8B0]  }
0x105: {  	v24 =	vmul.f32 v24, v60;
	v18 =	vmul.f32 v18, v22;
	v22 =	vld [tilespmem:$0x19F0];
	v0 =	vadd.f32 v7, v0  }
0x106: {  	v19 =	vmul.f32 s10, v19;
	v51 =	vadd.f32 v50, v48;
	v15 =	vmul.f32 v15, v21;
	v21 =	vld [tilespmem:$0x1A10]  }
0x107: {  	v45 =	vadd.f32 v24, v44;
	v24 =	vld [tilespmem:$0xA30];
	v0 =	vadd.f32 v9, v0  }
0x108: {  	v19 =	vadd.f32 v63, v19;
	v2 =	vmul.f32 v51, v2;
	v51 =	vld [tilespmem:$0x1AB0];
	v20 =	vmul.f32 s6, v20  }
0x109: {  	v5 =	vld [tilespmem:$0x900];
	v56 =	vmul.f32 v42, v59;
	v0 =	vadd.f32 v54, v0  }
0x10a: {  	v14 =	vmul.f32 v19, v14;
	v19 =	vld [tilespmem:$0x1AC0];
	v53 =	vadd.f32 v52, v20;
	v59 =	vmul.f32 v30, v59  }
0x10b: {  	v20 =	vld [tilespmem:$0x1AA0];
	v57 =	vadd.f32 v56, v29;
	v10 =	vadd.f32 v10, v0;
	v0 =	vcvt.s32.f32 v62  }
0x10c: {  	v6 =	vld [tilespmem:$0x920]  }
0x10d: {  	v42 =	vld [tilespmem:$0x1970];
	v29 =	vadd.f32 v59, v58;
	v13 =	vmul.f32 v57, v13;
	(v2sf) =	vpush v0, $0x0  }
0x10e: {  	v30 =	vld [tilespmem:$0x1A40]  }
0x10f: {  	v7 =	vld [tilespmem:$0x930];
	v16 =	vmul.f32 v29, v16;
	v10 =	vadd.f32 v13, v10  }
0x110: {  	v3 =	vmul.f32 v40, v3;
	v9 =	vld [tilespmem:$0x980];
	v57 =	vmul.f32 s6, v26;
	(v2sf) =	vpush v0, $0x1  }
0x111: {  	v29 =	vld [tilespmem:$0x9A0];
	v10 =	vadd.f32 v16, v10  }
0x112: {  	v54 =	vmul.f32 s6, v25;
	v25 =	vld [tilespmem:$0x1A20];
	v3 =	vadd.f32 v3, v57  }
0x113: {  	v57 =	vld [tilespmem:$0x1B50];
	v10 =	vadd.f32 v15, v10  }
0x114: {  	v3 =	vmul.f32 v3, v4;
	v4 =	vld [tilespmem:$0x1A90];
	v58 =	vbroadcast v0, $0x0  }
0x115: {  	v13 =	vld [tilespmem:$0x19D0];
	v10 =	vadd.f32 v18, v10  }
0x116: {  	v8 =	vmul.f32 v45, v8;
	v16 =	vld [tilespmem:$0x19E0];
	v60 =	vmul.f32 v58, v39  }
0x117: {  	v63 =	vmul.f32 v47, v58;
	v39 =	vld [tilespmem:$0xA90];
	v47 =	vbroadcast v0, $0x1;
	v10 =	vadd.f32 v14, v10  }
0x118: {  	v11 =	vmul.f32 v53, v11;
	v26 =	vmul.f32 v42, v58;
	v15 =	vld [tilespmem:$0x19B0]  }
0x119: {  	v42 =	vbroadcast v0, $0x3;
	v50 =	vmul.f32 v35, v47;
	v35 =	vld [tilespmem:$0xB20];
	v8 =	vadd.f32 v8, v10  }
0x11a: {  	v56 =	vadd.f32 v55, v54;
	v22 =	vmul.f32 v22, v47;
	v13 =	vmul.f32 v13, v47;
	v18 =	vld [tilespmem:$0x1A00]  }
0x11b: {  	v16 =	vmul.f32 v16, v47;
	v47 =	vmul.f32 v38, v42;
	v38 =	vld [tilespmem:$0xC80];
	v2 =	vadd.f32 v2, v8  }
0x11c: {  	v14 =	vld [tilespmem:$0xA10];
	s12 =	spop (v2sf)  }
0x11d: {  	v1 =	vmul.f32 v56, v1;
	v10 =	vld [tilespmem:$0xA20];
	v2 =	vadd.f32 v11, v2;
	s6 =	ssub.f32 $1.000000000e+00, s12  }
0x11e: {  	v8 =	vld [tilespmem:$0x1A60]  }
0x11f: {  	v11 =	vld [tilespmem:$0x1A70];
	v1 =	vadd.f32 v1, v2;
	s13 =	spop (v2sf);
	v59 =	vmul.f32 s6, v43;
	v62 =	vmul.f32 s6, v46  }
0x120: {  	v2 =	vld [tilespmem:$0x1A80];
	v44 =	vmul.f32 s6, v28;
	v12 =	vmul.f32 s6, v12;
	s6 =	ssub.f32 $1.000000000e+00, s13  }
0x121: {  	v1 =	vadd.f32 v3, v1;
	v3 =	vld [tilespmem:$0xAA0]  }
0x122: {  	v53 =	vmul.f32 s6, v31;
	v31 =	vld [tilespmem:$0x1B00]  }
0x123: {  	v45 =	vmul.f32 v49, v58;
	v58 =	vbroadcast v0, $0x2;
	v12 =	vadd.f32 v26, v12;
	v26 =	vld [tilespmem:$0xB10]  }
0x124: {  	v43 =	vadd.f32 v63, v62;
	v62 =	vld [tilespmem:$0x1B30]  }
0x125: {  	v61 =	vadd.f32 v59, v60;
	v60 =	vmul.f32 v30, v58;
	v30 =	vld [tilespmem:$0x1B70]  }
0x126: {  	v46 =	vadd.f32 v45, v44;
	v44 =	vld [tilespmem:$0x1BD0]  }
0x127: {  	v45 =	vmul.f32 v19, v42;
	v19 =	vld [tilespmem:$0xBA0]  }
0x128: {  	v48 =	vmul.f32 v46, v6;
	v6 =	vld [tilespmem:$0xAB0]  }
0x129: {  	(v2sf) =	vpush v0, $0x2;
	v40 =	vmul.f32 v61, v5;
	v5 =	vmul.f32 v43, v17;
	v17 =	vld [tilespmem:$0xB00]  }
0x12a: {  	v61 =	vld [tilespmem:$0x1B60]  }
0x12b: {  	v49 =	vmul.f32 s6, v32;
	v43 =	vld [tilespmem:$0x1B90]  }
0x12c: {  	v56 =	vmul.f32 s6, v37;
	v46 =	vld [tilespmem:$0x1BE0]  }
0x12d: {  	v15 =	vmul.f32 s6, v15;
	v52 =	vadd.f32 v50, v49;
	v55 =	vadd.f32 v13, v53;
	v50 =	vld [tilespmem:$0x1BF0]  }
0x12e: {  	v13 =	vadd.f32 v16, v56;
	v1 =	vadd.f32 v40, v1;
	v40 =	vld [tilespmem:$0x1AE0]  }
0x12f: {  	v15 =	vadd.f32 v22, v15;
	v54 =	vmul.f32 v52, v9;
	v9 =	vld [tilespmem:$0x1B40]  }
0x130: {  	(v2sf) =	vpush v0, $0x3;
	v59 =	vmul.f32 v13, v29;
	v13 =	vld [tilespmem:$0x1B20]  }
0x131: {  	v53 =	vbroadcast v0, $0x4;
	v15 =	vmul.f32 v15, v23;
	v23 =	vld [tilespmem:$0xB90]  }
0x132: {  	v52 =	vld [tilespmem:$0x1C00]  }
0x133: {  	v16 =	vmul.f32 v57, v53;
	v57 =	vld [tilespmem:$0x1C20]  }
0x134: {  	v1 =	vadd.f32 v1, v5;
	v5 =	vld [tilespmem:$0x1AF0]  }
0x135: {  	v29 =	vld [tilespmem:$0x1E60]  }
0x136: {  	v7 =	vmul.f32 v12, v7;
	v1 =	vadd.f32 v48, v1;
	v48 =	vld [tilespmem:$0x1BB0]  }
0x137: {  	v49 =	vmul.f32 v40, v42;
	v40 =	vld [tilespmem:$0x1C80]  }
0x138: {  	v1 =	vadd.f32 v7, v1;
	v7 =	vld [tilespmem:$0x1B10];
	s14 =	spop (v2sf)  }
0x139: {  	s6 =	ssub.f32 $1.000000000e+00, s14;
	v5 =	vmul.f32 v5, v42;
	v42 =	vld [tilespmem:$0x1C90]  }
0x13a: {  	v63 =	vmul.f32 v33, v58;
	v1 =	vadd.f32 v54, v1;
	v54 =	vld [tilespmem:$0x1C40]  }
0x13b: {  	v12 =	vmul.f32 v55, v41;
	v37 =	vmul.f32 s6, v25;
	v25 =	vld [tilespmem:$0x1B80]  }
0x13c: {  	v18 =	vmul.f32 s6, v18;
	v41 =	vmul.f32 s6, v34;
	v34 =	vld [tilespmem:$0x1D70]  }
0x13d: {  	(v2sf) =	vpush v0, $0x4;
	v21 =	vmul.f32 s6, v21;
	v1 =	vadd.f32 v12, v1;
	v12 =	vld [tilespmem:$0xB30]  }
0x13e: {  	v11 =	vmul.f32 v11, v58;
	v18 =	vadd.f32 v60, v18;
	v60 =	vmul.f32 v61, v53;
	v61 =	vld [tilespmem:$0x1C30]  }
0x13f: {  	s15 =	spop (v2sf);
	v21 =	vadd.f32 v63, v21;
	v63 =	vld [tilespmem:$0x1C70]  }
0x140: {  	(v2sf) =	vpush v0, $0x5;
	s6 =	ssub.f32 $1.000000000e+00, s15;
	v11 =	vadd.f32 v11, v41;
	v41 =	vld [tilespmem:$0x1CC0]  }
0x141: {  	v8 =	vmul.f32 v8, v58;
	v1 =	vadd.f32 v59, v1;
	v59 =	vld [tilespmem:$0x1C60]  }
0x142: {  	v4 =	vmul.f32 s6, v4;
	v33 =	vmul.f32 v18, v27;
	v18 =	vld [tilespmem:$0xB80]  }
0x143: {  	v8 =	vadd.f32 v8, v37;
	v37 =	vbroadcast v0, $0x5;
	v11 =	vmul.f32 v11, v24;
	v24 =	vld [tilespmem:$0xBB0]  }
0x144: {  	v51 =	vmul.f32 s6, v51;
	v14 =	vmul.f32 v21, v14;
	v21 =	vld [tilespmem:$0x1C10];
	v1 =	vadd.f32 v15, v1  }
0x145: {  	v8 =	vmul.f32 v8, v10;
	v10 =	vmul.f32 v44, v37;
	v44 =	vld [tilespmem:$0x1CD0]  }
0x146: {  	v2 =	vmul.f32 s6, v2;
	v4 =	vadd.f32 v47, v4;
	v47 =	vld [tilespmem:$0x1CE0];
	v1 =	vadd.f32 v33, v1  }
0x147: {  	v20 =	vmul.f32 s6, v20;
	v5 =	vadd.f32 v5, v51;
	v51 =	vld [tilespmem:$0x1CF0]  }
0x148: {  	v2 =	vadd.f32 v45, v2;
	v27 =	vld [tilespmem:$0x1E20];
	v1 =	vadd.f32 v14, v1  }
0x149: {  	v20 =	vadd.f32 v49, v20;
	v49 =	vbroadcast v0, $0x6;
	v15 =	vld [tilespmem:$0x1BC0]  }
0x14a: {  	v2 =	vmul.f32 v2, v36;
	v36 =	vmul.f32 v30, v53;
	v30 =	vld [tilespmem:$0xD00];
	v1 =	vadd.f32 v8, v1  }
0x14b: {  	v9 =	vmul.f32 v9, v53;
	v53 =	vmul.f32 v54, v49;
	v54 =	vld [tilespmem:$0x1D00]  }
0x14c: {  	v33 =	vld [tilespmem:$0x1D30];
	s16 =	spop (v2sf);
	v1 =	vadd.f32 v11, v1  }
0x14d: {  	v14 =	vmul.f32 v46, v37;
	v46 =	vld [tilespmem:$0x1CA0];
	s6 =	ssub.f32 $1.000000000e+00, s16  }
0x14e: {  	v4 =	vmul.f32 v4, v39;
	v8 =	vld [tilespmem:$0x1BA0];
	v1 =	vadd.f32 v2, v1  }
0x14f: {  	s17 =	spop (v2sf);
	v2 =	vld [tilespmem:$0xC00];
	v55 =	vmul.f32 s6, v31;
	v7 =	vmul.f32 s6, v7  }
0x150: {  	v13 =	vmul.f32 s6, v13;
	v62 =	vmul.f32 s6, v62;
	s6 =	ssub.f32 $1.000000000e+00, s17;
	v1 =	vadd.f32 v4, v1;
	v4 =	vld [tilespmem:$0xC10]  }
0x151: {  	v56 =	vadd.f32 v9, v55;
	v9 =	vld [tilespmem:$0xC20]  }
0x152: {  	(v2sf) =	vpush v0, $0x6;
	v11 =	vmul.f32 s6, v48;
	v48 =	vmul.f32 v50, v37;
	v50 =	vld [tilespmem:$0x1CB0]  }
0x153: {  	v55 =	vld [tilespmem:$0x1D40]  }
0x154: {  	v3 =	vmul.f32 v20, v3;
	v13 =	vadd.f32 v60, v13;
	v60 =	vld [tilespmem:$0x1D20]  }
0x155: {  	v15 =	vmul.f32 v15, v37;
	(v2sf) =	vpush v0, $0x7;
	v37 =	vld [tilespmem:$0x1D80]  }
0x156: {  	v8 =	vmul.f32 s6, v8;
	v1 =	vadd.f32 v3, v1;
	v3 =	vld [tilespmem:$0x1C50]  }
0x157: {  	v58 =	vmul.f32 v56, v17;
	v17 =	vld [tilespmem:$0xC30]  }
0x158: {  	v5 =	vmul.f32 v5, v6;
	v8 =	vadd.f32 v14, v8;
	v14 =	vld [tilespmem:$0xCB0]  }
0x159: {  	v7 =	vadd.f32 v16, v7;
	v16 =	vadd.f32 v36, v62;
	v62 =	vbroadcast v0, $0x7;
	v56 =	vld [tilespmem:$0x1D10]  }
0x15a: {  	v39 =	vmul.f32 v13, v35;
	v35 =	vld [tilespmem:$0xD80];
	v1 =	vadd.f32 v5, v1  }
0x15b: {  	v25 =	vmul.f32 s6, v25;
	v32 =	vmul.f32 v41, v62;
	v41 =	vld [tilespmem:$0xD90]  }
0x15c: {  	v7 =	vmul.f32 v7, v26;
	v36 =	vmul.f32 v44, v62;
	v44 =	vld [tilespmem:$0x1DD0];
	v1 =	vadd.f32 v58, v1  }
0x15d: {  	v43 =	vmul.f32 s6, v43;
	v15 =	vadd.f32 v15, v25;
	v11 =	vadd.f32 v48, v11;
	v48 =	vld [tilespmem:$0x1DA0]  }
0x15e: {  	v26 =	vld [tilespmem:$0x1F20];
	v1 =	vadd.f32 v7, v1  }
0x15f: {  	v10 =	vadd.f32 v10, v43;
	v45 =	vmul.f32 v15, v18;
	v15 =	vld [tilespmem:$0xCA0]  }
0x160: {  	v12 =	vmul.f32 v16, v12;
	v11 =	vmul.f32 v11, v24;
	v24 =	vld [tilespmem:$0xD10];
	v1 =	vadd.f32 v39, v1  }
0x161: {  	v10 =	vmul.f32 v10, v23;
	v23 =	vld [tilespmem:$0x1F50];
	s18 =	spop (v2sf)  }
0x162: {  	v18 =	vld [tilespmem:$0x1010];
	s6 =	ssub.f32 $1.000000000e+00, s18;
	v1 =	vadd.f32 v12, v1  }
0x163: {  	v8 =	vmul.f32 v8, v19;
	v58 =	vld [tilespmem:$0x1D50];
	(v2sf) =	vpush v0, $0x8  }
0x164: {  	v7 =	vld [tilespmem:$0xC90];
	s19 =	spop (v2sf);
	v52 =	vmul.f32 s6, v52;
	v21 =	vmul.f32 s6, v21;
	v1 =	vadd.f32 v45, v1  }
0x165: {  	v39 =	vld [tilespmem:$0x1DC0];
	v57 =	vmul.f32 s6, v57;
	v5 =	vmul.f32 s6, v61;
	s6 =	ssub.f32 $1.000000000e+00, s19  }
0x166: {  	v3 =	vmul.f32 v3, v49;
	v61 =	vmul.f32 v63, v49;
	v63 =	vld [tilespmem:$0x1D60];
	v1 =	vadd.f32 v10, v1  }
0x167: {  	(v2sf) =	vpush v0, $0x9;
	v19 =	vadd.f32 v53, v52;
	v16 =	vmul.f32 s6, v42;
	v42 =	vld [tilespmem:$0x1D90]  }
0x168: {  	v31 =	vmul.f32 s6, v40;
	v40 =	vmul.f32 s6, v46;
	v46 =	vld [tilespmem:$0xDA0];
	v1 =	vadd.f32 v8, v1  }
0x169: {  	v6 =	vmul.f32 v59, v49;
	v43 =	vmul.f32 s6, v50;
	v50 =	vld [tilespmem:$0x1DE0]  }
0x16a: {  	v3 =	vadd.f32 v3, v21;
	v52 =	vld [tilespmem:$0x1DB0];
	v2 =	vmul.f32 v19, v2;
	v1 =	vadd.f32 v11, v1  }
0x16b: {  	v45 =	vbroadcast v0, $0x8;
	v59 =	vadd.f32 v6, v57;
	v57 =	vld [tilespmem:$0x1E00]  }
0x16c: {  	v10 =	vmul.f32 v51, v62;
	v51 =	vld [tilespmem:$0xDB0];
	v3 =	vmul.f32 v3, v4;
	v1 =	vadd.f32 v2, v1  }
0x16d: {  	v5 =	vadd.f32 v61, v5;
	v49 =	vmul.f32 v55, v45;
	v55 =	vld [tilespmem:$0xE00]  }
0x16e: {  	v53 =	vmul.f32 v58, v45;
	v58 =	vld [tilespmem:$0x1E40];
	v25 =	vmul.f32 v59, v9;
	v1 =	vadd.f32 v3, v1  }
0x16f: {  	v12 =	vmul.f32 v47, v62;
	v62 =	vld [tilespmem:$0x1E10]  }
0x170: {  	v4 =	vld [tilespmem:$0xD30];
	v5 =	vmul.f32 v5, v17;
	v9 =	vadd.f32 v32, v31;
	v1 =	vadd.f32 v25, v1  }
0x171: {  	v61 =	vbroadcast v0, $0x9;
	v31 =	vld [tilespmem:$0xE30]  }
0x172: {  	v16 =	vadd.f32 v36, v16;
	v36 =	vld [tilespmem:$0x1E70];
	v38 =	vmul.f32 v9, v38;
	v1 =	vadd.f32 v5, v1  }
0x173: {  	v12 =	vadd.f32 v12, v40;
	v10 =	vadd.f32 v10, v43;
	v9 =	vmul.f32 v39, v61;
	v39 =	vld [tilespmem:$0x1E80];
	s20 =	spop (v2sf)  }
0x174: {  	v7 =	vmul.f32 v16, v7;
	v2 =	vld [tilespmem:$0xD20];
	(v2sf) =	vpush v0, $0xA;
	s6 =	ssub.f32 $1.000000000e+00, s20;
	v1 =	vadd.f32 v38, v1  }
0x175: {  	v47 =	vmul.f32 v12, v15;
	v10 =	vmul.f32 v10, v14;
	v25 =	vld [tilespmem:$0xE20]  }
0x176: {  	v8 =	vmul.f32 s6, v54;
	v11 =	vmul.f32 s6, v56;
	v54 =	vld [tilespmem:$0x1DF0];
	v1 =	vadd.f32 v7, v1  }
0x177: {  	s21 =	spop (v2sf);
	v6 =	vmul.f32 s6, v60;
	v56 =	vmul.f32 v63, v45;
	v60 =	vld [tilespmem:$0xE10]  }
0x178: {  	v59 =	vmul.f32 s6, v33;
	s6 =	ssub.f32 $1.000000000e+00, s21;
	v63 =	vld [tilespmem:$0x1E50];
	v8 =	vadd.f32 v49, v8;
	v1 =	vadd.f32 v47, v1  }
0x179: {  	v3 =	vmul.f32 v34, v45;
	v33 =	vld [tilespmem:$0x1E30];
	v11 =	vadd.f32 v53, v11  }
0x17a: {  	v5 =	vmul.f32 s6, v42;
	v42 =	vld [tilespmem:$0x1EC0];
	v8 =	vmul.f32 v8, v30;
	v1 =	vadd.f32 v10, v1  }
0x17b: {  	(v2sf) =	vpush v0, $0xB;
	v6 =	vadd.f32 v56, v6;
	v34 =	vmul.f32 s6, v48;
	v48 =	vld [tilespmem:$0xEA0]  }
0x17c: {  	v38 =	vmul.f32 s6, v52;
	v52 =	vld [tilespmem:$0x1EE0];
	v11 =	vmul.f32 v11, v24;
	v1 =	vadd.f32 v8, v1  }
0x17d: {  	v53 =	vld [tilespmem:$0xEB0];
	v24 =	vmul.f32 s6, v37  }
0x17e: {  	v3 =	vadd.f32 v3, v59;
	v2 =	vmul.f32 v6, v2;
	v37 =	vld [tilespmem:$0xE80];
	v1 =	vadd.f32 v11, v1  }
0x17f: {  	v30 =	vmul.f32 v44, v61;
	v44 =	vld [tilespmem:$0xE90];
	v28 =	vadd.f32 v9, v24  }
0x180: {  	v3 =	vmul.f32 v3, v4;
	v40 =	vmul.f32 v54, v61;
	v54 =	vld [tilespmem:$0x1EB0];
	v1 =	vadd.f32 v2, v1  }
0x181: {  	v5 =	vadd.f32 v30, v5;
	v47 =	vld [tilespmem:$0x1ED0];
	v32 =	vmul.f32 v28, v35;
	v35 =	vmul.f32 v50, v61  }
0x182: {  	v24 =	vld [tilespmem:$0xF20];
	v12 =	vadd.f32 v40, v38;
	v1 =	vadd.f32 v3, v1  }
0x183: {  	v30 =	vld [tilespmem:$0x1F30];
	v5 =	vmul.f32 v5, v41;
	v41 =	vbroadcast v0, $0xA;
	v11 =	vadd.f32 v35, v34;
	s22 =	spop (v2sf)  }
0x184: {  	v56 =	vbroadcast v0, $0xB;
	v40 =	vld [tilespmem:$0xF90];
	(v2sf) =	vpush v0, $0xC;
	s6 =	ssub.f32 $1.000000000e+00, s22;
	v1 =	vadd.f32 v32, v1  }
0x185: {  	v50 =	vld [tilespmem:$0x1EA0];
	v7 =	vmul.f32 v12, v51;
	v8 =	vmul.f32 v58, v41  }
0x186: {  	v61 =	vld [tilespmem:$0x1F40];
	v43 =	vmul.f32 v11, v46;
	v45 =	vmul.f32 s6, v57;
	v1 =	vadd.f32 v5, v1  }
0x187: {  	v28 =	vld [tilespmem:$0xF30];
	v6 =	vmul.f32 v63, v41;
	v9 =	vmul.f32 v29, v41  }
0x188: {  	v58 =	vld [tilespmem:$0x1F00];
	v49 =	vmul.f32 s6, v62;
	v8 =	vadd.f32 v8, v45;
	v1 =	vadd.f32 v43, v1  }
0x189: {  	v13 =	vmul.f32 v36, v41;
	v63 =	vld [tilespmem:$0x1F10];
	v2 =	vmul.f32 s6, v27  }
0x18a: {  	s23 =	spop (v2sf);
	v46 =	vld [tilespmem:$0x1E90];
	v6 =	vadd.f32 v6, v49;
	v51 =	vmul.f32 v8, v55;
	v1 =	vadd.f32 v7, v1  }
0x18b: {  	v29 =	vbroadcast v0, $0xC;
	v34 =	vld [tilespmem:$0xF80];
	(v2sf) =	vpush v0, $0xD;
	v4 =	vmul.f32 s6, v33;
	s6 =	ssub.f32 $1.000000000e+00, s23  }
0x18c: {  	v35 =	vld [tilespmem:$0x1F80];
	v2 =	vadd.f32 v9, v2;
	v6 =	vmul.f32 v6, v60;
	v1 =	vadd.f32 v51, v1  }
0x18d: {  	v57 =	vld [tilespmem:$0xF00];
	v33 =	vmul.f32 v61, v29;
	v4 =	vadd.f32 v13, v4;
	v59 =	vmul.f32 s6, v39  }
0x18e: {  	v62 =	vld [tilespmem:$0xF10];
	v2 =	vmul.f32 v2, v25;
	v60 =	vmul.f32 v42, v56;
	v1 =	vadd.f32 v6, v1  }
0x18f: {  	v55 =	vld [tilespmem:$0x1EF0];
	v21 =	vmul.f32 s6, v46;
	v5 =	vmul.f32 v47, v56  }
0x190: {  	v27 =	vld [tilespmem:$0x1F60];
	v4 =	vmul.f32 v4, v31;
	v13 =	vadd.f32 v60, v59;
	v1 =	vadd.f32 v2, v1  }
0x191: {  	v61 =	vld [tilespmem:$0x2040];
	v25 =	vmul.f32 s6, v50;
	v8 =	vmul.f32 v52, v56;
	v5 =	vadd.f32 v5, v21  }
0x192: {  	v45 =	vld [tilespmem:$0xFA0];
	v3 =	vmul.f32 v13, v37;
	v1 =	vadd.f32 v4, v1  }
0x193: {  	v49 =	vld [tilespmem:$0x1FE0];
	v8 =	vadd.f32 v8, v25;
	v5 =	vmul.f32 v5, v44;
	v7 =	vmul.f32 s6, v54;
	s24 =	spop (v2sf)  }
0x194: {  	v32 =	vld [tilespmem:$0x1F70];
	v9 =	vmul.f32 v55, v56;
	(v2sf) =	vpush v0, $0xE;
	s6 =	ssub.f32 $1.000000000e+00, s24;
	v1 =	vadd.f32 v3, v1  }
0x195: {  	v39 =	vmul.f32 v23, v29;
	v23 =	vld [tilespmem:$0x2050];
	v31 =	vmul.f32 v8, v48  }
0x196: {  	v42 =	vld [tilespmem:$0x1F90];
	v7 =	vadd.f32 v9, v7;
	v6 =	vmul.f32 s6, v58;
	v1 =	vadd.f32 v5, v1  }
0x197: {  	v47 =	vld [tilespmem:$0x1FA0];
	v38 =	vmul.f32 s6, v63  }
0x198: {  	v37 =	vld [tilespmem:$0x1FC0];
	v36 =	vmul.f32 v7, v53;
	v6 =	vadd.f32 v33, v6;
	v1 =	vadd.f32 v31, v1  }
0x199: {  	v60 =	vld [tilespmem:$0x2000];
	v8 =	vmul.f32 v32, v29;
	v43 =	vmul.f32 s6, v26;
	v9 =	vadd.f32 v39, v38  }
0x19a: {  	v44 =	vld [tilespmem:$0x1FD0];
	v41 =	vmul.f32 v6, v57;
	v3 =	vmul.f32 v27, v29;
	v1 =	vadd.f32 v36, v1  }
0x19b: {  	v25 =	vld [tilespmem:$0x1020];
	v48 =	vbroadcast v0, $0xD;
	s25 =	spop (v2sf);
	(v2sf) =	vpush v0, $0xF;
	v46 =	vmul.f32 s6, v30  }
0x19c: {  	v21 =	vld [tilespmem:$0x2010];
	s6 =	ssub.f32 $1.000000000e+00, s25;
	v2 =	vmul.f32 v9, v62;
	v3 =	vadd.f32 v3, v43;
	v1 =	vadd.f32 v41, v1  }
0x19d: {  	v54 =	vld [tilespmem:$0x1FB0];
	v20 =	vmul.f32 v49, v48;
	v7 =	vmul.f32 v37, v48;
	v52 =	vadd.f32 v8, v46  }
0x19e: {  	v55 =	vld [tilespmem:$0x1FF0];
	v53 =	vmul.f32 s6, v35;
	v50 =	vmul.f32 v3, v24;
	v1 =	vadd.f32 v2, v1  }
0x19f: {  	v49 =	vld [tilespmem:$0x1090];
	v59 =	vmul.f32 v44, v48;
	v56 =	vmul.f32 v52, v28  }
0x1a0: {  	v51 =	vld [tilespmem:$0xFB0];
	v57 =	vadd.f32 v7, v53;
	v6 =	vmul.f32 s6, v42;
	v1 =	vadd.f32 v50, v1  }
0x1a1: {  	v58 =	vld [tilespmem:$0x1000];
	v26 =	vbroadcast v0, $0xE;
	v19 =	vmul.f32 s6, v47  }
0x1a2: {  	v30 =	vld [tilespmem:$0x2060];
	v62 =	vmul.f32 v57, v34;
	v63 =	vadd.f32 v59, v6;
	v1 =	vadd.f32 v56, v1  }
0x1a3: {  	v33 =	vld [tilespmem:$0x1030];
	v9 =	vmul.f32 s6, v54;
	v24 =	vmul.f32 v55, v48;
	s26 =	spop (v2sf)  }
0x1a4: {  	v8 =	vadd.f32 v20, v19;
	v27 =	vld [tilespmem:$0x2020];
	v22 =	vmul.f32 v63, v40;
	s28 =	ssub.f32 $1.000000000e+00, s26;
	v1 =	vadd.f32 v62, v1  }
0x1a5: {  	v0 =	vbroadcast v0, $0xF;
	v32 =	vmul.f32 v61, v26;
	v35 =	vld [tilespmem:$0x2030];
	v29 =	vadd.f32 v24, v9  }
0x1a6: {  	v38 =	vld [tilespmem:$0x2070];
	v28 =	vmul.f32 v8, v45;
	v31 =	vmul.f32 s28, v60;
	v1 =	vadd.f32 v22, v1  }
0x1a7: {  	v4 =	vmul.f32 v23, v26;
	v53 =	vld [tilespmem:$0x20E0];
	v34 =	vmul.f32 v29, v51  }
0x1a8: {  	v43 =	vld [tilespmem:$0x20C0];
	v37 =	vmul.f32 s28, v21;
	v36 =	vadd.f32 v32, v31;
	v1 =	vadd.f32 v28, v1  }
0x1a9: {  	v8 =	vmul.f32 v30, v26;
	v41 =	vld [tilespmem:$0x2080];
	v42 =	vmul.f32 s28, v27  }
0x1aa: {  	v48 =	vld [tilespmem:$0x20D0];
	v4 =	vadd.f32 v4, v37;
	v40 =	vmul.f32 v36, v58;
	v1 =	vadd.f32 v34, v1  }
0x1ab: {  	v45 =	vld [tilespmem:$0x2090];
	v47 =	vmul.f32 v38, v26;
	s29 =	spop (v2sf);
	v3 =	vmul.f32 s28, v35  }
0x1ac: {  	v51 =	vld [tilespmem:$0x20A0];
	s6 =	ssub.f32 $1.000000000e+00, s29;
	v46 =	vadd.f32 v8, v42;
	v44 =	vmul.f32 v4, v18;
	v1 =	vadd.f32 v40, v1  }
0x1ad: {  	v39 =	vld [tilespmem:$0x1080];
	v52 =	vmul.f32 v43, v0;
	v3 =	vadd.f32 v47, v3  }
0x1ae: {  	v57 =	vld [tilespmem:$0x20F0];
	v5 =	vmul.f32 s6, v41;
	v50 =	vmul.f32 v46, v25;
	v1 =	vadd.f32 v44, v1  }
0x1af: {  	v55 =	vld [tilespmem:$0x20B0];
	v56 =	vmul.f32 v48, v0;
	v54 =	vmul.f32 v3, v33  }
0x1b0: {  	v5 =	vadd.f32 v52, v5;
	v4 =	vmul.f32 s6, v45;
	v1 =	vadd.f32 v50, v1  }
0x1b1: {  	v59 =	vld [tilespmem:$0x10A0];
	v60 =	vmul.f32 v53, v0;
	v6 =	vmul.f32 s6, v51  }
0x1b2: {  	v58 =	vmul.f32 v5, v39;
	v4 =	vadd.f32 v56, v4;
	v1 =	vadd.f32 v54, v1  }
0x1b3: {  	v0 =	vmul.f32 v57, v0;
	v6 =	vadd.f32 v60, v6;
	v62 =	vld [tilespmem:$0x10B0]  }
0x1b4: {  	v3 =	vmul.f32 s6, v55;
	v61 =	vmul.f32 v4, v49;
	v1 =	vadd.f32 v58, v1;
	_ =	sdelay $0x1  }
0x1b5: {  	v63 =	vmul.f32 v6, v59;
	v0 =	vadd.f32 v0, v3;
	v1 =	vadd.f32 v61, v1;
	_ =	sdelay $0x1  }
0x1b6: {  	v0 =	vmul.f32 v0, v62;
	v1 =	vadd.f32 v63, v1;
	_ =	sdelay $0x1  }
0x1b7: {  	v0 =	vadd.f32 v0, v1  }
0x1b8: {  	p0 =	sne.s32 s3, $0x1;
	s30 =	rddreg [dreg:$0xa]  }
.Ltmp0:
0x1b9: {  	s31 =	rddreg [dreg:$0xb];
	[tilespmem:$0x2100] =	vst v0;
	(pc) =	sbr.rel @p0 .LBB2_1-.Ltmp0, $4  }
0x1ba: {  	[hbm4b:s30+s2] =	stream.linear.scatter [tilespmem:s31], [sflag:$0x2], $0x80, $0x38;
	[tilespmem:$0x2180] =	vst v63  }
0x1bb: {  	_ =	swait.ge [sflag:s4], $0x80  }
0x1bc: {  	[sflag:s4] =	ssyncset.done $0x0  }
0x1bd: {  	s3 =	sadd.s32 $0xFFFFFFFF, s3;
	[sflag:s4] =	ssyncadd.s32 $0xFFFFFF80  }
0x1be: {  	_ =	sfence.sel $0x180000  }
0x1bf: {  	[bflag:$0x0] =	sbarrier.arrive $0xFFFF  }
0x1c0: {  	p0 =	sne.s32 s1, $0x0;
	_ =	strace $0x90000047  }
0x1c1: {  	s0 =	sadd.s32 @!p0 $0x100000, s0;
	[bflag:$0x2] =	sbarrier.arrive $0xFFFF  }
0x1c2: {  	[sflag:s0] =	ssyncadd.tile.s32 @!p0 $0x1;
	_ =	shalt  }
.Lfunc_end2:
_tile_overlayer_lowered:
.L_overlay_start_2:
0x1c3: {  	(tag) =	ssettag $0x2  }
0x1c4: {  	s0 =	rddreg [dreg:$0x0];
	s2 =	stileid.u32  }
0x1c5: {  	s1 =	rddreg [dreg:$0x1];
	p0 =	sne.s32 s2, $0x0  }
0x1c6: {  	s3 =	rddreg [dreg:$0x2];
	[bflag:$0x3] =	sbarrier.arrive $0xFFFF;
	s2 =	simm.s32 @!p0 $0x1C02  }
0x1c7: {  	[timem:s3], [sflag:s2] =	dma.local @!p0 [hbm:s0], s1  }
0x1c8: {  	s0 =	simm.s32 @!p0 $0x2  }
0x1c9: {  	_ =	swait.ge @!p0 [sflag:s0], s1  }
0x1ca: {  	s1 =	ssub.s32 @!p0 $0x0, s1;
	[sflag:s0] =	ssyncset.done @!p0 $0x0  }
0x1cb: {  	[sflag:s0] =	ssyncadd.s32 @!p0 s1  }
0x1cc: {  	[bflag:$0x3] =	sbarrier.arrive $0xFFFF  }
0x1cd: {  	_ =	shalt  }

</sc_bundles>
